<compile_context>
chip_gen: v7x
topology: tpu7x:2x2x1
jax: 0.10.2.dev20260603
libtpu: 0.0.44.dev20260713+nightly
codegen_flags: <defaults>
</compile_context>

<pallas_src>
import functools

import jax
import jax.numpy as jnp
from jax import lax
from jax.experimental import pallas as pl
from jax.experimental.pallas import tpu as pltpu
from jax.experimental.pallas import tpu_sc as plsc

S = 2048
D = 768
H = 1024
E = 8
GS = 45
NG = 46
KSPAN = 46 * 48
INV = 2 * 8 * KSPAN
T_TILE = 256



def _router_body(x_ref, gk_ref, gb_ref, mi_ref, mf_ref, x16_ref):
    x = x_ref[...]
    logits = lax.dot_general(x, gk_ref[...], (((1,), (0,)), ((), ())),
                             preferred_element_type=jnp.float32)
    logits = logits + gb_ref[...]
    m = jnp.max(logits, axis=1, keepdims=True)
    ex = jnp.exp(logits - m)
    probs = ex / jnp.sum(ex, axis=1, keepdims=True)

    ioe = lax.broadcasted_iota(jnp.int32, (S, E), 1)
    m1 = jnp.max(probs, axis=1, keepdims=True)
    i1 = jnp.min(jnp.where(probs == m1, ioe, E), axis=1, keepdims=True)
    p2 = jnp.where(ioe == i1, -1.0, probs)
    m2 = jnp.max(p2, axis=1, keepdims=True)
    i2 = jnp.min(jnp.where(p2 == m2, ioe, E), axis=1, keepdims=True)

    io16 = lax.broadcasted_iota(jnp.int32, (S, 16), 1)
    M = ((io16 == i1) | (io16 == (i2 + 8))).astype(jnp.float32)

    ig_t = lax.broadcasted_iota(jnp.int32, (S, 48), 0)
    ig_g = lax.broadcasted_iota(jnp.int32, (S, 48), 1)
    G = ((ig_t >= GS * ig_g) & (ig_t < GS * ig_g + GS)).astype(jnp.float32)
    gidx = lax.broadcasted_iota(jnp.int32, (S, 48), 1).astype(jnp.float32)
    g_val = jnp.sum(G * gidx, axis=1, keepdims=True)
    g_start = g_val * GS

    tri_r = lax.broadcasted_iota(jnp.int32, (T_TILE, T_TILE), 0)
    tri_c = lax.broadcasted_iota(jnp.int32, (T_TILE, T_TILE), 1)
    parts = []
    for i in range(S // T_TILE):
        gs_i = g_start[i * T_TILE:(i + 1) * T_TILE, :]
        acc = jnp.zeros((T_TILE, 16), jnp.float32)
        for j in (i - 1, i):
            if j < 0:
                continue
            tp = (tri_c + j * T_TILE).astype(jnp.float32)
            t_abs = tri_r + i * T_TILE
            Lg = ((tri_c + j * T_TILE <= t_abs) & (tp >= gs_i)
                  ).astype(jnp.float32)
            Mj = M[j * T_TILE:(j + 1) * T_TILE, :]
            acc = acc + lax.dot_general(
                Lg, Mj, (((1,), (0,)), ((), ())),
                preferred_element_type=jnp.float32)
        parts.append(acc)
    posall = jnp.concatenate(parts, axis=0)
    pos1 = jnp.sum(M[:, :E] * posall[:, :E], axis=1, keepdims=True)
    pos2 = jnp.sum(M[:, E:] * posall[:, E:], axis=1, keepdims=True)

    e1f = i1.astype(jnp.float32)
    e2f = i2.astype(jnp.float32)
    s1 = e1f * KSPAN + g_val * 48 + pos1
    s2 = (8 * KSPAN) + e2f * KSPAN + g_val * 48 + pos2
    l1 = s1 + 8 * KSPAN
    l2 = s2 - 8 * KSPAN

    oh = lambda j: (lax.broadcasted_iota(jnp.int32, (S, E), 1) == j
                    ).astype(jnp.float32)
    mi = s1 * oh(0) + s2 * oh(1) + l1 * oh(2) + l2 * oh(3)
    mi_ref[...] = mi.astype(jnp.int32)
    mf_ref[...] = m1 * oh(0) + m2 * oh(1) + e1f * oh(2) + e2f * oh(3)
    x16_ref[...] = jnp.concatenate(
        [x.astype(jnp.bfloat16), jnp.zeros((8, D), jnp.bfloat16)], axis=0)


def _stage_a(x_flat, gate_kernel, gate_bias):
    return pl.pallas_call(
        _router_body,
        out_shape=[jax.ShapeDtypeStruct((S, E), jnp.int32),
                   jax.ShapeDtypeStruct((S, E), jnp.float32),
                   jax.ShapeDtypeStruct((S + 8, D), jnp.bfloat16)],
    )(x_flat, gate_kernel, gate_bias)



def _sc_body(s1_hbm, s2_hbm, l1_hbm, l2_hbm, xpad_hbm, xp1_hbm, xp2_hbm,
             zero_v, idx1_v, idx2_v, val_v, lidx1_v, lidx2_v, pval1_v,
             pval2_v, pidx1_v, pidx2_v, rows1_v, rows2_v, inv_sh,
             semA, semB, semC, semD):
    cid = lax.axis_index("c")
    sid = lax.axis_index("s")
    wid = sid * 2 + cid
    base = wid * 64

    c_s1 = pltpu.async_copy(s1_hbm.at[pl.ds(sid * 128, 128)], idx1_v, semA)
    c_s2 = pltpu.async_copy(s2_hbm.at[pl.ds(sid * 128, 128)], idx2_v, semB)
    c_l1 = pltpu.async_copy(l1_hbm.at[pl.ds(base, 64)], lidx1_v, semC)
    c_l2 = pltpu.async_copy(l2_hbm.at[pl.ds(base, 64)], lidx2_v, semD)

    zchunk = INV // 16
    for j in range(zchunk // 16):
        zero_v[pl.ds(j * 16, 16)] = jnp.zeros((16,), jnp.float32)
    for j in range(8):
        tno = sid * 128 + j * 16 + 1
        val_v[pl.ds(j * 16, 16)] = (
            lax.broadcasted_iota(jnp.int32, (16,), 0) + tno
        ).astype(jnp.float32)
    pltpu.sync_copy(zero_v, inv_sh.at[pl.ds(sid * zchunk, zchunk)])
    plsc.subcore_barrier()

    c_s1.wait()
    pltpu.sync_copy(val_v, inv_sh.at[idx1_v], add=True)
    c_s2.wait()
    pltpu.sync_copy(val_v, inv_sh.at[idx2_v], add=True)
    plsc.subcore_barrier()

    c_l1.wait()
    c_l2.wait()
    pltpu.sync_copy(inv_sh.at[lidx1_v], pval1_v)
    pltpu.sync_copy(inv_sh.at[lidx2_v], pval2_v)
    for pv, pi in ((pval1_v, pidx1_v), (pval2_v, pidx2_v)):
        for j in range(4):
            v = pv[pl.ds(j * 16, 16)]
            p = jnp.where(v == 0.0, jnp.float32(S), v - 1.0)
            pi[pl.ds(j * 16, 16)] = p.astype(jnp.int32)
    c_r1 = pltpu.async_copy(xpad_hbm.at[pidx1_v], rows1_v, semA)
    c_r2 = pltpu.async_copy(xpad_hbm.at[pidx2_v], rows2_v, semB)
    c_r1.wait()
    pltpu.sync_copy(rows1_v, xp1_hbm.at[pl.ds(base, 64)])
    c_r2.wait()
    pltpu.sync_copy(rows2_v, xp2_hbm.at[pl.ds(base, 64)])


@functools.lru_cache(maxsize=1)
def _make_sc_kernel():
    mesh = plsc.VectorSubcoreMesh(core_axis_name="c", subcore_axis_name="s")

    @functools.partial(
        pl.kernel,
        out_type=[jax.ShapeDtypeStruct((S, D), jnp.float32),
                  jax.ShapeDtypeStruct((S, D), jnp.float32)],
        mesh=mesh,
        scratch_types=[
            pltpu.VMEM((INV // 16,), jnp.float32),
            pltpu.VMEM((128,), jnp.int32),
            pltpu.VMEM((128,), jnp.int32),
            pltpu.VMEM((128,), jnp.float32),
            pltpu.VMEM((64,), jnp.int32),
            pltpu.VMEM((64,), jnp.int32),
            pltpu.VMEM((64,), jnp.float32),
            pltpu.VMEM((64,), jnp.float32),
            pltpu.VMEM((64,), jnp.int32),
            pltpu.VMEM((64,), jnp.int32),
            pltpu.VMEM((64, D), jnp.float32),
            pltpu.VMEM((64, D), jnp.float32),
            pltpu.VMEM_SHARED((INV,), jnp.float32),
            pltpu.SemaphoreType.DMA,
            pltpu.SemaphoreType.DMA,
            pltpu.SemaphoreType.DMA,
            pltpu.SemaphoreType.DMA,
        ],
    )
    def sc_partner_gather(s1, s2, l1, l2, xpad, xp1, xp2, *scratch):
        _sc_body(s1, s2, l1, l2, xpad, xp1, xp2, *scratch)

    return sc_partner_gather


def _sc_partner_gather(s1, s2, l1, l2, xpad):
    return _make_sc_kernel()(s1, s2, l1, l2, xpad)




def _shared_body(x_ref, sk_ref, sv_ref, sh_ref, k16_scr, v16_scr):
    k16_scr[...] = sk_ref[0].astype(jnp.bfloat16)
    v16_scr[...] = sv_ref[0].astype(jnp.bfloat16)
    h = lax.dot_general(x_ref[0:S, :], k16_scr[...],
                        (((1,), (1,)), ((), ())),
                        preferred_element_type=jnp.float32)
    h = jax.nn.gelu(h)
    sh_ref[...] = lax.dot_general(
        h.astype(jnp.bfloat16), v16_scr[...], (((1,), (1,)), ((), ())),
        preferred_element_type=jnp.float32).astype(jnp.bfloat16)


def _stage_shared(xpad16, shared_keys, shared_values):
    return pl.pallas_call(
        _shared_body,
        out_shape=jax.ShapeDtypeStruct((S, D), jnp.bfloat16),
        scratch_shapes=[pltpu.VMEM((H, D), jnp.bfloat16),
                        pltpu.VMEM((D, H), jnp.bfloat16)],
    )(xpad16, shared_keys, shared_values)


def _ffn_body(x_ref, xp1_ref, xp2_ref, mf_ref, sh_ref, fk_ref,
              fv_ref, out_ref, k16_scr, v16_scr):
    e = pl.program_id(0)
    x = x_ref[0:S, :]

    k16_scr[...] = fk_ref[0].astype(jnp.bfloat16)
    v16_scr[...] = fv_ref[0].astype(jnp.bfloat16)

    jf = e.astype(jnp.float32)
    m1 = mf_ref[:, 2:3] == jf
    m2 = mf_ref[:, 3:4] == jf
    zero16 = jnp.bfloat16(0)
    arg = (x + jnp.where(m1, xp1_ref[...], zero16)
           + jnp.where(m2, xp2_ref[...], zero16))
    h = lax.dot_general(arg, k16_scr[...],
                        (((1,), (1,)), ((), ())),
                        preferred_element_type=jnp.float32)
    h = jax.nn.gelu(h)
    y = lax.dot_general(h.astype(jnp.bfloat16), v16_scr[...],
                        (((1,), (1,)), ((), ())),
                        preferred_element_type=jnp.float32)
    w = (jnp.where(m1, mf_ref[:, 0:1], 0.0)
         + jnp.where(m2, mf_ref[:, 1:2], 0.0))

    @pl.when(e == 0)
    def _init():
        out_ref[...] = sh_ref[...].astype(jnp.float32) + y * w

    @pl.when(e > 0)
    def _acc():
        out_ref[...] += y * w


def _stage_c(xpad16, xp1, xp2, mf, sh16, ff_keys, ff_values):
    return pl.pallas_call(
        _ffn_body,
        grid=(E,),
        in_specs=[
            pl.BlockSpec((S + 8, D), lambda e: (0, 0)),
            pl.BlockSpec((S, D), lambda e: (0, 0)),
            pl.BlockSpec((S, D), lambda e: (0, 0)),
            pl.BlockSpec((S, E), lambda e: (0, 0)),
            pl.BlockSpec((S, D), lambda e: (0, 0)),
            pl.BlockSpec((1, H, D), lambda e: (e, 0, 0)),
            pl.BlockSpec((1, D, H), lambda e: (e, 0, 0)),
        ],
        out_specs=pl.BlockSpec((S, D), lambda e: (0, 0)),
        out_shape=jax.ShapeDtypeStruct((S, D), jnp.float32),
        scratch_shapes=[pltpu.VMEM((H, D), jnp.bfloat16),
                        pltpu.VMEM((D, H), jnp.bfloat16)],
        name="moe_ffn",
        compiler_params=pltpu.CompilerParams(
            dimension_semantics=("arbitrary",)),
    )(xpad16, xp1, xp2, mf, sh16, ff_keys, ff_values)




def kernel(x, gate_kernel, gate_bias, ff_keys, ff_values, shared_keys,
           shared_values):
    B, Sx, Dx = x.shape
    x_flat = x.reshape(S, D)

    mi, mf, xpad16 = _stage_a(x_flat, gate_kernel, gate_bias)
    s1 = mi[:, 0]
    s2 = mi[:, 1]
    l1 = mi[:, 2]
    l2 = mi[:, 3]

    x_pad = jnp.concatenate(
        [x_flat, jnp.zeros((8, D), jnp.float32)], axis=0)
    xp1_32, xp2_32 = _sc_partner_gather(s1, s2, l1, l2, x_pad)
    sh16 = _stage_shared(xpad16, shared_keys, shared_values)
    xp1 = xp1_32.astype(jnp.bfloat16)
    xp2 = xp2_32.astype(jnp.bfloat16)

    out = _stage_c(xpad16, xp1, xp2, mf, sh16, ff_keys, ff_values)
    return out.reshape(B, Sx, Dx)

# --- scband reference (transcript-rebuilt; emitter-appended) ---
"""Pipeline reference for scband-experts-feed-forward-52561809768547 (READ-ONLY COPY).

The authoritative reference and input builder live on the scoring server;
editing this copy changes nothing except your own understanding.
"""

import jax, jax.numpy as jnp
import numpy as np

D_MODEL = 768
HIDDEN = 1024
NUM_EXPERTS = 8
TOP_K = 2
NUM_SHARED = 1
CAP_FACTOR = 2.0
MIN_CAP = 8
MAX_GROUP = 4096
BATCH = 1
SEQ = 2048


def _compute_group_size(batch_size, seq_len, num_experts):
    num_tokens = int(batch_size * seq_len)
    sqrt_tokens = int(float(num_tokens) ** 0.5)
    target_group_size = min(MAX_GROUP, max(32, sqrt_tokens))
    num_groups = (num_tokens + target_group_size - 1) // target_group_size
    group_size = target_group_size
    total_tokens = num_groups * group_size
    tokens_per_expert = total_tokens / max(1, num_experts)
    capacity_from_factor = int(CAP_FACTOR * tokens_per_expert)
    min_capacity = max(max(MIN_CAP, group_size), int(total_tokens * 0.001))
    max_capacity = min(group_size * 32, int(total_tokens * 0.1))
    expert_capacity = min(max_capacity, max(capacity_from_factor, min_capacity))
    return group_size, num_groups, expert_capacity


def _ff(x4, keys, values):
    # FeedForward: einsum('bsed,ehd->bseh') -> gelu -> einsum('bseh,edh->bsed')
    h = jnp.einsum('bsed,ehd->bseh', x4, keys)
    h = jax.nn.gelu(h)
    return jnp.einsum('bseh,edh->bsed', h, values)


def setup_inputs(seed: int = 0):
    key = jax.random.key(seed)
    ks = jax.random.split(key, 7)
    x = jax.random.normal(ks[0], (BATCH, SEQ, D_MODEL), dtype=jnp.float32)
    gate_kernel = jax.random.normal(ks[1], (D_MODEL, NUM_EXPERTS), dtype=jnp.float32) * 0.02
    gate_bias = jnp.zeros((NUM_EXPERTS,), dtype=jnp.float32)
    ff_keys = jax.random.normal(ks[2], (NUM_EXPERTS, HIDDEN, D_MODEL), dtype=jnp.float32) * 0.02
    ff_values = jax.random.normal(ks[3], (NUM_EXPERTS, D_MODEL, HIDDEN), dtype=jnp.float32) * 0.02
    shared_keys = jax.random.normal(ks[4], (NUM_SHARED, HIDDEN, D_MODEL), dtype=jnp.float32) * 0.02
    shared_values = jax.random.normal(ks[5], (NUM_SHARED, D_MODEL, HIDDEN), dtype=jnp.float32) * 0.02
    return {'x': x, 'gate_kernel': gate_kernel, 'gate_bias': gate_bias,
            'ff_keys': ff_keys, 'ff_values': ff_values,
            'shared_keys': shared_keys, 'shared_values': shared_values}


def reference(x, gate_kernel, gate_bias, ff_keys, ff_values, shared_keys, shared_values):
    B, S, D = x.shape
    # shared experts: applied densely to all tokens, averaged over shared experts
    shared_out = jnp.mean(_ff(x[:, :, None, :], shared_keys, shared_values), axis=2)
    # group inputs
    group_size, num_groups, expert_capacity = _compute_group_size(B, S, NUM_EXPERTS)
    total_size = num_groups * group_size
    original_size = B * S
    x_flat = x.reshape(-1, D)
    x_padded = jnp.pad(x_flat, ((0, total_size - original_size), (0, 0)))
    xg = x_padded.reshape(num_groups, group_size, D)
    # Router
    gating_logits = jnp.einsum('gsd,de->gse', xg, gate_kernel) + gate_bias
    gating_probs = jax.nn.softmax(gating_logits)
    expert_gate, expert_index = jax.lax.top_k(gating_probs, TOP_K)
    expert_mask = jax.nn.one_hot(expert_index, NUM_EXPERTS)  # [G,S,K,E]
    position_in_expert = jnp.cumsum(expert_mask, axis=1) * expert_mask
    valid_assignment = jnp.less(position_in_expert, expert_capacity)
    expert_gate_valid = expert_gate[..., None] * valid_assignment.astype(expert_gate.dtype)
    combine_per = expert_gate_valid[..., None] * jax.nn.one_hot(position_in_expert, expert_capacity)
    combine_tensor = jnp.sum(combine_per, axis=2)[..., 1:]  # [G,S,E,C-1]
    dispatch_mask = combine_tensor.astype(bool)
    # dispatch tokens to expert slots: [G, C-1, E, D]
    expert_inputs = jnp.einsum('gsec,gsd->gced', dispatch_mask.astype(x.dtype), xg)
    # expert feed-forward (all num_experts are FF experts here)
    expert_outputs = _ff(expert_inputs, ff_keys, ff_values)
    # combine back: [G, S, D]
    og = jnp.einsum('gsec,gced->gsd', combine_tensor, expert_outputs)
    out = og.reshape(-1, D)[:original_size].reshape(B, S, D)
    return out + shared_out

if __name__ == "__main__":
    import jax
    _d = setup_inputs()
    print(jax.jit(kernel)(*tuple(_d.values())))

</pallas_src>

<mosaic_0001>
#map = affine_map<(d0, d1) -> (0)>
#map1 = affine_map<(d0, d1) -> (0, 0)>
module attributes {stable_mosaic.version = 14 : i64} {
  func.func @sc_partner_gather(%arg0: i32, %arg1: i32, %arg2: memref<2048xi32, #tpu.memory_space<hbm>>, %arg3: memref<2048xi32, #tpu.memory_space<hbm>>, %arg4: memref<2048xi32, #tpu.memory_space<hbm>>, %arg5: memref<2048xi32, #tpu.memory_space<hbm>>, %arg6: memref<2056x768xf32, #tpu.memory_space<hbm>>, %arg7: memref<2048x768xf32, #tpu.memory_space<hbm>>, %arg8: memref<2048x768xf32, #tpu.memory_space<hbm>>, %arg9: memref<2208xf32, #tpu.memory_space<vmem>>, %arg10: memref<128xi32, #tpu.memory_space<vmem>>, %arg11: memref<128xi32, #tpu.memory_space<vmem>>, %arg12: memref<128xf32, #tpu.memory_space<vmem>>, %arg13: memref<64xi32, #tpu.memory_space<vmem>>, %arg14: memref<64xi32, #tpu.memory_space<vmem>>, %arg15: memref<64xf32, #tpu.memory_space<vmem>>, %arg16: memref<64xf32, #tpu.memory_space<vmem>>, %arg17: memref<64xi32, #tpu.memory_space<vmem>>, %arg18: memref<64xi32, #tpu.memory_space<vmem>>, %arg19: memref<64x768xf32, #tpu.memory_space<vmem>>, %arg20: memref<64x768xf32, #tpu.memory_space<vmem>>, %arg21: memref<35328xf32, #tpu.memory_space<vmem_shared>>, %arg22: memref<!tpu.dma_semaphore, #tpu.memory_space<semaphore_mem>>, %arg23: memref<!tpu.dma_semaphore, #tpu.memory_space<semaphore_mem>>, %arg24: memref<!tpu.dma_semaphore, #tpu.memory_space<semaphore_mem>>, %arg25: memref<!tpu.dma_semaphore, #tpu.memory_space<semaphore_mem>>) attributes {dimension_semantics = [#tpu.dimension_semantics<core_parallel>, #tpu.dimension_semantics<subcore_parallel>], iteration_bounds = array<i64: 2, 16>, scalar_prefetch = 0 : i64, scratch_operands = 17 : i64, tpu.core_type = #tpu.core_type<sc_vector_subcore>, window_params = [{transform_indices = #map}, {transform_indices = #map}, {transform_indices = #map}, {transform_indices = #map}, {transform_indices = #map1}, {transform_indices = #map1}, {transform_indices = #map1}]} {
    %mul3A = arith.constant 2 : i32
    %mul3A_0 = arith.muli %arg1, %mul3A : i32
    %add3A = arith.addi %mul3A_0, %arg0 : i32
    %mul3A_1 = arith.constant 64 : i32
    %mul3A_2 = arith.muli %add3A, %mul3A_1 : i32
    %mul3A_3 = arith.constant 128 : i32
    %mul3A_4 = arith.muli %arg1, %mul3A_3 : i32
    %dma_start3A = tpu.memref_slice %arg2[%mul3A_4] : memref<2048xi32, #tpu.memory_space<hbm>> -> memref<128xi32, #tpu.memory_space<hbm>>
    %dma_start3A_5 = tpu.memref_slice %arg2[%mul3A_4] : memref<2048xi32, #tpu.memory_space<hbm>> -> memref<128xi32, #tpu.memory_space<hbm>>
    tpu.enqueue_dma source(%dma_start3A_5 : memref<128xi32, #tpu.memory_space<hbm>>) target(%arg10 : memref<128xi32, #tpu.memory_space<vmem>>) target_semaphore(%arg22 : memref<!tpu.dma_semaphore, #tpu.memory_space<semaphore_mem>>)
    %mul3A_6 = arith.constant 128 : i32
    %mul3A_7 = arith.muli %arg1, %mul3A_6 : i32
    %dma_start3A_8 = tpu.memref_slice %arg3[%mul3A_7] : memref<2048xi32, #tpu.memory_space<hbm>> -> memref<128xi32, #tpu.memory_space<hbm>>
    %dma_start3A_9 = tpu.memref_slice %arg3[%mul3A_7] : memref<2048xi32, #tpu.memory_space<hbm>> -> memref<128xi32, #tpu.memory_space<hbm>>
    tpu.enqueue_dma source(%dma_start3A_9 : memref<128xi32, #tpu.memory_space<hbm>>) target(%arg11 : memref<128xi32, #tpu.memory_space<vmem>>) target_semaphore(%arg23 : memref<!tpu.dma_semaphore, #tpu.memory_space<semaphore_mem>>)
    %dma_start3A_10 = tpu.memref_slice %arg4[%mul3A_2] : memref<2048xi32, #tpu.memory_space<hbm>> -> memref<64xi32, #tpu.memory_space<hbm>>
    %dma_start3A_11 = tpu.memref_slice %arg4[%mul3A_2] : memref<2048xi32, #tpu.memory_space<hbm>> -> memref<64xi32, #tpu.memory_space<hbm>>
    tpu.enqueue_dma source(%dma_start3A_11 : memref<64xi32, #tpu.memory_space<hbm>>) target(%arg13 : memref<64xi32, #tpu.memory_space<vmem>>) target_semaphore(%arg24 : memref<!tpu.dma_semaphore, #tpu.memory_space<semaphore_mem>>)
    %dma_start3A_12 = tpu.memref_slice %arg5[%mul3A_2] : memref<2048xi32, #tpu.memory_space<hbm>> -> memref<64xi32, #tpu.memory_space<hbm>>
    %dma_start3A_13 = tpu.memref_slice %arg5[%mul3A_2] : memref<2048xi32, #tpu.memory_space<hbm>> -> memref<64xi32, #tpu.memory_space<hbm>>
    tpu.enqueue_dma source(%dma_start3A_13 : memref<64xi32, #tpu.memory_space<hbm>>) target(%arg14 : memref<64xi32, #tpu.memory_space<vmem>>) target_semaphore(%arg25 : memref<!tpu.dma_semaphore, #tpu.memory_space<semaphore_mem>>)
    %broadcast_in_dim3A = arith.constant 0.000000e+00 : f32
    %broadcast_in_dim3A_14 = vector.broadcast %broadcast_in_dim3A : f32 to vector<16xf32>
    %swap3A = arith.constant 0 : index
    %swap3A_15 = tpu.vector_load %arg9[%swap3A] {strides = array<i32>} : memref<2208xf32, #tpu.memory_space<vmem>>, vector<16xf32>,
    %swap3A_16 = vector.shape_cast %swap3A_15 : vector<16xf32> to vector<16xf32>
    %swap3A_17 = vector.shape_cast %broadcast_in_dim3A_14 : vector<16xf32> to vector<16xf32>
    tpu.vector_store %arg9[%swap3A], %swap3A_17 {strides = array<i32>} : memref<2208xf32, #tpu.memory_space<vmem>>, vector<16xf32>,
    %broadcast_in_dim3A_18 = arith.constant 0.000000e+00 : f32
    %broadcast_in_dim3A_19 = vector.broadcast %broadcast_in_dim3A_18 : f32 to vector<16xf32>
    %swap3A_20 = arith.constant 16 : index
    %swap3A_21 = tpu.vector_load %arg9[%swap3A_20] {strides = array<i32>} : memref<2208xf32, #tpu.memory_space<vmem>>, vector<16xf32>,
    %swap3A_22 = vector.shape_cast %swap3A_21 : vector<16xf32> to vector<16xf32>
    %swap3A_23 = vector.shape_cast %broadcast_in_dim3A_19 : vector<16xf32> to vector<16xf32>
    tpu.vector_store %arg9[%swap3A_20], %swap3A_23 {strides = array<i32>} : memref<2208xf32, #tpu.memory_space<vmem>>, vector<16xf32>,
    %broadcast_in_dim3A_24 = arith.constant 0.000000e+00 : f32
    %broadcast_in_dim3A_25 = vector.broadcast %broadcast_in_dim3A_24 : f32 to vector<16xf32>
    %swap3A_26 = arith.constant 32 : index
    %swap3A_27 = tpu.vector_load %arg9[%swap3A_26] {strides = array<i32>} : memref<2208xf32, #tpu.memory_space<vmem>>, vector<16xf32>,
    %swap3A_28 = vector.shape_cast %swap3A_27 : vector<16xf32> to vector<16xf32>
    %swap3A_29 = vector.shape_cast %broadcast_in_dim3A_25 : vector<16xf32> to vector<16xf32>
    tpu.vector_store %arg9[%swap3A_26], %swap3A_29 {strides = array<i32>} : memref<2208xf32, #tpu.memory_space<vmem>>, vector<16xf32>,
    %broadcast_in_dim3A_30 = arith.constant 0.000000e+00 : f32
    %broadcast_in_dim3A_31 = vector.broadcast %broadcast_in_dim3A_30 : f32 to vector<16xf32>
    %swap3A_32 = arith.constant 48 : index
    %swap3A_33 = tpu.vector_load %arg9[%swap3A_32] {strides = array<i32>} : memref<2208xf32, #tpu.memory_space<vmem>>, vector<16xf32>,
    %swap3A_34 = vector.shape_cast %swap3A_33 : vector<16xf32> to vector<16xf32>
    %swap3A_35 = vector.shape_cast %broadcast_in_dim3A_31 : vector<16xf32> to vector<16xf32>
    tpu.vector_store %arg9[%swap3A_32], %swap3A_35 {strides = array<i32>} : memref<2208xf32, #tpu.memory_space<vmem>>, vector<16xf32>,
    %broadcast_in_dim3A_36 = arith.constant 0.000000e+00 : f32
    %broadcast_in_dim3A_37 = vector.broadcast %broadcast_in_dim3A_36 : f32 to vector<16xf32>
    %swap3A_38 = arith.constant 64 : index
    %swap3A_39 = tpu.vector_load %arg9[%swap3A_38] {strides = array<i32>} : memref<2208xf32, #tpu.memory_space<vmem>>, vector<16xf32>,
    %swap3A_40 = vector.shape_cast %swap3A_39 : vector<16xf32> to vector<16xf32>
    %swap3A_41 = vector.shape_cast %broadcast_in_dim3A_37 : vector<16xf32> to vector<16xf32>
    tpu.vector_store %arg9[%swap3A_38], %swap3A_41 {strides = array<i32>} : memref<2208xf32, #tpu.memory_space<vmem>>, vector<16xf32>,
    %broadcast_in_dim3A_42 = arith.constant 0.000000e+00 : f32
    %broadcast_in_dim3A_43 = vector.broadcast %broadcast_in_dim3A_42 : f32 to vector<16xf32>
    %swap3A_44 = arith.constant 80 : index
    %swap3A_45 = tpu.vector_load %arg9[%swap3A_44] {strides = array<i32>} : memref<2208xf32, #tpu.memory_space<vmem>>, vector<16xf32>,
    %swap3A_46 = vector.shape_cast %swap3A_45 : vector<16xf32> to vector<16xf32>
    %swap3A_47 = vector.shape_cast %broadcast_in_dim3A_43 : vector<16xf32> to vector<16xf32>
    tpu.vector_store %arg9[%swap3A_44], %swap3A_47 {strides = array<i32>} : memref<2208xf32, #tpu.memory_space<vmem>>, vector<16xf32>,
    %broadcast_in_dim3A_48 = arith.constant 0.000000e+00 : f32
    %broadcast_in_dim3A_49 = vector.broadcast %broadcast_in_dim3A_48 : f32 to vector<16xf32>
    %swap3A_50 = arith.constant 96 : index
    %swap3A_51 = tpu.vector_load %arg9[%swap3A_50] {strides = array<i32>} : memref<2208xf32, #tpu.memory_space<vmem>>, vector<16xf32>,
    %swap3A_52 = vector.shape_cast %swap3A_51 : vector<16xf32> to vector<16xf32>
    %swap3A_53 = vector.shape_cast %broadcast_in_dim3A_49 : vector<16xf32> to vector<16xf32>
    tpu.vector_store %arg9[%swap3A_50], %swap3A_53 {strides = array<i32>} : memref<2208xf32, #tpu.memory_space<vmem>>, vector<16xf32>,
    %broadcast_in_dim3A_54 = arith.constant 0.000000e+00 : f32
    %broadcast_in_dim3A_55 = vector.broadcast %broadcast_in_dim3A_54 : f32 to vector<16xf32>
    %swap3A_56 = arith.constant 112 : index
    %swap3A_57 = tpu.vector_load %arg9[%swap3A_56] {strides = array<i32>} : memref<2208xf32, #tpu.memory_space<vmem>>, vector<16xf32>,
    %swap3A_58 = vector.shape_cast %swap3A_57 : vector<16xf32> to vector<16xf32>
    %swap3A_59 = vector.shape_cast %broadcast_in_dim3A_55 : vector<16xf32> to vector<16xf32>
    tpu.vector_store %arg9[%swap3A_56], %swap3A_59 {strides = array<i32>} : memref<2208xf32, #tpu.memory_space<vmem>>, vector<16xf32>,
    %broadcast_in_dim3A_60 = arith.constant 0.000000e+00 : f32
    %broadcast_in_dim3A_61 = vector.broadcast %broadcast_in_dim3A_60 : f32 to vector<16xf32>
    %swap3A_62 = arith.constant 128 : index
    %swap3A_63 = tpu.vector_load %arg9[%swap3A_62] {strides = array<i32>} : memref<2208xf32, #tpu.memory_space<vmem>>, vector<16xf32>,
    %swap3A_64 = vector.shape_cast %swap3A_63 : vector<16xf32> to vector<16xf32>
    %swap3A_65 = vector.shape_cast %broadcast_in_dim3A_61 : vector<16xf32> to vector<16xf32>
    tpu.vector_store %arg9[%swap3A_62], %swap3A_65 {strides = array<i32>} : memref<2208xf32, #tpu.memory_space<vmem>>, vector<16xf32>,
    %broadcast_in_dim3A_66 = arith.constant 0.000000e+00 : f32
    %broadcast_in_dim3A_67 = vector.broadcast %broadcast_in_dim3A_66 : f32 to vector<16xf32>
    %swap3A_68 = arith.constant 144 : index
    %swap3A_69 = tpu.vector_load %arg9[%swap3A_68] {strides = array<i32>} : memref<2208xf32, #tpu.memory_space<vmem>>, vector<16xf32>,
    %swap3A_70 = vector.shape_cast %swap3A_69 : vector<16xf32> to vector<16xf32>
    %swap3A_71 = vector.shape_cast %broadcast_in_dim3A_67 : vector<16xf32> to vector<16xf32>
    tpu.vector_store %arg9[%swap3A_68], %swap3A_71 {strides = array<i32>} : memref<2208xf32, #tpu.memory_space<vmem>>, vector<16xf32>,
    %broadcast_in_dim3A_72 = arith.constant 0.000000e+00 : f32
    %broadcast_in_dim3A_73 = vector.broadcast %broadcast_in_dim3A_72 : f32 to vector<16xf32>
    %swap3A_74 = arith.constant 160 : index
    %swap3A_75 = tpu.vector_load %arg9[%swap3A_74] {strides = array<i32>} : memref<2208xf32, #tpu.memory_space<vmem>>, vector<16xf32>,
    %swap3A_76 = vector.shape_cast %swap3A_75 : vector<16xf32> to vector<16xf32>
    %swap3A_77 = vector.shape_cast %broadcast_in_dim3A_73 : vector<16xf32> to vector<16xf32>
    tpu.vector_store %arg9[%swap3A_74], %swap3A_77 {strides = array<i32>} : memref<2208xf32, #tpu.memory_space<vmem>>, vector<16xf32>,
    %broadcast_in_dim3A_78 = arith.constant 0.000000e+00 : f32
    %broadcast_in_dim3A_79 = vector.broadcast %broadcast_in_dim3A_78 : f32 to vector<16xf32>
    %swap3A_80 = arith.constant 176 : index
    %swap3A_81 = tpu.vector_load %arg9[%swap3A_80] {strides = array<i32>} : memref<2208xf32, #tpu.memory_space<vmem>>, vector<16xf32>,
    %swap3A_82 = vector.shape_cast %swap3A_81 : vector<16xf32> to vector<16xf32>
    %swap3A_83 = vector.shape_cast %broadcast_in_dim3A_79 : vector<16xf32> to vector<16xf32>
    tpu.vector_store %arg9[%swap3A_80], %swap3A_83 {strides = array<i32>} : memref<2208xf32, #tpu.memory_space<vmem>>, vector<16xf32>,
    %broadcast_in_dim3A_84 = arith.constant 0.000000e+00 : f32
    %broadcast_in_dim3A_85 = vector.broadcast %broadcast_in_dim3A_84 : f32 to vector<16xf32>
    %swap3A_86 = arith.constant 192 : index
    %swap3A_87 = tpu.vector_load %arg9[%swap3A_86] {strides = array<i32>} : memref<2208xf32, #tpu.memory_space<vmem>>, vector<16xf32>,
    %swap3A_88 = vector.shape_cast %swap3A_87 : vector<16xf32> to vector<16xf32>
    %swap3A_89 = vector.shape_cast %broadcast_in_dim3A_85 : vector<16xf32> to vector<16xf32>
    tpu.vector_store %arg9[%swap3A_86], %swap3A_89 {strides = array<i32>} : memref<2208xf32, #tpu.memory_space<vmem>>, vector<16xf32>,
    %broadcast_in_dim3A_90 = arith.constant 0.000000e+00 : f32
    %broadcast_in_dim3A_91 = vector.broadcast %broadcast_in_dim3A_90 : f32 to vector<16xf32>
    %swap3A_92 = arith.constant 208 : index
    %swap3A_93 = tpu.vector_load %arg9[%swap3A_92] {strides = array<i32>} : memref<2208xf32, #tpu.memory_space<vmem>>, vector<16xf32>,
    %swap3A_94 = vector.shape_cast %swap3A_93 : vector<16xf32> to vector<16xf32>
    %swap3A_95 = vector.shape_cast %broadcast_in_dim3A_91 : vector<16xf32> to vector<16xf32>
    tpu.vector_store %arg9[%swap3A_92], %swap3A_95 {strides = array<i32>} : memref<2208xf32, #tpu.memory_space<vmem>>, vector<16xf32>,
    %broadcast_in_dim3A_96 = arith.constant 0.000000e+00 : f32
    %broadcast_in_dim3A_97 = vector.broadcast %broadcast_in_dim3A_96 : f32 to vector<16xf32>
    %swap3A_98 = arith.constant 224 : index
    %swap3A_99 = tpu.vector_load %arg9[%swap3A_98] {strides = array<i32>} : memref<2208xf32, #tpu.memory_space<vmem>>, vector<16xf32>,
    %swap3A_100 = vector.shape_cast %swap3A_99 : vector<16xf32> to vector<16xf32>
    %swap3A_101 = vector.shape_cast %broadcast_in_dim3A_97 : vector<16xf32> to vector<16xf32>
    tpu.vector_store %arg9[%swap3A_98], %swap3A_101 {strides = array<i32>} : memref<2208xf32, #tpu.memory_space<vmem>>, vector<16xf32>,
    %broadcast_in_dim3A_102 = arith.constant 0.000000e+00 : f32
    %broadcast_in_dim3A_103 = vector.broadcast %broadcast_in_dim3A_102 : f32 to vector<16xf32>
    %swap3A_104 = arith.constant 240 : index
    %swap3A_105 = tpu.vector_load %arg9[%swap3A_104] {strides = array<i32>} : memref<2208xf32, #tpu.memory_space<vmem>>, vector<16xf32>,
    %swap3A_106 = vector.shape_cast %swap3A_105 : vector<16xf32> to vector<16xf32>
    %swap3A_107 = vector.shape_cast %broadcast_in_dim3A_103 : vector<16xf32> to vector<16xf32>
    tpu.vector_store %arg9[%swap3A_104], %swap3A_107 {strides = array<i32>} : memref<2208xf32, #tpu.memory_space<vmem>>, vector<16xf32>,
    %broadcast_in_dim3A_108 = arith.constant 0.000000e+00 : f32
    %broadcast_in_dim3A_109 = vector.broadcast %broadcast_in_dim3A_108 : f32 to vector<16xf32>
    %swap3A_110 = arith.constant 256 : index
    %swap3A_111 = tpu.vector_load %arg9[%swap3A_110] {strides = array<i32>} : memref<2208xf32, #tpu.memory_space<vmem>>, vector<16xf32>,
    %swap3A_112 = vector.shape_cast %swap3A_111 : vector<16xf32> to vector<16xf32>
    %swap3A_113 = vector.shape_cast %broadcast_in_dim3A_109 : vector<16xf32> to vector<16xf32>
    tpu.vector_store %arg9[%swap3A_110], %swap3A_113 {strides = array<i32>} : memref<2208xf32, #tpu.memory_space<vmem>>, vector<16xf32>,
    %broadcast_in_dim3A_114 = arith.constant 0.000000e+00 : f32
    %broadcast_in_dim3A_115 = vector.broadcast %broadcast_in_dim3A_114 : f32 to vector<16xf32>
    %swap3A_116 = arith.constant 272 : index
    %swap3A_117 = tpu.vector_load %arg9[%swap3A_116] {strides = array<i32>} : memref<2208xf32, #tpu.memory_space<vmem>>, vector<16xf32>,
    %swap3A_118 = vector.shape_cast %swap3A_117 : vector<16xf32> to vector<16xf32>
    %swap3A_119 = vector.shape_cast %broadcast_in_dim3A_115 : vector<16xf32> to vector<16xf32>
    tpu.vector_store %arg9[%swap3A_116], %swap3A_119 {strides = array<i32>} : memref<2208xf32, #tpu.memory_space<vmem>>, vector<16xf32>,
    %broadcast_in_dim3A_120 = arith.constant 0.000000e+00 : f32
    %broadcast_in_dim3A_121 = vector.broadcast %broadcast_in_dim3A_120 : f32 to vector<16xf32>
    %swap3A_122 = arith.constant 288 : index
    %swap3A_123 = tpu.vector_load %arg9[%swap3A_122] {strides = array<i32>} : memref<2208xf32, #tpu.memory_space<vmem>>, vector<16xf32>,
    %swap3A_124 = vector.shape_cast %swap3A_123 : vector<16xf32> to vector<16xf32>
    %swap3A_125 = vector.shape_cast %broadcast_in_dim3A_121 : vector<16xf32> to vector<16xf32>
    tpu.vector_store %arg9[%swap3A_122], %swap3A_125 {strides = array<i32>} : memref<2208xf32, #tpu.memory_space<vmem>>, vector<16xf32>,
    %broadcast_in_dim3A_126 = arith.constant 0.000000e+00 : f32
    %broadcast_in_dim3A_127 = vector.broadcast %broadcast_in_dim3A_126 : f32 to vector<16xf32>
    %swap3A_128 = arith.constant 304 : index
    %swap3A_129 = tpu.vector_load %arg9[%swap3A_128] {strides = array<i32>} : memref<2208xf32, #tpu.memory_space<vmem>>, vector<16xf32>,
    %swap3A_130 = vector.shape_cast %swap3A_129 : vector<16xf32> to vector<16xf32>
    %swap3A_131 = vector.shape_cast %broadcast_in_dim3A_127 : vector<16xf32> to vector<16xf32>
    tpu.vector_store %arg9[%swap3A_128], %swap3A_131 {strides = array<i32>} : memref<2208xf32, #tpu.memory_space<vmem>>, vector<16xf32>,
    %broadcast_in_dim3A_132 = arith.constant 0.000000e+00 : f32
    %broadcast_in_dim3A_133 = vector.broadcast %broadcast_in_dim3A_132 : f32 to vector<16xf32>
    %swap3A_134 = arith.constant 320 : index
    %swap3A_135 = tpu.vector_load %arg9[%swap3A_134] {strides = array<i32>} : memref<2208xf32, #tpu.memory_space<vmem>>, vector<16xf32>,
    %swap3A_136 = vector.shape_cast %swap3A_135 : vector<16xf32> to vector<16xf32>
    %swap3A_137 = vector.shape_cast %broadcast_in_dim3A_133 : vector<16xf32> to vector<16xf32>
    tpu.vector_store %arg9[%swap3A_134], %swap3A_137 {strides = array<i32>} : memref<2208xf32, #tpu.memory_space<vmem>>, vector<16xf32>,
    %broadcast_in_dim3A_138 = arith.constant 0.000000e+00 : f32
    %broadcast_in_dim3A_139 = vector.broadcast %broadcast_in_dim3A_138 : f32 to vector<16xf32>
    %swap3A_140 = arith.constant 336 : index
    %swap3A_141 = tpu.vector_load %arg9[%swap3A_140] {strides = array<i32>} : memref<2208xf32, #tpu.memory_space<vmem>>, vector<16xf32>,
    %swap3A_142 = vector.shape_cast %swap3A_141 : vector<16xf32> to vector<16xf32>
    %swap3A_143 = vector.shape_cast %broadcast_in_dim3A_139 : vector<16xf32> to vector<16xf32>
    tpu.vector_store %arg9[%swap3A_140], %swap3A_143 {strides = array<i32>} : memref<2208xf32, #tpu.memory_space<vmem>>, vector<16xf32>,
    %broadcast_in_dim3A_144 = arith.constant 0.000000e+00 : f32
    %broadcast_in_dim3A_145 = vector.broadcast %broadcast_in_dim3A_144 : f32 to vector<16xf32>
    %swap3A_146 = arith.constant 352 : index
    %swap3A_147 = tpu.vector_load %arg9[%swap3A_146] {strides = array<i32>} : memref<2208xf32, #tpu.memory_space<vmem>>, vector<16xf32>,
    %swap3A_148 = vector.shape_cast %swap3A_147 : vector<16xf32> to vector<16xf32>
    %swap3A_149 = vector.shape_cast %broadcast_in_dim3A_145 : vector<16xf32> to vector<16xf32>
    tpu.vector_store %arg9[%swap3A_146], %swap3A_149 {strides = array<i32>} : memref<2208xf32, #tpu.memory_space<vmem>>, vector<16xf32>,
    %broadcast_in_dim3A_150 = arith.constant 0.000000e+00 : f32
    %broadcast_in_dim3A_151 = vector.broadcast %broadcast_in_dim3A_150 : f32 to vector<16xf32>
    %swap3A_152 = arith.constant 368 : index
    %swap3A_153 = tpu.vector_load %arg9[%swap3A_152] {strides = array<i32>} : memref<2208xf32, #tpu.memory_space<vmem>>, vector<16xf32>,
    %swap3A_154 = vector.shape_cast %swap3A_153 : vector<16xf32> to vector<16xf32>
    %swap3A_155 = vector.shape_cast %broadcast_in_dim3A_151 : vector<16xf32> to vector<16xf32>
    tpu.vector_store %arg9[%swap3A_152], %swap3A_155 {strides = array<i32>} : memref<2208xf32, #tpu.memory_space<vmem>>, vector<16xf32>,
    %broadcast_in_dim3A_156 = arith.constant 0.000000e+00 : f32
    %broadcast_in_dim3A_157 = vector.broadcast %broadcast_in_dim3A_156 : f32 to vector<16xf32>
    %swap3A_158 = arith.constant 384 : index
    %swap3A_159 = tpu.vector_load %arg9[%swap3A_158] {strides = array<i32>} : memref<2208xf32, #tpu.memory_space<vmem>>, vector<16xf32>,
    %swap3A_160 = vector.shape_cast %swap3A_159 : vector<16xf32> to vector<16xf32>
    %swap3A_161 = vector.shape_cast %broadcast_in_dim3A_157 : vector<16xf32> to vector<16xf32>
    tpu.vector_store %arg9[%swap3A_158], %swap3A_161 {strides = array<i32>} : memref<2208xf32, #tpu.memory_space<vmem>>, vector<16xf32>,
    %broadcast_in_dim3A_162 = arith.constant 0.000000e+00 : f32
    %broadcast_in_dim3A_163 = vector.broadcast %broadcast_in_dim3A_162 : f32 to vector<16xf32>
    %swap3A_164 = arith.constant 400 : index
    %swap3A_165 = tpu.vector_load %arg9[%swap3A_164] {strides = array<i32>} : memref<2208xf32, #tpu.memory_space<vmem>>, vector<16xf32>,
    %swap3A_166 = vector.shape_cast %swap3A_165 : vector<16xf32> to vector<16xf32>
    %swap3A_167 = vector.shape_cast %broadcast_in_dim3A_163 : vector<16xf32> to vector<16xf32>
    tpu.vector_store %arg9[%swap3A_164], %swap3A_167 {strides = array<i32>} : memref<2208xf32, #tpu.memory_space<vmem>>, vector<16xf32>,
    %broadcast_in_dim3A_168 = arith.constant 0.000000e+00 : f32
    %broadcast_in_dim3A_169 = vector.broadcast %broadcast_in_dim3A_168 : f32 to vector<16xf32>
    %swap3A_170 = arith.constant 416 : index
    %swap3A_171 = tpu.vector_load %arg9[%swap3A_170] {strides = array<i32>} : memref<2208xf32, #tpu.memory_space<vmem>>, vector<16xf32>,
    %swap3A_172 = vector.shape_cast %swap3A_171 : vector<16xf32> to vector<16xf32>
    %swap3A_173 = vector.shape_cast %broadcast_in_dim3A_169 : vector<16xf32> to vector<16xf32>
    tpu.vector_store %arg9[%swap3A_170], %swap3A_173 {strides = array<i32>} : memref<2208xf32, #tpu.memory_space<vmem>>, vector<16xf32>,
    %broadcast_in_dim3A_174 = arith.constant 0.000000e+00 : f32
    %broadcast_in_dim3A_175 = vector.broadcast %broadcast_in_dim3A_174 : f32 to vector<16xf32>
    %swap3A_176 = arith.constant 432 : index
    %swap3A_177 = tpu.vector_load %arg9[%swap3A_176] {strides = array<i32>} : memref<2208xf32, #tpu.memory_space<vmem>>, vector<16xf32>,
    %swap3A_178 = vector.shape_cast %swap3A_177 : vector<16xf32> to vector<16xf32>
    %swap3A_179 = vector.shape_cast %broadcast_in_dim3A_175 : vector<16xf32> to vector<16xf32>
    tpu.vector_store %arg9[%swap3A_176], %swap3A_179 {strides = array<i32>} : memref<2208xf32, #tpu.memory_space<vmem>>, vector<16xf32>,
    %broadcast_in_dim3A_180 = arith.constant 0.000000e+00 : f32
    %broadcast_in_dim3A_181 = vector.broadcast %broadcast_in_dim3A_180 : f32 to vector<16xf32>
    %swap3A_182 = arith.constant 448 : index
    %swap3A_183 = tpu.vector_load %arg9[%swap3A_182] {strides = array<i32>} : memref<2208xf32, #tpu.memory_space<vmem>>, vector<16xf32>,
    %swap3A_184 = vector.shape_cast %swap3A_183 : vector<16xf32> to vector<16xf32>
    %swap3A_185 = vector.shape_cast %broadcast_in_dim3A_181 : vector<16xf32> to vector<16xf32>
    tpu.vector_store %arg9[%swap3A_182], %swap3A_185 {strides = array<i32>} : memref<2208xf32, #tpu.memory_space<vmem>>, vector<16xf32>,
    %broadcast_in_dim3A_186 = arith.constant 0.000000e+00 : f32
    %broadcast_in_dim3A_187 = vector.broadcast %broadcast_in_dim3A_186 : f32 to vector<16xf32>
    %swap3A_188 = arith.constant 464 : index
    %swap3A_189 = tpu.vector_load %arg9[%swap3A_188] {strides = array<i32>} : memref<2208xf32, #tpu.memory_space<vmem>>, vector<16xf32>,
    %swap3A_190 = vector.shape_cast %swap3A_189 : vector<16xf32> to vector<16xf32>
    %swap3A_191 = vector.shape_cast %broadcast_in_dim3A_187 : vector<16xf32> to vector<16xf32>
    tpu.vector_store %arg9[%swap3A_188], %swap3A_191 {strides = array<i32>} : memref<2208xf32, #tpu.memory_space<vmem>>, vector<16xf32>,
    %broadcast_in_dim3A_192 = arith.constant 0.000000e+00 : f32
    %broadcast_in_dim3A_193 = vector.broadcast %broadcast_in_dim3A_192 : f32 to vector<16xf32>
    %swap3A_194 = arith.constant 480 : index
    %swap3A_195 = tpu.vector_load %arg9[%swap3A_194] {strides = array<i32>} : memref<2208xf32, #tpu.memory_space<vmem>>, vector<16xf32>,
    %swap3A_196 = vector.shape_cast %swap3A_195 : vector<16xf32> to vector<16xf32>
    %swap3A_197 = vector.shape_cast %broadcast_in_dim3A_193 : vector<16xf32> to vector<16xf32>
    tpu.vector_store %arg9[%swap3A_194], %swap3A_197 {strides = array<i32>} : memref<2208xf32, #tpu.memory_space<vmem>>, vector<16xf32>,
    %broadcast_in_dim3A_198 = arith.constant 0.000000e+00 : f32
    %broadcast_in_dim3A_199 = vector.broadcast %broadcast_in_dim3A_198 : f32 to vector<16xf32>
    %swap3A_200 = arith.constant 496 : index
    %swap3A_201 = tpu.vector_load %arg9[%swap3A_200] {strides = array<i32>} : memref<2208xf32, #tpu.memory_space<vmem>>, vector<16xf32>,
    %swap3A_202 = vector.shape_cast %swap3A_201 : vector<16xf32> to vector<16xf32>
    %swap3A_203 = vector.shape_cast %broadcast_in_dim3A_199 : vector<16xf32> to vector<16xf32>
    tpu.vector_store %arg9[%swap3A_200], %swap3A_203 {strides = array<i32>} : memref<2208xf32, #tpu.memory_space<vmem>>, vector<16xf32>,
    %broadcast_in_dim3A_204 = arith.constant 0.000000e+00 : f32
    %broadcast_in_dim3A_205 = vector.broadcast %broadcast_in_dim3A_204 : f32 to vector<16xf32>
    %swap3A_206 = arith.constant 512 : index
    %swap3A_207 = tpu.vector_load %arg9[%swap3A_206] {strides = array<i32>} : memref<2208xf32, #tpu.memory_space<vmem>>, vector<16xf32>,
    %swap3A_208 = vector.shape_cast %swap3A_207 : vector<16xf32> to vector<16xf32>
    %swap3A_209 = vector.shape_cast %broadcast_in_dim3A_205 : vector<16xf32> to vector<16xf32>
    tpu.vector_store %arg9[%swap3A_206], %swap3A_209 {strides = array<i32>} : memref<2208xf32, #tpu.memory_space<vmem>>, vector<16xf32>,
    %broadcast_in_dim3A_210 = arith.constant 0.000000e+00 : f32
    %broadcast_in_dim3A_211 = vector.broadcast %broadcast_in_dim3A_210 : f32 to vector<16xf32>
    %swap3A_212 = arith.constant 528 : index
    %swap3A_213 = tpu.vector_load %arg9[%swap3A_212] {strides = array<i32>} : memref<2208xf32, #tpu.memory_space<vmem>>, vector<16xf32>,
    %swap3A_214 = vector.shape_cast %swap3A_213 : vector<16xf32> to vector<16xf32>
    %swap3A_215 = vector.shape_cast %broadcast_in_dim3A_211 : vector<16xf32> to vector<16xf32>
    tpu.vector_store %arg9[%swap3A_212], %swap3A_215 {strides = array<i32>} : memref<2208xf32, #tpu.memory_space<vmem>>, vector<16xf32>,
    %broadcast_in_dim3A_216 = arith.constant 0.000000e+00 : f32
    %broadcast_in_dim3A_217 = vector.broadcast %broadcast_in_dim3A_216 : f32 to vector<16xf32>
    %swap3A_218 = arith.constant 544 : index
    %swap3A_219 = tpu.vector_load %arg9[%swap3A_218] {strides = array<i32>} : memref<2208xf32, #tpu.memory_space<vmem>>, vector<16xf32>,
    %swap3A_220 = vector.shape_cast %swap3A_219 : vector<16xf32> to vector<16xf32>
    %swap3A_221 = vector.shape_cast %broadcast_in_dim3A_217 : vector<16xf32> to vector<16xf32>
    tpu.vector_store %arg9[%swap3A_218], %swap3A_221 {strides = array<i32>} : memref<2208xf32, #tpu.memory_space<vmem>>, vector<16xf32>,
    %broadcast_in_dim3A_222 = arith.constant 0.000000e+00 : f32
    %broadcast_in_dim3A_223 = vector.broadcast %broadcast_in_dim3A_222 : f32 to vector<16xf32>
    %swap3A_224 = arith.constant 560 : index
    %swap3A_225 = tpu.vector_load %arg9[%swap3A_224] {strides = array<i32>} : memref<2208xf32, #tpu.memory_space<vmem>>, vector<16xf32>,
    %swap3A_226 = vector.shape_cast %swap3A_225 : vector<16xf32> to vector<16xf32>
    %swap3A_227 = vector.shape_cast %broadcast_in_dim3A_223 : vector<16xf32> to vector<16xf32>
    tpu.vector_store %arg9[%swap3A_224], %swap3A_227 {strides = array<i32>} : memref<2208xf32, #tpu.memory_space<vmem>>, vector<16xf32>,
    %broadcast_in_dim3A_228 = arith.constant 0.000000e+00 : f32
    %broadcast_in_dim3A_229 = vector.broadcast %broadcast_in_dim3A_228 : f32 to vector<16xf32>
    %swap3A_230 = arith.constant 576 : index
    %swap3A_231 = tpu.vector_load %arg9[%swap3A_230] {strides = array<i32>} : memref<2208xf32, #tpu.memory_space<vmem>>, vector<16xf32>,
    %swap3A_232 = vector.shape_cast %swap3A_231 : vector<16xf32> to vector<16xf32>
    %swap3A_233 = vector.shape_cast %broadcast_in_dim3A_229 : vector<16xf32> to vector<16xf32>
    tpu.vector_store %arg9[%swap3A_230], %swap3A_233 {strides = array<i32>} : memref<2208xf32, #tpu.memory_space<vmem>>, vector<16xf32>,
    %broadcast_in_dim3A_234 = arith.constant 0.000000e+00 : f32
    %broadcast_in_dim3A_235 = vector.broadcast %broadcast_in_dim3A_234 : f32 to vector<16xf32>
    %swap3A_236 = arith.constant 592 : index
    %swap3A_237 = tpu.vector_load %arg9[%swap3A_236] {strides = array<i32>} : memref<2208xf32, #tpu.memory_space<vmem>>, vector<16xf32>,
    %swap3A_238 = vector.shape_cast %swap3A_237 : vector<16xf32> to vector<16xf32>
    %swap3A_239 = vector.shape_cast %broadcast_in_dim3A_235 : vector<16xf32> to vector<16xf32>
    tpu.vector_store %arg9[%swap3A_236], %swap3A_239 {strides = array<i32>} : memref<2208xf32, #tpu.memory_space<vmem>>, vector<16xf32>,
    %broadcast_in_dim3A_240 = arith.constant 0.000000e+00 : f32
    %broadcast_in_dim3A_241 = vector.broadcast %broadcast_in_dim3A_240 : f32 to vector<16xf32>
    %swap3A_242 = arith.constant 608 : index
    %swap3A_243 = tpu.vector_load %arg9[%swap3A_242] {strides = array<i32>} : memref<2208xf32, #tpu.memory_space<vmem>>, vector<16xf32>,
    %swap3A_244 = vector.shape_cast %swap3A_243 : vector<16xf32> to vector<16xf32>
    %swap3A_245 = vector.shape_cast %broadcast_in_dim3A_241 : vector<16xf32> to vector<16xf32>
    tpu.vector_store %arg9[%swap3A_242], %swap3A_245 {strides = array<i32>} : memref<2208xf32, #tpu.memory_space<vmem>>, vector<16xf32>,
    %broadcast_in_dim3A_246 = arith.constant 0.000000e+00 : f32
    %broadcast_in_dim3A_247 = vector.broadcast %broadcast_in_dim3A_246 : f32 to vector<16xf32>
    %swap3A_248 = arith.constant 624 : index
    %swap3A_249 = tpu.vector_load %arg9[%swap3A_248] {strides = array<i32>} : memref<2208xf32, #tpu.memory_space<vmem>>, vector<16xf32>,
    %swap3A_250 = vector.shape_cast %swap3A_249 : vector<16xf32> to vector<16xf32>
    %swap3A_251 = vector.shape_cast %broadcast_in_dim3A_247 : vector<16xf32> to vector<16xf32>
    tpu.vector_store %arg9[%swap3A_248], %swap3A_251 {strides = array<i32>} : memref<2208xf32, #tpu.memory_space<vmem>>, vector<16xf32>,
    %broadcast_in_dim3A_252 = arith.constant 0.000000e+00 : f32
    %broadcast_in_dim3A_253 = vector.broadcast %broadcast_in_dim3A_252 : f32 to vector<16xf32>
    %swap3A_254 = arith.constant 640 : index
    %swap3A_255 = tpu.vector_load %arg9[%swap3A_254] {strides = array<i32>} : memref<2208xf32, #tpu.memory_space<vmem>>, vector<16xf32>,
    %swap3A_256 = vector.shape_cast %swap3A_255 : vector<16xf32> to vector<16xf32>
    %swap3A_257 = vector.shape_cast %broadcast_in_dim3A_253 : vector<16xf32> to vector<16xf32>
    tpu.vector_store %arg9[%swap3A_254], %swap3A_257 {strides = array<i32>} : memref<2208xf32, #tpu.memory_space<vmem>>, vector<16xf32>,
    %broadcast_in_dim3A_258 = arith.constant 0.000000e+00 : f32
    %broadcast_in_dim3A_259 = vector.broadcast %broadcast_in_dim3A_258 : f32 to vector<16xf32>
    %swap3A_260 = arith.constant 656 : index
    %swap3A_261 = tpu.vector_load %arg9[%swap3A_260] {strides = array<i32>} : memref<2208xf32, #tpu.memory_space<vmem>>, vector<16xf32>,
    %swap3A_262 = vector.shape_cast %swap3A_261 : vector<16xf32> to vector<16xf32>
    %swap3A_263 = vector.shape_cast %broadcast_in_dim3A_259 : vector<16xf32> to vector<16xf32>
    tpu.vector_store %arg9[%swap3A_260], %swap3A_263 {strides = array<i32>} : memref<2208xf32, #tpu.memory_space<vmem>>, vector<16xf32>,
    %broadcast_in_dim3A_264 = arith.constant 0.000000e+00 : f32
    %broadcast_in_dim3A_265 = vector.broadcast %broadcast_in_dim3A_264 : f32 to vector<16xf32>
    %swap3A_266 = arith.constant 672 : index
    %swap3A_267 = tpu.vector_load %arg9[%swap3A_266] {strides = array<i32>} : memref<2208xf32, #tpu.memory_space<vmem>>, vector<16xf32>,
    %swap3A_268 = vector.shape_cast %swap3A_267 : vector<16xf32> to vector<16xf32>
    %swap3A_269 = vector.shape_cast %broadcast_in_dim3A_265 : vector<16xf32> to vector<16xf32>
    tpu.vector_store %arg9[%swap3A_266], %swap3A_269 {strides = array<i32>} : memref<2208xf32, #tpu.memory_space<vmem>>, vector<16xf32>,
    %broadcast_in_dim3A_270 = arith.constant 0.000000e+00 : f32
    %broadcast_in_dim3A_271 = vector.broadcast %broadcast_in_dim3A_270 : f32 to vector<16xf32>
    %swap3A_272 = arith.constant 688 : index
    %swap3A_273 = tpu.vector_load %arg9[%swap3A_272] {strides = array<i32>} : memref<2208xf32, #tpu.memory_space<vmem>>, vector<16xf32>,
    %swap3A_274 = vector.shape_cast %swap3A_273 : vector<16xf32> to vector<16xf32>
    %swap3A_275 = vector.shape_cast %broadcast_in_dim3A_271 : vector<16xf32> to vector<16xf32>
    tpu.vector_store %arg9[%swap3A_272], %swap3A_275 {strides = array<i32>} : memref<2208xf32, #tpu.memory_space<vmem>>, vector<16xf32>,
    %broadcast_in_dim3A_276 = arith.constant 0.000000e+00 : f32
    %broadcast_in_dim3A_277 = vector.broadcast %broadcast_in_dim3A_276 : f32 to vector<16xf32>
    %swap3A_278 = arith.constant 704 : index
    %swap3A_279 = tpu.vector_load %arg9[%swap3A_278] {strides = array<i32>} : memref<2208xf32, #tpu.memory_space<vmem>>, vector<16xf32>,
    %swap3A_280 = vector.shape_cast %swap3A_279 : vector<16xf32> to vector<16xf32>
    %swap3A_281 = vector.shape_cast %broadcast_in_dim3A_277 : vector<16xf32> to vector<16xf32>
    tpu.vector_store %arg9[%swap3A_278], %swap3A_281 {strides = array<i32>} : memref<2208xf32, #tpu.memory_space<vmem>>, vector<16xf32>,
    %broadcast_in_dim3A_282 = arith.constant 0.000000e+00 : f32
    %broadcast_in_dim3A_283 = vector.broadcast %broadcast_in_dim3A_282 : f32 to vector<16xf32>
    %swap3A_284 = arith.constant 720 : index
    %swap3A_285 = tpu.vector_load %arg9[%swap3A_284] {strides = array<i32>} : memref<2208xf32, #tpu.memory_space<vmem>>, vector<16xf32>,
    %swap3A_286 = vector.shape_cast %swap3A_285 : vector<16xf32> to vector<16xf32>
    %swap3A_287 = vector.shape_cast %broadcast_in_dim3A_283 : vector<16xf32> to vector<16xf32>
    tpu.vector_store %arg9[%swap3A_284], %swap3A_287 {strides = array<i32>} : memref<2208xf32, #tpu.memory_space<vmem>>, vector<16xf32>,
    %broadcast_in_dim3A_288 = arith.constant 0.000000e+00 : f32
    %broadcast_in_dim3A_289 = vector.broadcast %broadcast_in_dim3A_288 : f32 to vector<16xf32>
    %swap3A_290 = arith.constant 736 : index
    %swap3A_291 = tpu.vector_load %arg9[%swap3A_290] {strides = array<i32>} : memref<2208xf32, #tpu.memory_space<vmem>>, vector<16xf32>,
    %swap3A_292 = vector.shape_cast %swap3A_291 : vector<16xf32> to vector<16xf32>
    %swap3A_293 = vector.shape_cast %broadcast_in_dim3A_289 : vector<16xf32> to vector<16xf32>
    tpu.vector_store %arg9[%swap3A_290], %swap3A_293 {strides = array<i32>} : memref<2208xf32, #tpu.memory_space<vmem>>, vector<16xf32>,
    %broadcast_in_dim3A_294 = arith.constant 0.000000e+00 : f32
    %broadcast_in_dim3A_295 = vector.broadcast %broadcast_in_dim3A_294 : f32 to vector<16xf32>
    %swap3A_296 = arith.constant 752 : index
    %swap3A_297 = tpu.vector_load %arg9[%swap3A_296] {strides = array<i32>} : memref<2208xf32, #tpu.memory_space<vmem>>, vector<16xf32>,
    %swap3A_298 = vector.shape_cast %swap3A_297 : vector<16xf32> to vector<16xf32>
    %swap3A_299 = vector.shape_cast %broadcast_in_dim3A_295 : vector<16xf32> to vector<16xf32>
    tpu.vector_store %arg9[%swap3A_296], %swap3A_299 {strides = array<i32>} : memref<2208xf32, #tpu.memory_space<vmem>>, vector<16xf32>,
    %broadcast_in_dim3A_300 = arith.constant 0.000000e+00 : f32
    %broadcast_in_dim3A_301 = vector.broadcast %broadcast_in_dim3A_300 : f32 to vector<16xf32>
    %swap3A_302 = arith.constant 768 : index
    %swap3A_303 = tpu.vector_load %arg9[%swap3A_302] {strides = array<i32>} : memref<2208xf32, #tpu.memory_space<vmem>>, vector<16xf32>,
    %swap3A_304 = vector.shape_cast %swap3A_303 : vector<16xf32> to vector<16xf32>
    %swap3A_305 = vector.shape_cast %broadcast_in_dim3A_301 : vector<16xf32> to vector<16xf32>
    tpu.vector_store %arg9[%swap3A_302], %swap3A_305 {strides = array<i32>} : memref<2208xf32, #tpu.memory_space<vmem>>, vector<16xf32>,
    %broadcast_in_dim3A_306 = arith.constant 0.000000e+00 : f32
    %broadcast_in_dim3A_307 = vector.broadcast %broadcast_in_dim3A_306 : f32 to vector<16xf32>
    %swap3A_308 = arith.constant 784 : index
    %swap3A_309 = tpu.vector_load %arg9[%swap3A_308] {strides = array<i32>} : memref<2208xf32, #tpu.memory_space<vmem>>, vector<16xf32>,
    %swap3A_310 = vector.shape_cast %swap3A_309 : vector<16xf32> to vector<16xf32>
    %swap3A_311 = vector.shape_cast %broadcast_in_dim3A_307 : vector<16xf32> to vector<16xf32>
    tpu.vector_store %arg9[%swap3A_308], %swap3A_311 {strides = array<i32>} : memref<2208xf32, #tpu.memory_space<vmem>>, vector<16xf32>,
    %broadcast_in_dim3A_312 = arith.constant 0.000000e+00 : f32
    %broadcast_in_dim3A_313 = vector.broadcast %broadcast_in_dim3A_312 : f32 to vector<16xf32>
    %swap3A_314 = arith.constant 800 : index
    %swap3A_315 = tpu.vector_load %arg9[%swap3A_314] {strides = array<i32>} : memref<2208xf32, #tpu.memory_space<vmem>>, vector<16xf32>,
    %swap3A_316 = vector.shape_cast %swap3A_315 : vector<16xf32> to vector<16xf32>
    %swap3A_317 = vector.shape_cast %broadcast_in_dim3A_313 : vector<16xf32> to vector<16xf32>
    tpu.vector_store %arg9[%swap3A_314], %swap3A_317 {strides = array<i32>} : memref<2208xf32, #tpu.memory_space<vmem>>, vector<16xf32>,
    %broadcast_in_dim3A_318 = arith.constant 0.000000e+00 : f32
    %broadcast_in_dim3A_319 = vector.broadcast %broadcast_in_dim3A_318 : f32 to vector<16xf32>
    %swap3A_320 = arith.constant 816 : index
    %swap3A_321 = tpu.vector_load %arg9[%swap3A_320] {strides = array<i32>} : memref<2208xf32, #tpu.memory_space<vmem>>, vector<16xf32>,
    %swap3A_322 = vector.shape_cast %swap3A_321 : vector<16xf32> to vector<16xf32>
    %swap3A_323 = vector.shape_cast %broadcast_in_dim3A_319 : vector<16xf32> to vector<16xf32>
    tpu.vector_store %arg9[%swap3A_320], %swap3A_323 {strides = array<i32>} : memref<2208xf32, #tpu.memory_space<vmem>>, vector<16xf32>,
    %broadcast_in_dim3A_324 = arith.constant 0.000000e+00 : f32
    %broadcast_in_dim3A_325 = vector.broadcast %broadcast_in_dim3A_324 : f32 to vector<16xf32>
    %swap3A_326 = arith.constant 832 : index
    %swap3A_327 = tpu.vector_load %arg9[%swap3A_326] {strides = array<i32>} : memref<2208xf32, #tpu.memory_space<vmem>>, vector<16xf32>,
    %swap3A_328 = vector.shape_cast %swap3A_327 : vector<16xf32> to vector<16xf32>
    %swap3A_329 = vector.shape_cast %broadcast_in_dim3A_325 : vector<16xf32> to vector<16xf32>
    tpu.vector_store %arg9[%swap3A_326], %swap3A_329 {strides = array<i32>} : memref<2208xf32, #tpu.memory_space<vmem>>, vector<16xf32>,
    %broadcast_in_dim3A_330 = arith.constant 0.000000e+00 : f32
    %broadcast_in_dim3A_331 = vector.broadcast %broadcast_in_dim3A_330 : f32 to vector<16xf32>
    %swap3A_332 = arith.constant 848 : index
    %swap3A_333 = tpu.vector_load %arg9[%swap3A_332] {strides = array<i32>} : memref<2208xf32, #tpu.memory_space<vmem>>, vector<16xf32>,
    %swap3A_334 = vector.shape_cast %swap3A_333 : vector<16xf32> to vector<16xf32>
    %swap3A_335 = vector.shape_cast %broadcast_in_dim3A_331 : vector<16xf32> to vector<16xf32>
    tpu.vector_store %arg9[%swap3A_332], %swap3A_335 {strides = array<i32>} : memref<2208xf32, #tpu.memory_space<vmem>>, vector<16xf32>,
    %broadcast_in_dim3A_336 = arith.constant 0.000000e+00 : f32
    %broadcast_in_dim3A_337 = vector.broadcast %broadcast_in_dim3A_336 : f32 to vector<16xf32>
    %swap3A_338 = arith.constant 864 : index
    %swap3A_339 = tpu.vector_load %arg9[%swap3A_338] {strides = array<i32>} : memref<2208xf32, #tpu.memory_space<vmem>>, vector<16xf32>,
    %swap3A_340 = vector.shape_cast %swap3A_339 : vector<16xf32> to vector<16xf32>
    %swap3A_341 = vector.shape_cast %broadcast_in_dim3A_337 : vector<16xf32> to vector<16xf32>
    tpu.vector_store %arg9[%swap3A_338], %swap3A_341 {strides = array<i32>} : memref<2208xf32, #tpu.memory_space<vmem>>, vector<16xf32>,
    %broadcast_in_dim3A_342 = arith.constant 0.000000e+00 : f32
    %broadcast_in_dim3A_343 = vector.broadcast %broadcast_in_dim3A_342 : f32 to vector<16xf32>
    %swap3A_344 = arith.constant 880 : index
    %swap3A_345 = tpu.vector_load %arg9[%swap3A_344] {strides = array<i32>} : memref<2208xf32, #tpu.memory_space<vmem>>, vector<16xf32>,
    %swap3A_346 = vector.shape_cast %swap3A_345 : vector<16xf32> to vector<16xf32>
    %swap3A_347 = vector.shape_cast %broadcast_in_dim3A_343 : vector<16xf32> to vector<16xf32>
    tpu.vector_store %arg9[%swap3A_344], %swap3A_347 {strides = array<i32>} : memref<2208xf32, #tpu.memory_space<vmem>>, vector<16xf32>,
    %broadcast_in_dim3A_348 = arith.constant 0.000000e+00 : f32
    %broadcast_in_dim3A_349 = vector.broadcast %broadcast_in_dim3A_348 : f32 to vector<16xf32>
    %swap3A_350 = arith.constant 896 : index
    %swap3A_351 = tpu.vector_load %arg9[%swap3A_350] {strides = array<i32>} : memref<2208xf32, #tpu.memory_space<vmem>>, vector<16xf32>,
    %swap3A_352 = vector.shape_cast %swap3A_351 : vector<16xf32> to vector<16xf32>
    %swap3A_353 = vector.shape_cast %broadcast_in_dim3A_349 : vector<16xf32> to vector<16xf32>
    tpu.vector_store %arg9[%swap3A_350], %swap3A_353 {strides = array<i32>} : memref<2208xf32, #tpu.memory_space<vmem>>, vector<16xf32>,
    %broadcast_in_dim3A_354 = arith.constant 0.000000e+00 : f32
    %broadcast_in_dim3A_355 = vector.broadcast %broadcast_in_dim3A_354 : f32 to vector<16xf32>
    %swap3A_356 = arith.constant 912 : index
    %swap3A_357 = tpu.vector_load %arg9[%swap3A_356] {strides = array<i32>} : memref<2208xf32, #tpu.memory_space<vmem>>, vector<16xf32>,
    %swap3A_358 = vector.shape_cast %swap3A_357 : vector<16xf32> to vector<16xf32>
    %swap3A_359 = vector.shape_cast %broadcast_in_dim3A_355 : vector<16xf32> to vector<16xf32>
    tpu.vector_store %arg9[%swap3A_356], %swap3A_359 {strides = array<i32>} : memref<2208xf32, #tpu.memory_space<vmem>>, vector<16xf32>,
    %broadcast_in_dim3A_360 = arith.constant 0.000000e+00 : f32
    %broadcast_in_dim3A_361 = vector.broadcast %broadcast_in_dim3A_360 : f32 to vector<16xf32>
    %swap3A_362 = arith.constant 928 : index
    %swap3A_363 = tpu.vector_load %arg9[%swap3A_362] {strides = array<i32>} : memref<2208xf32, #tpu.memory_space<vmem>>, vector<16xf32>,
    %swap3A_364 = vector.shape_cast %swap3A_363 : vector<16xf32> to vector<16xf32>
    %swap3A_365 = vector.shape_cast %broadcast_in_dim3A_361 : vector<16xf32> to vector<16xf32>
    tpu.vector_store %arg9[%swap3A_362], %swap3A_365 {strides = array<i32>} : memref<2208xf32, #tpu.memory_space<vmem>>, vector<16xf32>,
    %broadcast_in_dim3A_366 = arith.constant 0.000000e+00 : f32
    %broadcast_in_dim3A_367 = vector.broadcast %broadcast_in_dim3A_366 : f32 to vector<16xf32>
    %swap3A_368 = arith.constant 944 : index
    %swap3A_369 = tpu.vector_load %arg9[%swap3A_368] {strides = array<i32>} : memref<2208xf32, #tpu.memory_space<vmem>>, vector<16xf32>,
    %swap3A_370 = vector.shape_cast %swap3A_369 : vector<16xf32> to vector<16xf32>
    %swap3A_371 = vector.shape_cast %broadcast_in_dim3A_367 : vector<16xf32> to vector<16xf32>
    tpu.vector_store %arg9[%swap3A_368], %swap3A_371 {strides = array<i32>} : memref<2208xf32, #tpu.memory_space<vmem>>, vector<16xf32>,
    %broadcast_in_dim3A_372 = arith.constant 0.000000e+00 : f32
    %broadcast_in_dim3A_373 = vector.broadcast %broadcast_in_dim3A_372 : f32 to vector<16xf32>
    %swap3A_374 = arith.constant 960 : index
    %swap3A_375 = tpu.vector_load %arg9[%swap3A_374] {strides = array<i32>} : memref<2208xf32, #tpu.memory_space<vmem>>, vector<16xf32>,
    %swap3A_376 = vector.shape_cast %swap3A_375 : vector<16xf32> to vector<16xf32>
    %swap3A_377 = vector.shape_cast %broadcast_in_dim3A_373 : vector<16xf32> to vector<16xf32>
    tpu.vector_store %arg9[%swap3A_374], %swap3A_377 {strides = array<i32>} : memref<2208xf32, #tpu.memory_space<vmem>>, vector<16xf32>,
    %broadcast_in_dim3A_378 = arith.constant 0.000000e+00 : f32
    %broadcast_in_dim3A_379 = vector.broadcast %broadcast_in_dim3A_378 : f32 to vector<16xf32>
    %swap3A_380 = arith.constant 976 : index
    %swap3A_381 = tpu.vector_load %arg9[%swap3A_380] {strides = array<i32>} : memref<2208xf32, #tpu.memory_space<vmem>>, vector<16xf32>,
    %swap3A_382 = vector.shape_cast %swap3A_381 : vector<16xf32> to vector<16xf32>
    %swap3A_383 = vector.shape_cast %broadcast_in_dim3A_379 : vector<16xf32> to vector<16xf32>
    tpu.vector_store %arg9[%swap3A_380], %swap3A_383 {strides = array<i32>} : memref<2208xf32, #tpu.memory_space<vmem>>, vector<16xf32>,
    %broadcast_in_dim3A_384 = arith.constant 0.000000e+00 : f32
    %broadcast_in_dim3A_385 = vector.broadcast %broadcast_in_dim3A_384 : f32 to vector<16xf32>
    %swap3A_386 = arith.constant 992 : index
    %swap3A_387 = tpu.vector_load %arg9[%swap3A_386] {strides = array<i32>} : memref<2208xf32, #tpu.memory_space<vmem>>, vector<16xf32>,
    %swap3A_388 = vector.shape_cast %swap3A_387 : vector<16xf32> to vector<16xf32>
    %swap3A_389 = vector.shape_cast %broadcast_in_dim3A_385 : vector<16xf32> to vector<16xf32>
    tpu.vector_store %arg9[%swap3A_386], %swap3A_389 {strides = array<i32>} : memref<2208xf32, #tpu.memory_space<vmem>>, vector<16xf32>,
    %broadcast_in_dim3A_390 = arith.constant 0.000000e+00 : f32
    %broadcast_in_dim3A_391 = vector.broadcast %broadcast_in_dim3A_390 : f32 to vector<16xf32>
    %swap3A_392 = arith.constant 1008 : index
    %swap3A_393 = tpu.vector_load %arg9[%swap3A_392] {strides = array<i32>} : memref<2208xf32, #tpu.memory_space<vmem>>, vector<16xf32>,
    %swap3A_394 = vector.shape_cast %swap3A_393 : vector<16xf32> to vector<16xf32>
    %swap3A_395 = vector.shape_cast %broadcast_in_dim3A_391 : vector<16xf32> to vector<16xf32>
    tpu.vector_store %arg9[%swap3A_392], %swap3A_395 {strides = array<i32>} : memref<2208xf32, #tpu.memory_space<vmem>>, vector<16xf32>,
    %broadcast_in_dim3A_396 = arith.constant 0.000000e+00 : f32
    %broadcast_in_dim3A_397 = vector.broadcast %broadcast_in_dim3A_396 : f32 to vector<16xf32>
    %swap3A_398 = arith.constant 1024 : index
    %swap3A_399 = tpu.vector_load %arg9[%swap3A_398] {strides = array<i32>} : memref<2208xf32, #tpu.memory_space<vmem>>, vector<16xf32>,
    %swap3A_400 = vector.shape_cast %swap3A_399 : vector<16xf32> to vector<16xf32>
    %swap3A_401 = vector.shape_cast %broadcast_in_dim3A_397 : vector<16xf32> to vector<16xf32>
    tpu.vector_store %arg9[%swap3A_398], %swap3A_401 {strides = array<i32>} : memref<2208xf32, #tpu.memory_space<vmem>>, vector<16xf32>,
    %broadcast_in_dim3A_402 = arith.constant 0.000000e+00 : f32
    %broadcast_in_dim3A_403 = vector.broadcast %broadcast_in_dim3A_402 : f32 to vector<16xf32>
    %swap3A_404 = arith.constant 1040 : index
    %swap3A_405 = tpu.vector_load %arg9[%swap3A_404] {strides = array<i32>} : memref<2208xf32, #tpu.memory_space<vmem>>, vector<16xf32>,
    %swap3A_406 = vector.shape_cast %swap3A_405 : vector<16xf32> to vector<16xf32>
    %swap3A_407 = vector.shape_cast %broadcast_in_dim3A_403 : vector<16xf32> to vector<16xf32>
    tpu.vector_store %arg9[%swap3A_404], %swap3A_407 {strides = array<i32>} : memref<2208xf32, #tpu.memory_space<vmem>>, vector<16xf32>,
    %broadcast_in_dim3A_408 = arith.constant 0.000000e+00 : f32
    %broadcast_in_dim3A_409 = vector.broadcast %broadcast_in_dim3A_408 : f32 to vector<16xf32>
    %swap3A_410 = arith.constant 1056 : index
    %swap3A_411 = tpu.vector_load %arg9[%swap3A_410] {strides = array<i32>} : memref<2208xf32, #tpu.memory_space<vmem>>, vector<16xf32>,
    %swap3A_412 = vector.shape_cast %swap3A_411 : vector<16xf32> to vector<16xf32>
    %swap3A_413 = vector.shape_cast %broadcast_in_dim3A_409 : vector<16xf32> to vector<16xf32>
    tpu.vector_store %arg9[%swap3A_410], %swap3A_413 {strides = array<i32>} : memref<2208xf32, #tpu.memory_space<vmem>>, vector<16xf32>,
    %broadcast_in_dim3A_414 = arith.constant 0.000000e+00 : f32
    %broadcast_in_dim3A_415 = vector.broadcast %broadcast_in_dim3A_414 : f32 to vector<16xf32>
    %swap3A_416 = arith.constant 1072 : index
    %swap3A_417 = tpu.vector_load %arg9[%swap3A_416] {strides = array<i32>} : memref<2208xf32, #tpu.memory_space<vmem>>, vector<16xf32>,
    %swap3A_418 = vector.shape_cast %swap3A_417 : vector<16xf32> to vector<16xf32>
    %swap3A_419 = vector.shape_cast %broadcast_in_dim3A_415 : vector<16xf32> to vector<16xf32>
    tpu.vector_store %arg9[%swap3A_416], %swap3A_419 {strides = array<i32>} : memref<2208xf32, #tpu.memory_space<vmem>>, vector<16xf32>,
    %broadcast_in_dim3A_420 = arith.constant 0.000000e+00 : f32
    %broadcast_in_dim3A_421 = vector.broadcast %broadcast_in_dim3A_420 : f32 to vector<16xf32>
    %swap3A_422 = arith.constant 1088 : index
    %swap3A_423 = tpu.vector_load %arg9[%swap3A_422] {strides = array<i32>} : memref<2208xf32, #tpu.memory_space<vmem>>, vector<16xf32>,
    %swap3A_424 = vector.shape_cast %swap3A_423 : vector<16xf32> to vector<16xf32>
    %swap3A_425 = vector.shape_cast %broadcast_in_dim3A_421 : vector<16xf32> to vector<16xf32>
    tpu.vector_store %arg9[%swap3A_422], %swap3A_425 {strides = array<i32>} : memref<2208xf32, #tpu.memory_space<vmem>>, vector<16xf32>,
    %broadcast_in_dim3A_426 = arith.constant 0.000000e+00 : f32
    %broadcast_in_dim3A_427 = vector.broadcast %broadcast_in_dim3A_426 : f32 to vector<16xf32>
    %swap3A_428 = arith.constant 1104 : index
    %swap3A_429 = tpu.vector_load %arg9[%swap3A_428] {strides = array<i32>} : memref<2208xf32, #tpu.memory_space<vmem>>, vector<16xf32>,
    %swap3A_430 = vector.shape_cast %swap3A_429 : vector<16xf32> to vector<16xf32>
    %swap3A_431 = vector.shape_cast %broadcast_in_dim3A_427 : vector<16xf32> to vector<16xf32>
    tpu.vector_store %arg9[%swap3A_428], %swap3A_431 {strides = array<i32>} : memref<2208xf32, #tpu.memory_space<vmem>>, vector<16xf32>,
    %broadcast_in_dim3A_432 = arith.constant 0.000000e+00 : f32
    %broadcast_in_dim3A_433 = vector.broadcast %broadcast_in_dim3A_432 : f32 to vector<16xf32>
    %swap3A_434 = arith.constant 1120 : index
    %swap3A_435 = tpu.vector_load %arg9[%swap3A_434] {strides = array<i32>} : memref<2208xf32, #tpu.memory_space<vmem>>, vector<16xf32>,
    %swap3A_436 = vector.shape_cast %swap3A_435 : vector<16xf32> to vector<16xf32>
    %swap3A_437 = vector.shape_cast %broadcast_in_dim3A_433 : vector<16xf32> to vector<16xf32>
    tpu.vector_store %arg9[%swap3A_434], %swap3A_437 {strides = array<i32>} : memref<2208xf32, #tpu.memory_space<vmem>>, vector<16xf32>,
    %broadcast_in_dim3A_438 = arith.constant 0.000000e+00 : f32
    %broadcast_in_dim3A_439 = vector.broadcast %broadcast_in_dim3A_438 : f32 to vector<16xf32>
    %swap3A_440 = arith.constant 1136 : index
    %swap3A_441 = tpu.vector_load %arg9[%swap3A_440] {strides = array<i32>} : memref<2208xf32, #tpu.memory_space<vmem>>, vector<16xf32>,
    %swap3A_442 = vector.shape_cast %swap3A_441 : vector<16xf32> to vector<16xf32>
    %swap3A_443 = vector.shape_cast %broadcast_in_dim3A_439 : vector<16xf32> to vector<16xf32>
    tpu.vector_store %arg9[%swap3A_440], %swap3A_443 {strides = array<i32>} : memref<2208xf32, #tpu.memory_space<vmem>>, vector<16xf32>,
    %broadcast_in_dim3A_444 = arith.constant 0.000000e+00 : f32
    %broadcast_in_dim3A_445 = vector.broadcast %broadcast_in_dim3A_444 : f32 to vector<16xf32>
    %swap3A_446 = arith.constant 1152 : index
    %swap3A_447 = tpu.vector_load %arg9[%swap3A_446] {strides = array<i32>} : memref<2208xf32, #tpu.memory_space<vmem>>, vector<16xf32>,
    %swap3A_448 = vector.shape_cast %swap3A_447 : vector<16xf32> to vector<16xf32>
    %swap3A_449 = vector.shape_cast %broadcast_in_dim3A_445 : vector<16xf32> to vector<16xf32>
    tpu.vector_store %arg9[%swap3A_446], %swap3A_449 {strides = array<i32>} : memref<2208xf32, #tpu.memory_space<vmem>>, vector<16xf32>,
    %broadcast_in_dim3A_450 = arith.constant 0.000000e+00 : f32
    %broadcast_in_dim3A_451 = vector.broadcast %broadcast_in_dim3A_450 : f32 to vector<16xf32>
    %swap3A_452 = arith.constant 1168 : index
    %swap3A_453 = tpu.vector_load %arg9[%swap3A_452] {strides = array<i32>} : memref<2208xf32, #tpu.memory_space<vmem>>, vector<16xf32>,
    %swap3A_454 = vector.shape_cast %swap3A_453 : vector<16xf32> to vector<16xf32>
    %swap3A_455 = vector.shape_cast %broadcast_in_dim3A_451 : vector<16xf32> to vector<16xf32>
    tpu.vector_store %arg9[%swap3A_452], %swap3A_455 {strides = array<i32>} : memref<2208xf32, #tpu.memory_space<vmem>>, vector<16xf32>,
    %broadcast_in_dim3A_456 = arith.constant 0.000000e+00 : f32
    %broadcast_in_dim3A_457 = vector.broadcast %broadcast_in_dim3A_456 : f32 to vector<16xf32>
    %swap3A_458 = arith.constant 1184 : index
    %swap3A_459 = tpu.vector_load %arg9[%swap3A_458] {strides = array<i32>} : memref<2208xf32, #tpu.memory_space<vmem>>, vector<16xf32>,
    %swap3A_460 = vector.shape_cast %swap3A_459 : vector<16xf32> to vector<16xf32>
    %swap3A_461 = vector.shape_cast %broadcast_in_dim3A_457 : vector<16xf32> to vector<16xf32>
    tpu.vector_store %arg9[%swap3A_458], %swap3A_461 {strides = array<i32>} : memref<2208xf32, #tpu.memory_space<vmem>>, vector<16xf32>,
    %broadcast_in_dim3A_462 = arith.constant 0.000000e+00 : f32
    %broadcast_in_dim3A_463 = vector.broadcast %broadcast_in_dim3A_462 : f32 to vector<16xf32>
    %swap3A_464 = arith.constant 1200 : index
    %swap3A_465 = tpu.vector_load %arg9[%swap3A_464] {strides = array<i32>} : memref<2208xf32, #tpu.memory_space<vmem>>, vector<16xf32>,
    %swap3A_466 = vector.shape_cast %swap3A_465 : vector<16xf32> to vector<16xf32>
    %swap3A_467 = vector.shape_cast %broadcast_in_dim3A_463 : vector<16xf32> to vector<16xf32>
    tpu.vector_store %arg9[%swap3A_464], %swap3A_467 {strides = array<i32>} : memref<2208xf32, #tpu.memory_space<vmem>>, vector<16xf32>,
    %broadcast_in_dim3A_468 = arith.constant 0.000000e+00 : f32
    %broadcast_in_dim3A_469 = vector.broadcast %broadcast_in_dim3A_468 : f32 to vector<16xf32>
    %swap3A_470 = arith.constant 1216 : index
    %swap3A_471 = tpu.vector_load %arg9[%swap3A_470] {strides = array<i32>} : memref<2208xf32, #tpu.memory_space<vmem>>, vector<16xf32>,
    %swap3A_472 = vector.shape_cast %swap3A_471 : vector<16xf32> to vector<16xf32>
    %swap3A_473 = vector.shape_cast %broadcast_in_dim3A_469 : vector<16xf32> to vector<16xf32>
    tpu.vector_store %arg9[%swap3A_470], %swap3A_473 {strides = array<i32>} : memref<2208xf32, #tpu.memory_space<vmem>>, vector<16xf32>,
    %broadcast_in_dim3A_474 = arith.constant 0.000000e+00 : f32
    %broadcast_in_dim3A_475 = vector.broadcast %broadcast_in_dim3A_474 : f32 to vector<16xf32>
    %swap3A_476 = arith.constant 1232 : index
    %swap3A_477 = tpu.vector_load %arg9[%swap3A_476] {strides = array<i32>} : memref<2208xf32, #tpu.memory_space<vmem>>, vector<16xf32>,
    %swap3A_478 = vector.shape_cast %swap3A_477 : vector<16xf32> to vector<16xf32>
    %swap3A_479 = vector.shape_cast %broadcast_in_dim3A_475 : vector<16xf32> to vector<16xf32>
    tpu.vector_store %arg9[%swap3A_476], %swap3A_479 {strides = array<i32>} : memref<2208xf32, #tpu.memory_space<vmem>>, vector<16xf32>,
    %broadcast_in_dim3A_480 = arith.constant 0.000000e+00 : f32
    %broadcast_in_dim3A_481 = vector.broadcast %broadcast_in_dim3A_480 : f32 to vector<16xf32>
    %swap3A_482 = arith.constant 1248 : index
    %swap3A_483 = tpu.vector_load %arg9[%swap3A_482] {strides = array<i32>} : memref<2208xf32, #tpu.memory_space<vmem>>, vector<16xf32>,
    %swap3A_484 = vector.shape_cast %swap3A_483 : vector<16xf32> to vector<16xf32>
    %swap3A_485 = vector.shape_cast %broadcast_in_dim3A_481 : vector<16xf32> to vector<16xf32>
    tpu.vector_store %arg9[%swap3A_482], %swap3A_485 {strides = array<i32>} : memref<2208xf32, #tpu.memory_space<vmem>>, vector<16xf32>,
    %broadcast_in_dim3A_486 = arith.constant 0.000000e+00 : f32
    %broadcast_in_dim3A_487 = vector.broadcast %broadcast_in_dim3A_486 : f32 to vector<16xf32>
    %swap3A_488 = arith.constant 1264 : index
    %swap3A_489 = tpu.vector_load %arg9[%swap3A_488] {strides = array<i32>} : memref<2208xf32, #tpu.memory_space<vmem>>, vector<16xf32>,
    %swap3A_490 = vector.shape_cast %swap3A_489 : vector<16xf32> to vector<16xf32>
    %swap3A_491 = vector.shape_cast %broadcast_in_dim3A_487 : vector<16xf32> to vector<16xf32>
    tpu.vector_store %arg9[%swap3A_488], %swap3A_491 {strides = array<i32>} : memref<2208xf32, #tpu.memory_space<vmem>>, vector<16xf32>,
    %broadcast_in_dim3A_492 = arith.constant 0.000000e+00 : f32
    %broadcast_in_dim3A_493 = vector.broadcast %broadcast_in_dim3A_492 : f32 to vector<16xf32>
    %swap3A_494 = arith.constant 1280 : index
    %swap3A_495 = tpu.vector_load %arg9[%swap3A_494] {strides = array<i32>} : memref<2208xf32, #tpu.memory_space<vmem>>, vector<16xf32>,
    %swap3A_496 = vector.shape_cast %swap3A_495 : vector<16xf32> to vector<16xf32>
    %swap3A_497 = vector.shape_cast %broadcast_in_dim3A_493 : vector<16xf32> to vector<16xf32>
    tpu.vector_store %arg9[%swap3A_494], %swap3A_497 {strides = array<i32>} : memref<2208xf32, #tpu.memory_space<vmem>>, vector<16xf32>,
    %broadcast_in_dim3A_498 = arith.constant 0.000000e+00 : f32
    %broadcast_in_dim3A_499 = vector.broadcast %broadcast_in_dim3A_498 : f32 to vector<16xf32>
    %swap3A_500 = arith.constant 1296 : index
    %swap3A_501 = tpu.vector_load %arg9[%swap3A_500] {strides = array<i32>} : memref<2208xf32, #tpu.memory_space<vmem>>, vector<16xf32>,
    %swap3A_502 = vector.shape_cast %swap3A_501 : vector<16xf32> to vector<16xf32>
    %swap3A_503 = vector.shape_cast %broadcast_in_dim3A_499 : vector<16xf32> to vector<16xf32>
    tpu.vector_store %arg9[%swap3A_500], %swap3A_503 {strides = array<i32>} : memref<2208xf32, #tpu.memory_space<vmem>>, vector<16xf32>,
    %broadcast_in_dim3A_504 = arith.constant 0.000000e+00 : f32
    %broadcast_in_dim3A_505 = vector.broadcast %broadcast_in_dim3A_504 : f32 to vector<16xf32>
    %swap3A_506 = arith.constant 1312 : index
    %swap3A_507 = tpu.vector_load %arg9[%swap3A_506] {strides = array<i32>} : memref<2208xf32, #tpu.memory_space<vmem>>, vector<16xf32>,
    %swap3A_508 = vector.shape_cast %swap3A_507 : vector<16xf32> to vector<16xf32>
    %swap3A_509 = vector.shape_cast %broadcast_in_dim3A_505 : vector<16xf32> to vector<16xf32>
    tpu.vector_store %arg9[%swap3A_506], %swap3A_509 {strides = array<i32>} : memref<2208xf32, #tpu.memory_space<vmem>>, vector<16xf32>,
    %broadcast_in_dim3A_510 = arith.constant 0.000000e+00 : f32
    %broadcast_in_dim3A_511 = vector.broadcast %broadcast_in_dim3A_510 : f32 to vector<16xf32>
    %swap3A_512 = arith.constant 1328 : index
    %swap3A_513 = tpu.vector_load %arg9[%swap3A_512] {strides = array<i32>} : memref<2208xf32, #tpu.memory_space<vmem>>, vector<16xf32>,
    %swap3A_514 = vector.shape_cast %swap3A_513 : vector<16xf32> to vector<16xf32>
    %swap3A_515 = vector.shape_cast %broadcast_in_dim3A_511 : vector<16xf32> to vector<16xf32>
    tpu.vector_store %arg9[%swap3A_512], %swap3A_515 {strides = array<i32>} : memref<2208xf32, #tpu.memory_space<vmem>>, vector<16xf32>,
    %broadcast_in_dim3A_516 = arith.constant 0.000000e+00 : f32
    %broadcast_in_dim3A_517 = vector.broadcast %broadcast_in_dim3A_516 : f32 to vector<16xf32>
    %swap3A_518 = arith.constant 1344 : index
    %swap3A_519 = tpu.vector_load %arg9[%swap3A_518] {strides = array<i32>} : memref<2208xf32, #tpu.memory_space<vmem>>, vector<16xf32>,
    %swap3A_520 = vector.shape_cast %swap3A_519 : vector<16xf32> to vector<16xf32>
    %swap3A_521 = vector.shape_cast %broadcast_in_dim3A_517 : vector<16xf32> to vector<16xf32>
    tpu.vector_store %arg9[%swap3A_518], %swap3A_521 {strides = array<i32>} : memref<2208xf32, #tpu.memory_space<vmem>>, vector<16xf32>,
    %broadcast_in_dim3A_522 = arith.constant 0.000000e+00 : f32
    %broadcast_in_dim3A_523 = vector.broadcast %broadcast_in_dim3A_522 : f32 to vector<16xf32>
    %swap3A_524 = arith.constant 1360 : index
    %swap3A_525 = tpu.vector_load %arg9[%swap3A_524] {strides = array<i32>} : memref<2208xf32, #tpu.memory_space<vmem>>, vector<16xf32>,
    %swap3A_526 = vector.shape_cast %swap3A_525 : vector<16xf32> to vector<16xf32>
    %swap3A_527 = vector.shape_cast %broadcast_in_dim3A_523 : vector<16xf32> to vector<16xf32>
    tpu.vector_store %arg9[%swap3A_524], %swap3A_527 {strides = array<i32>} : memref<2208xf32, #tpu.memory_space<vmem>>, vector<16xf32>,
    %broadcast_in_dim3A_528 = arith.constant 0.000000e+00 : f32
    %broadcast_in_dim3A_529 = vector.broadcast %broadcast_in_dim3A_528 : f32 to vector<16xf32>
    %swap3A_530 = arith.constant 1376 : index
    %swap3A_531 = tpu.vector_load %arg9[%swap3A_530] {strides = array<i32>} : memref<2208xf32, #tpu.memory_space<vmem>>, vector<16xf32>,
    %swap3A_532 = vector.shape_cast %swap3A_531 : vector<16xf32> to vector<16xf32>
    %swap3A_533 = vector.shape_cast %broadcast_in_dim3A_529 : vector<16xf32> to vector<16xf32>
    tpu.vector_store %arg9[%swap3A_530], %swap3A_533 {strides = array<i32>} : memref<2208xf32, #tpu.memory_space<vmem>>, vector<16xf32>,
    %broadcast_in_dim3A_534 = arith.constant 0.000000e+00 : f32
    %broadcast_in_dim3A_535 = vector.broadcast %broadcast_in_dim3A_534 : f32 to vector<16xf32>
    %swap3A_536 = arith.constant 1392 : index
    %swap3A_537 = tpu.vector_load %arg9[%swap3A_536] {strides = array<i32>} : memref<2208xf32, #tpu.memory_space<vmem>>, vector<16xf32>,
    %swap3A_538 = vector.shape_cast %swap3A_537 : vector<16xf32> to vector<16xf32>
    %swap3A_539 = vector.shape_cast %broadcast_in_dim3A_535 : vector<16xf32> to vector<16xf32>
    tpu.vector_store %arg9[%swap3A_536], %swap3A_539 {strides = array<i32>} : memref<2208xf32, #tpu.memory_space<vmem>>, vector<16xf32>,
    %broadcast_in_dim3A_540 = arith.constant 0.000000e+00 : f32
    %broadcast_in_dim3A_541 = vector.broadcast %broadcast_in_dim3A_540 : f32 to vector<16xf32>
    %swap3A_542 = arith.constant 1408 : index
    %swap3A_543 = tpu.vector_load %arg9[%swap3A_542] {strides = array<i32>} : memref<2208xf32, #tpu.memory_space<vmem>>, vector<16xf32>,
    %swap3A_544 = vector.shape_cast %swap3A_543 : vector<16xf32> to vector<16xf32>
    %swap3A_545 = vector.shape_cast %broadcast_in_dim3A_541 : vector<16xf32> to vector<16xf32>
    tpu.vector_store %arg9[%swap3A_542], %swap3A_545 {strides = array<i32>} : memref<2208xf32, #tpu.memory_space<vmem>>, vector<16xf32>,
    %broadcast_in_dim3A_546 = arith.constant 0.000000e+00 : f32
    %broadcast_in_dim3A_547 = vector.broadcast %broadcast_in_dim3A_546 : f32 to vector<16xf32>
    %swap3A_548 = arith.constant 1424 : index
    %swap3A_549 = tpu.vector_load %arg9[%swap3A_548] {strides = array<i32>} : memref<2208xf32, #tpu.memory_space<vmem>>, vector<16xf32>,
    %swap3A_550 = vector.shape_cast %swap3A_549 : vector<16xf32> to vector<16xf32>
    %swap3A_551 = vector.shape_cast %broadcast_in_dim3A_547 : vector<16xf32> to vector<16xf32>
    tpu.vector_store %arg9[%swap3A_548], %swap3A_551 {strides = array<i32>} : memref<2208xf32, #tpu.memory_space<vmem>>, vector<16xf32>,
    %broadcast_in_dim3A_552 = arith.constant 0.000000e+00 : f32
    %broadcast_in_dim3A_553 = vector.broadcast %broadcast_in_dim3A_552 : f32 to vector<16xf32>
    %swap3A_554 = arith.constant 1440 : index
    %swap3A_555 = tpu.vector_load %arg9[%swap3A_554] {strides = array<i32>} : memref<2208xf32, #tpu.memory_space<vmem>>, vector<16xf32>,
    %swap3A_556 = vector.shape_cast %swap3A_555 : vector<16xf32> to vector<16xf32>
    %swap3A_557 = vector.shape_cast %broadcast_in_dim3A_553 : vector<16xf32> to vector<16xf32>
    tpu.vector_store %arg9[%swap3A_554], %swap3A_557 {strides = array<i32>} : memref<2208xf32, #tpu.memory_space<vmem>>, vector<16xf32>,
    %broadcast_in_dim3A_558 = arith.constant 0.000000e+00 : f32
    %broadcast_in_dim3A_559 = vector.broadcast %broadcast_in_dim3A_558 : f32 to vector<16xf32>
    %swap3A_560 = arith.constant 1456 : index
    %swap3A_561 = tpu.vector_load %arg9[%swap3A_560] {strides = array<i32>} : memref<2208xf32, #tpu.memory_space<vmem>>, vector<16xf32>,
    %swap3A_562 = vector.shape_cast %swap3A_561 : vector<16xf32> to vector<16xf32>
    %swap3A_563 = vector.shape_cast %broadcast_in_dim3A_559 : vector<16xf32> to vector<16xf32>
    tpu.vector_store %arg9[%swap3A_560], %swap3A_563 {strides = array<i32>} : memref<2208xf32, #tpu.memory_space<vmem>>, vector<16xf32>,
    %broadcast_in_dim3A_564 = arith.constant 0.000000e+00 : f32
    %broadcast_in_dim3A_565 = vector.broadcast %broadcast_in_dim3A_564 : f32 to vector<16xf32>
    %swap3A_566 = arith.constant 1472 : index
    %swap3A_567 = tpu.vector_load %arg9[%swap3A_566] {strides = array<i32>} : memref<2208xf32, #tpu.memory_space<vmem>>, vector<16xf32>,
    %swap3A_568 = vector.shape_cast %swap3A_567 : vector<16xf32> to vector<16xf32>
    %swap3A_569 = vector.shape_cast %broadcast_in_dim3A_565 : vector<16xf32> to vector<16xf32>
    tpu.vector_store %arg9[%swap3A_566], %swap3A_569 {strides = array<i32>} : memref<2208xf32, #tpu.memory_space<vmem>>, vector<16xf32>,
    %broadcast_in_dim3A_570 = arith.constant 0.000000e+00 : f32
    %broadcast_in_dim3A_571 = vector.broadcast %broadcast_in_dim3A_570 : f32 to vector<16xf32>
    %swap3A_572 = arith.constant 1488 : index
    %swap3A_573 = tpu.vector_load %arg9[%swap3A_572] {strides = array<i32>} : memref<2208xf32, #tpu.memory_space<vmem>>, vector<16xf32>,
    %swap3A_574 = vector.shape_cast %swap3A_573 : vector<16xf32> to vector<16xf32>
    %swap3A_575 = vector.shape_cast %broadcast_in_dim3A_571 : vector<16xf32> to vector<16xf32>
    tpu.vector_store %arg9[%swap3A_572], %swap3A_575 {strides = array<i32>} : memref<2208xf32, #tpu.memory_space<vmem>>, vector<16xf32>,
    %broadcast_in_dim3A_576 = arith.constant 0.000000e+00 : f32
    %broadcast_in_dim3A_577 = vector.broadcast %broadcast_in_dim3A_576 : f32 to vector<16xf32>
    %swap3A_578 = arith.constant 1504 : index
    %swap3A_579 = tpu.vector_load %arg9[%swap3A_578] {strides = array<i32>} : memref<2208xf32, #tpu.memory_space<vmem>>, vector<16xf32>,
    %swap3A_580 = vector.shape_cast %swap3A_579 : vector<16xf32> to vector<16xf32>
    %swap3A_581 = vector.shape_cast %broadcast_in_dim3A_577 : vector<16xf32> to vector<16xf32>
    tpu.vector_store %arg9[%swap3A_578], %swap3A_581 {strides = array<i32>} : memref<2208xf32, #tpu.memory_space<vmem>>, vector<16xf32>,
    %broadcast_in_dim3A_582 = arith.constant 0.000000e+00 : f32
    %broadcast_in_dim3A_583 = vector.broadcast %broadcast_in_dim3A_582 : f32 to vector<16xf32>
    %swap3A_584 = arith.constant 1520 : index
    %swap3A_585 = tpu.vector_load %arg9[%swap3A_584] {strides = array<i32>} : memref<2208xf32, #tpu.memory_space<vmem>>, vector<16xf32>,
    %swap3A_586 = vector.shape_cast %swap3A_585 : vector<16xf32> to vector<16xf32>
    %swap3A_587 = vector.shape_cast %broadcast_in_dim3A_583 : vector<16xf32> to vector<16xf32>
    tpu.vector_store %arg9[%swap3A_584], %swap3A_587 {strides = array<i32>} : memref<2208xf32, #tpu.memory_space<vmem>>, vector<16xf32>,
    %broadcast_in_dim3A_588 = arith.constant 0.000000e+00 : f32
    %broadcast_in_dim3A_589 = vector.broadcast %broadcast_in_dim3A_588 : f32 to vector<16xf32>
    %swap3A_590 = arith.constant 1536 : index
    %swap3A_591 = tpu.vector_load %arg9[%swap3A_590] {strides = array<i32>} : memref<2208xf32, #tpu.memory_space<vmem>>, vector<16xf32>,
    %swap3A_592 = vector.shape_cast %swap3A_591 : vector<16xf32> to vector<16xf32>
    %swap3A_593 = vector.shape_cast %broadcast_in_dim3A_589 : vector<16xf32> to vector<16xf32>
    tpu.vector_store %arg9[%swap3A_590], %swap3A_593 {strides = array<i32>} : memref<2208xf32, #tpu.memory_space<vmem>>, vector<16xf32>,
    %broadcast_in_dim3A_594 = arith.constant 0.000000e+00 : f32
    %broadcast_in_dim3A_595 = vector.broadcast %broadcast_in_dim3A_594 : f32 to vector<16xf32>
    %swap3A_596 = arith.constant 1552 : index
    %swap3A_597 = tpu.vector_load %arg9[%swap3A_596] {strides = array<i32>} : memref<2208xf32, #tpu.memory_space<vmem>>, vector<16xf32>,
    %swap3A_598 = vector.shape_cast %swap3A_597 : vector<16xf32> to vector<16xf32>
    %swap3A_599 = vector.shape_cast %broadcast_in_dim3A_595 : vector<16xf32> to vector<16xf32>
    tpu.vector_store %arg9[%swap3A_596], %swap3A_599 {strides = array<i32>} : memref<2208xf32, #tpu.memory_space<vmem>>, vector<16xf32>,
    %broadcast_in_dim3A_600 = arith.constant 0.000000e+00 : f32
    %broadcast_in_dim3A_601 = vector.broadcast %broadcast_in_dim3A_600 : f32 to vector<16xf32>
    %swap3A_602 = arith.constant 1568 : index
    %swap3A_603 = tpu.vector_load %arg9[%swap3A_602] {strides = array<i32>} : memref<2208xf32, #tpu.memory_space<vmem>>, vector<16xf32>,
    %swap3A_604 = vector.shape_cast %swap3A_603 : vector<16xf32> to vector<16xf32>
    %swap3A_605 = vector.shape_cast %broadcast_in_dim3A_601 : vector<16xf32> to vector<16xf32>
    tpu.vector_store %arg9[%swap3A_602], %swap3A_605 {strides = array<i32>} : memref<2208xf32, #tpu.memory_space<vmem>>, vector<16xf32>,
    %broadcast_in_dim3A_606 = arith.constant 0.000000e+00 : f32
    %broadcast_in_dim3A_607 = vector.broadcast %broadcast_in_dim3A_606 : f32 to vector<16xf32>
    %swap3A_608 = arith.constant 1584 : index
    %swap3A_609 = tpu.vector_load %arg9[%swap3A_608] {strides = array<i32>} : memref<2208xf32, #tpu.memory_space<vmem>>, vector<16xf32>,
    %swap3A_610 = vector.shape_cast %swap3A_609 : vector<16xf32> to vector<16xf32>
    %swap3A_611 = vector.shape_cast %broadcast_in_dim3A_607 : vector<16xf32> to vector<16xf32>
    tpu.vector_store %arg9[%swap3A_608], %swap3A_611 {strides = array<i32>} : memref<2208xf32, #tpu.memory_space<vmem>>, vector<16xf32>,
    %broadcast_in_dim3A_612 = arith.constant 0.000000e+00 : f32
    %broadcast_in_dim3A_613 = vector.broadcast %broadcast_in_dim3A_612 : f32 to vector<16xf32>
    %swap3A_614 = arith.constant 1600 : index
    %swap3A_615 = tpu.vector_load %arg9[%swap3A_614] {strides = array<i32>} : memref<2208xf32, #tpu.memory_space<vmem>>, vector<16xf32>,
    %swap3A_616 = vector.shape_cast %swap3A_615 : vector<16xf32> to vector<16xf32>
    %swap3A_617 = vector.shape_cast %broadcast_in_dim3A_613 : vector<16xf32> to vector<16xf32>
    tpu.vector_store %arg9[%swap3A_614], %swap3A_617 {strides = array<i32>} : memref<2208xf32, #tpu.memory_space<vmem>>, vector<16xf32>,
    %broadcast_in_dim3A_618 = arith.constant 0.000000e+00 : f32
    %broadcast_in_dim3A_619 = vector.broadcast %broadcast_in_dim3A_618 : f32 to vector<16xf32>
    %swap3A_620 = arith.constant 1616 : index
    %swap3A_621 = tpu.vector_load %arg9[%swap3A_620] {strides = array<i32>} : memref<2208xf32, #tpu.memory_space<vmem>>, vector<16xf32>,
    %swap3A_622 = vector.shape_cast %swap3A_621 : vector<16xf32> to vector<16xf32>
    %swap3A_623 = vector.shape_cast %broadcast_in_dim3A_619 : vector<16xf32> to vector<16xf32>
    tpu.vector_store %arg9[%swap3A_620], %swap3A_623 {strides = array<i32>} : memref<2208xf32, #tpu.memory_space<vmem>>, vector<16xf32>,
    %broadcast_in_dim3A_624 = arith.constant 0.000000e+00 : f32
    %broadcast_in_dim3A_625 = vector.broadcast %broadcast_in_dim3A_624 : f32 to vector<16xf32>
    %swap3A_626 = arith.constant 1632 : index
    %swap3A_627 = tpu.vector_load %arg9[%swap3A_626] {strides = array<i32>} : memref<2208xf32, #tpu.memory_space<vmem>>, vector<16xf32>,
    %swap3A_628 = vector.shape_cast %swap3A_627 : vector<16xf32> to vector<16xf32>
    %swap3A_629 = vector.shape_cast %broadcast_in_dim3A_625 : vector<16xf32> to vector<16xf32>
    tpu.vector_store %arg9[%swap3A_626], %swap3A_629 {strides = array<i32>} : memref<2208xf32, #tpu.memory_space<vmem>>, vector<16xf32>,
    %broadcast_in_dim3A_630 = arith.constant 0.000000e+00 : f32
    %broadcast_in_dim3A_631 = vector.broadcast %broadcast_in_dim3A_630 : f32 to vector<16xf32>
    %swap3A_632 = arith.constant 1648 : index
    %swap3A_633 = tpu.vector_load %arg9[%swap3A_632] {strides = array<i32>} : memref<2208xf32, #tpu.memory_space<vmem>>, vector<16xf32>,
    %swap3A_634 = vector.shape_cast %swap3A_633 : vector<16xf32> to vector<16xf32>
    %swap3A_635 = vector.shape_cast %broadcast_in_dim3A_631 : vector<16xf32> to vector<16xf32>
    tpu.vector_store %arg9[%swap3A_632], %swap3A_635 {strides = array<i32>} : memref<2208xf32, #tpu.memory_space<vmem>>, vector<16xf32>,
    %broadcast_in_dim3A_636 = arith.constant 0.000000e+00 : f32
    %broadcast_in_dim3A_637 = vector.broadcast %broadcast_in_dim3A_636 : f32 to vector<16xf32>
    %swap3A_638 = arith.constant 1664 : index
    %swap3A_639 = tpu.vector_load %arg9[%swap3A_638] {strides = array<i32>} : memref<2208xf32, #tpu.memory_space<vmem>>, vector<16xf32>,
    %swap3A_640 = vector.shape_cast %swap3A_639 : vector<16xf32> to vector<16xf32>
    %swap3A_641 = vector.shape_cast %broadcast_in_dim3A_637 : vector<16xf32> to vector<16xf32>
    tpu.vector_store %arg9[%swap3A_638], %swap3A_641 {strides = array<i32>} : memref<2208xf32, #tpu.memory_space<vmem>>, vector<16xf32>,
    %broadcast_in_dim3A_642 = arith.constant 0.000000e+00 : f32
    %broadcast_in_dim3A_643 = vector.broadcast %broadcast_in_dim3A_642 : f32 to vector<16xf32>
    %swap3A_644 = arith.constant 1680 : index
    %swap3A_645 = tpu.vector_load %arg9[%swap3A_644] {strides = array<i32>} : memref<2208xf32, #tpu.memory_space<vmem>>, vector<16xf32>,
    %swap3A_646 = vector.shape_cast %swap3A_645 : vector<16xf32> to vector<16xf32>
    %swap3A_647 = vector.shape_cast %broadcast_in_dim3A_643 : vector<16xf32> to vector<16xf32>
    tpu.vector_store %arg9[%swap3A_644], %swap3A_647 {strides = array<i32>} : memref<2208xf32, #tpu.memory_space<vmem>>, vector<16xf32>,
    %broadcast_in_dim3A_648 = arith.constant 0.000000e+00 : f32
    %broadcast_in_dim3A_649 = vector.broadcast %broadcast_in_dim3A_648 : f32 to vector<16xf32>
    %swap3A_650 = arith.constant 1696 : index
    %swap3A_651 = tpu.vector_load %arg9[%swap3A_650] {strides = array<i32>} : memref<2208xf32, #tpu.memory_space<vmem>>, vector<16xf32>,
    %swap3A_652 = vector.shape_cast %swap3A_651 : vector<16xf32> to vector<16xf32>
    %swap3A_653 = vector.shape_cast %broadcast_in_dim3A_649 : vector<16xf32> to vector<16xf32>
    tpu.vector_store %arg9[%swap3A_650], %swap3A_653 {strides = array<i32>} : memref<2208xf32, #tpu.memory_space<vmem>>, vector<16xf32>,
    %broadcast_in_dim3A_654 = arith.constant 0.000000e+00 : f32
    %broadcast_in_dim3A_655 = vector.broadcast %broadcast_in_dim3A_654 : f32 to vector<16xf32>
    %swap3A_656 = arith.constant 1712 : index
    %swap3A_657 = tpu.vector_load %arg9[%swap3A_656] {strides = array<i32>} : memref<2208xf32, #tpu.memory_space<vmem>>, vector<16xf32>,
    %swap3A_658 = vector.shape_cast %swap3A_657 : vector<16xf32> to vector<16xf32>
    %swap3A_659 = vector.shape_cast %broadcast_in_dim3A_655 : vector<16xf32> to vector<16xf32>
    tpu.vector_store %arg9[%swap3A_656], %swap3A_659 {strides = array<i32>} : memref<2208xf32, #tpu.memory_space<vmem>>, vector<16xf32>,
    %broadcast_in_dim3A_660 = arith.constant 0.000000e+00 : f32
    %broadcast_in_dim3A_661 = vector.broadcast %broadcast_in_dim3A_660 : f32 to vector<16xf32>
    %swap3A_662 = arith.constant 1728 : index
    %swap3A_663 = tpu.vector_load %arg9[%swap3A_662] {strides = array<i32>} : memref<2208xf32, #tpu.memory_space<vmem>>, vector<16xf32>,
    %swap3A_664 = vector.shape_cast %swap3A_663 : vector<16xf32> to vector<16xf32>
    %swap3A_665 = vector.shape_cast %broadcast_in_dim3A_661 : vector<16xf32> to vector<16xf32>
    tpu.vector_store %arg9[%swap3A_662], %swap3A_665 {strides = array<i32>} : memref<2208xf32, #tpu.memory_space<vmem>>, vector<16xf32>,
    %broadcast_in_dim3A_666 = arith.constant 0.000000e+00 : f32
    %broadcast_in_dim3A_667 = vector.broadcast %broadcast_in_dim3A_666 : f32 to vector<16xf32>
    %swap3A_668 = arith.constant 1744 : index
    %swap3A_669 = tpu.vector_load %arg9[%swap3A_668] {strides = array<i32>} : memref<2208xf32, #tpu.memory_space<vmem>>, vector<16xf32>,
    %swap3A_670 = vector.shape_cast %swap3A_669 : vector<16xf32> to vector<16xf32>
    %swap3A_671 = vector.shape_cast %broadcast_in_dim3A_667 : vector<16xf32> to vector<16xf32>
    tpu.vector_store %arg9[%swap3A_668], %swap3A_671 {strides = array<i32>} : memref<2208xf32, #tpu.memory_space<vmem>>, vector<16xf32>,
    %broadcast_in_dim3A_672 = arith.constant 0.000000e+00 : f32
    %broadcast_in_dim3A_673 = vector.broadcast %broadcast_in_dim3A_672 : f32 to vector<16xf32>
    %swap3A_674 = arith.constant 1760 : index
    %swap3A_675 = tpu.vector_load %arg9[%swap3A_674] {strides = array<i32>} : memref<2208xf32, #tpu.memory_space<vmem>>, vector<16xf32>,
    %swap3A_676 = vector.shape_cast %swap3A_675 : vector<16xf32> to vector<16xf32>
    %swap3A_677 = vector.shape_cast %broadcast_in_dim3A_673 : vector<16xf32> to vector<16xf32>
    tpu.vector_store %arg9[%swap3A_674], %swap3A_677 {strides = array<i32>} : memref<2208xf32, #tpu.memory_space<vmem>>, vector<16xf32>,
    %broadcast_in_dim3A_678 = arith.constant 0.000000e+00 : f32
    %broadcast_in_dim3A_679 = vector.broadcast %broadcast_in_dim3A_678 : f32 to vector<16xf32>
    %swap3A_680 = arith.constant 1776 : index
    %swap3A_681 = tpu.vector_load %arg9[%swap3A_680] {strides = array<i32>} : memref<2208xf32, #tpu.memory_space<vmem>>, vector<16xf32>,
    %swap3A_682 = vector.shape_cast %swap3A_681 : vector<16xf32> to vector<16xf32>
    %swap3A_683 = vector.shape_cast %broadcast_in_dim3A_679 : vector<16xf32> to vector<16xf32>
    tpu.vector_store %arg9[%swap3A_680], %swap3A_683 {strides = array<i32>} : memref<2208xf32, #tpu.memory_space<vmem>>, vector<16xf32>,
    %broadcast_in_dim3A_684 = arith.constant 0.000000e+00 : f32
    %broadcast_in_dim3A_685 = vector.broadcast %broadcast_in_dim3A_684 : f32 to vector<16xf32>
    %swap3A_686 = arith.constant 1792 : index
    %swap3A_687 = tpu.vector_load %arg9[%swap3A_686] {strides = array<i32>} : memref<2208xf32, #tpu.memory_space<vmem>>, vector<16xf32>,
    %swap3A_688 = vector.shape_cast %swap3A_687 : vector<16xf32> to vector<16xf32>
    %swap3A_689 = vector.shape_cast %broadcast_in_dim3A_685 : vector<16xf32> to vector<16xf32>
    tpu.vector_store %arg9[%swap3A_686], %swap3A_689 {strides = array<i32>} : memref<2208xf32, #tpu.memory_space<vmem>>, vector<16xf32>,
    %broadcast_in_dim3A_690 = arith.constant 0.000000e+00 : f32
    %broadcast_in_dim3A_691 = vector.broadcast %broadcast_in_dim3A_690 : f32 to vector<16xf32>
    %swap3A_692 = arith.constant 1808 : index
    %swap3A_693 = tpu.vector_load %arg9[%swap3A_692] {strides = array<i32>} : memref<2208xf32, #tpu.memory_space<vmem>>, vector<16xf32>,
    %swap3A_694 = vector.shape_cast %swap3A_693 : vector<16xf32> to vector<16xf32>
    %swap3A_695 = vector.shape_cast %broadcast_in_dim3A_691 : vector<16xf32> to vector<16xf32>
    tpu.vector_store %arg9[%swap3A_692], %swap3A_695 {strides = array<i32>} : memref<2208xf32, #tpu.memory_space<vmem>>, vector<16xf32>,
    %broadcast_in_dim3A_696 = arith.constant 0.000000e+00 : f32
    %broadcast_in_dim3A_697 = vector.broadcast %broadcast_in_dim3A_696 : f32 to vector<16xf32>
    %swap3A_698 = arith.constant 1824 : index
    %swap3A_699 = tpu.vector_load %arg9[%swap3A_698] {strides = array<i32>} : memref<2208xf32, #tpu.memory_space<vmem>>, vector<16xf32>,
    %swap3A_700 = vector.shape_cast %swap3A_699 : vector<16xf32> to vector<16xf32>
    %swap3A_701 = vector.shape_cast %broadcast_in_dim3A_697 : vector<16xf32> to vector<16xf32>
    tpu.vector_store %arg9[%swap3A_698], %swap3A_701 {strides = array<i32>} : memref<2208xf32, #tpu.memory_space<vmem>>, vector<16xf32>,
    %broadcast_in_dim3A_702 = arith.constant 0.000000e+00 : f32
    %broadcast_in_dim3A_703 = vector.broadcast %broadcast_in_dim3A_702 : f32 to vector<16xf32>
    %swap3A_704 = arith.constant 1840 : index
    %swap3A_705 = tpu.vector_load %arg9[%swap3A_704] {strides = array<i32>} : memref<2208xf32, #tpu.memory_space<vmem>>, vector<16xf32>,
    %swap3A_706 = vector.shape_cast %swap3A_705 : vector<16xf32> to vector<16xf32>
    %swap3A_707 = vector.shape_cast %broadcast_in_dim3A_703 : vector<16xf32> to vector<16xf32>
    tpu.vector_store %arg9[%swap3A_704], %swap3A_707 {strides = array<i32>} : memref<2208xf32, #tpu.memory_space<vmem>>, vector<16xf32>,
    %broadcast_in_dim3A_708 = arith.constant 0.000000e+00 : f32
    %broadcast_in_dim3A_709 = vector.broadcast %broadcast_in_dim3A_708 : f32 to vector<16xf32>
    %swap3A_710 = arith.constant 1856 : index
    %swap3A_711 = tpu.vector_load %arg9[%swap3A_710] {strides = array<i32>} : memref<2208xf32, #tpu.memory_space<vmem>>, vector<16xf32>,
    %swap3A_712 = vector.shape_cast %swap3A_711 : vector<16xf32> to vector<16xf32>
    %swap3A_713 = vector.shape_cast %broadcast_in_dim3A_709 : vector<16xf32> to vector<16xf32>
    tpu.vector_store %arg9[%swap3A_710], %swap3A_713 {strides = array<i32>} : memref<2208xf32, #tpu.memory_space<vmem>>, vector<16xf32>,
    %broadcast_in_dim3A_714 = arith.constant 0.000000e+00 : f32
    %broadcast_in_dim3A_715 = vector.broadcast %broadcast_in_dim3A_714 : f32 to vector<16xf32>
    %swap3A_716 = arith.constant 1872 : index
    %swap3A_717 = tpu.vector_load %arg9[%swap3A_716] {strides = array<i32>} : memref<2208xf32, #tpu.memory_space<vmem>>, vector<16xf32>,
    %swap3A_718 = vector.shape_cast %swap3A_717 : vector<16xf32> to vector<16xf32>
    %swap3A_719 = vector.shape_cast %broadcast_in_dim3A_715 : vector<16xf32> to vector<16xf32>
    tpu.vector_store %arg9[%swap3A_716], %swap3A_719 {strides = array<i32>} : memref<2208xf32, #tpu.memory_space<vmem>>, vector<16xf32>,
    %broadcast_in_dim3A_720 = arith.constant 0.000000e+00 : f32
    %broadcast_in_dim3A_721 = vector.broadcast %broadcast_in_dim3A_720 : f32 to vector<16xf32>
    %swap3A_722 = arith.constant 1888 : index
    %swap3A_723 = tpu.vector_load %arg9[%swap3A_722] {strides = array<i32>} : memref<2208xf32, #tpu.memory_space<vmem>>, vector<16xf32>,
    %swap3A_724 = vector.shape_cast %swap3A_723 : vector<16xf32> to vector<16xf32>
    %swap3A_725 = vector.shape_cast %broadcast_in_dim3A_721 : vector<16xf32> to vector<16xf32>
    tpu.vector_store %arg9[%swap3A_722], %swap3A_725 {strides = array<i32>} : memref<2208xf32, #tpu.memory_space<vmem>>, vector<16xf32>,
    %broadcast_in_dim3A_726 = arith.constant 0.000000e+00 : f32
    %broadcast_in_dim3A_727 = vector.broadcast %broadcast_in_dim3A_726 : f32 to vector<16xf32>
    %swap3A_728 = arith.constant 1904 : index
    %swap3A_729 = tpu.vector_load %arg9[%swap3A_728] {strides = array<i32>} : memref<2208xf32, #tpu.memory_space<vmem>>, vector<16xf32>,
    %swap3A_730 = vector.shape_cast %swap3A_729 : vector<16xf32> to vector<16xf32>
    %swap3A_731 = vector.shape_cast %broadcast_in_dim3A_727 : vector<16xf32> to vector<16xf32>
    tpu.vector_store %arg9[%swap3A_728], %swap3A_731 {strides = array<i32>} : memref<2208xf32, #tpu.memory_space<vmem>>, vector<16xf32>,
    %broadcast_in_dim3A_732 = arith.constant 0.000000e+00 : f32
    %broadcast_in_dim3A_733 = vector.broadcast %broadcast_in_dim3A_732 : f32 to vector<16xf32>
    %swap3A_734 = arith.constant 1920 : index
    %swap3A_735 = tpu.vector_load %arg9[%swap3A_734] {strides = array<i32>} : memref<2208xf32, #tpu.memory_space<vmem>>, vector<16xf32>,
    %swap3A_736 = vector.shape_cast %swap3A_735 : vector<16xf32> to vector<16xf32>
    %swap3A_737 = vector.shape_cast %broadcast_in_dim3A_733 : vector<16xf32> to vector<16xf32>
    tpu.vector_store %arg9[%swap3A_734], %swap3A_737 {strides = array<i32>} : memref<2208xf32, #tpu.memory_space<vmem>>, vector<16xf32>,
    %broadcast_in_dim3A_738 = arith.constant 0.000000e+00 : f32
    %broadcast_in_dim3A_739 = vector.broadcast %broadcast_in_dim3A_738 : f32 to vector<16xf32>
    %swap3A_740 = arith.constant 1936 : index
    %swap3A_741 = tpu.vector_load %arg9[%swap3A_740] {strides = array<i32>} : memref<2208xf32, #tpu.memory_space<vmem>>, vector<16xf32>,
    %swap3A_742 = vector.shape_cast %swap3A_741 : vector<16xf32> to vector<16xf32>
    %swap3A_743 = vector.shape_cast %broadcast_in_dim3A_739 : vector<16xf32> to vector<16xf32>
    tpu.vector_store %arg9[%swap3A_740], %swap3A_743 {strides = array<i32>} : memref<2208xf32, #tpu.memory_space<vmem>>, vector<16xf32>,
    %broadcast_in_dim3A_744 = arith.constant 0.000000e+00 : f32
    %broadcast_in_dim3A_745 = vector.broadcast %broadcast_in_dim3A_744 : f32 to vector<16xf32>
    %swap3A_746 = arith.constant 1952 : index
    %swap3A_747 = tpu.vector_load %arg9[%swap3A_746] {strides = array<i32>} : memref<2208xf32, #tpu.memory_space<vmem>>, vector<16xf32>,
    %swap3A_748 = vector.shape_cast %swap3A_747 : vector<16xf32> to vector<16xf32>
    %swap3A_749 = vector.shape_cast %broadcast_in_dim3A_745 : vector<16xf32> to vector<16xf32>
    tpu.vector_store %arg9[%swap3A_746], %swap3A_749 {strides = array<i32>} : memref<2208xf32, #tpu.memory_space<vmem>>, vector<16xf32>,
    %broadcast_in_dim3A_750 = arith.constant 0.000000e+00 : f32
    %broadcast_in_dim3A_751 = vector.broadcast %broadcast_in_dim3A_750 : f32 to vector<16xf32>
    %swap3A_752 = arith.constant 1968 : index
    %swap3A_753 = tpu.vector_load %arg9[%swap3A_752] {strides = array<i32>} : memref<2208xf32, #tpu.memory_space<vmem>>, vector<16xf32>,
    %swap3A_754 = vector.shape_cast %swap3A_753 : vector<16xf32> to vector<16xf32>
    %swap3A_755 = vector.shape_cast %broadcast_in_dim3A_751 : vector<16xf32> to vector<16xf32>
    tpu.vector_store %arg9[%swap3A_752], %swap3A_755 {strides = array<i32>} : memref<2208xf32, #tpu.memory_space<vmem>>, vector<16xf32>,
    %broadcast_in_dim3A_756 = arith.constant 0.000000e+00 : f32
    %broadcast_in_dim3A_757 = vector.broadcast %broadcast_in_dim3A_756 : f32 to vector<16xf32>
    %swap3A_758 = arith.constant 1984 : index
    %swap3A_759 = tpu.vector_load %arg9[%swap3A_758] {strides = array<i32>} : memref<2208xf32, #tpu.memory_space<vmem>>, vector<16xf32>,
    %swap3A_760 = vector.shape_cast %swap3A_759 : vector<16xf32> to vector<16xf32>
    %swap3A_761 = vector.shape_cast %broadcast_in_dim3A_757 : vector<16xf32> to vector<16xf32>
    tpu.vector_store %arg9[%swap3A_758], %swap3A_761 {strides = array<i32>} : memref<2208xf32, #tpu.memory_space<vmem>>, vector<16xf32>,
    %broadcast_in_dim3A_762 = arith.constant 0.000000e+00 : f32
    %broadcast_in_dim3A_763 = vector.broadcast %broadcast_in_dim3A_762 : f32 to vector<16xf32>
    %swap3A_764 = arith.constant 2000 : index
    %swap3A_765 = tpu.vector_load %arg9[%swap3A_764] {strides = array<i32>} : memref<2208xf32, #tpu.memory_space<vmem>>, vector<16xf32>,
    %swap3A_766 = vector.shape_cast %swap3A_765 : vector<16xf32> to vector<16xf32>
    %swap3A_767 = vector.shape_cast %broadcast_in_dim3A_763 : vector<16xf32> to vector<16xf32>
    tpu.vector_store %arg9[%swap3A_764], %swap3A_767 {strides = array<i32>} : memref<2208xf32, #tpu.memory_space<vmem>>, vector<16xf32>,
    %broadcast_in_dim3A_768 = arith.constant 0.000000e+00 : f32
    %broadcast_in_dim3A_769 = vector.broadcast %broadcast_in_dim3A_768 : f32 to vector<16xf32>
    %swap3A_770 = arith.constant 2016 : index
    %swap3A_771 = tpu.vector_load %arg9[%swap3A_770] {strides = array<i32>} : memref<2208xf32, #tpu.memory_space<vmem>>, vector<16xf32>,
    %swap3A_772 = vector.shape_cast %swap3A_771 : vector<16xf32> to vector<16xf32>
    %swap3A_773 = vector.shape_cast %broadcast_in_dim3A_769 : vector<16xf32> to vector<16xf32>
    tpu.vector_store %arg9[%swap3A_770], %swap3A_773 {strides = array<i32>} : memref<2208xf32, #tpu.memory_space<vmem>>, vector<16xf32>,
    %broadcast_in_dim3A_774 = arith.constant 0.000000e+00 : f32
    %broadcast_in_dim3A_775 = vector.broadcast %broadcast_in_dim3A_774 : f32 to vector<16xf32>
    %swap3A_776 = arith.constant 2032 : index
    %swap3A_777 = tpu.vector_load %arg9[%swap3A_776] {strides = array<i32>} : memref<2208xf32, #tpu.memory_space<vmem>>, vector<16xf32>,
    %swap3A_778 = vector.shape_cast %swap3A_777 : vector<16xf32> to vector<16xf32>
    %swap3A_779 = vector.shape_cast %broadcast_in_dim3A_775 : vector<16xf32> to vector<16xf32>
    tpu.vector_store %arg9[%swap3A_776], %swap3A_779 {strides = array<i32>} : memref<2208xf32, #tpu.memory_space<vmem>>, vector<16xf32>,
    %broadcast_in_dim3A_780 = arith.constant 0.000000e+00 : f32
    %broadcast_in_dim3A_781 = vector.broadcast %broadcast_in_dim3A_780 : f32 to vector<16xf32>
    %swap3A_782 = arith.constant 2048 : index
    %swap3A_783 = tpu.vector_load %arg9[%swap3A_782] {strides = array<i32>} : memref<2208xf32, #tpu.memory_space<vmem>>, vector<16xf32>,
    %swap3A_784 = vector.shape_cast %swap3A_783 : vector<16xf32> to vector<16xf32>
    %swap3A_785 = vector.shape_cast %broadcast_in_dim3A_781 : vector<16xf32> to vector<16xf32>
    tpu.vector_store %arg9[%swap3A_782], %swap3A_785 {strides = array<i32>} : memref<2208xf32, #tpu.memory_space<vmem>>, vector<16xf32>,
    %broadcast_in_dim3A_786 = arith.constant 0.000000e+00 : f32
    %broadcast_in_dim3A_787 = vector.broadcast %broadcast_in_dim3A_786 : f32 to vector<16xf32>
    %swap3A_788 = arith.constant 2064 : index
    %swap3A_789 = tpu.vector_load %arg9[%swap3A_788] {strides = array<i32>} : memref<2208xf32, #tpu.memory_space<vmem>>, vector<16xf32>,
    %swap3A_790 = vector.shape_cast %swap3A_789 : vector<16xf32> to vector<16xf32>
    %swap3A_791 = vector.shape_cast %broadcast_in_dim3A_787 : vector<16xf32> to vector<16xf32>
    tpu.vector_store %arg9[%swap3A_788], %swap3A_791 {strides = array<i32>} : memref<2208xf32, #tpu.memory_space<vmem>>, vector<16xf32>,
    %broadcast_in_dim3A_792 = arith.constant 0.000000e+00 : f32
    %broadcast_in_dim3A_793 = vector.broadcast %broadcast_in_dim3A_792 : f32 to vector<16xf32>
    %swap3A_794 = arith.constant 2080 : index
    %swap3A_795 = tpu.vector_load %arg9[%swap3A_794] {strides = array<i32>} : memref<2208xf32, #tpu.memory_space<vmem>>, vector<16xf32>,
    %swap3A_796 = vector.shape_cast %swap3A_795 : vector<16xf32> to vector<16xf32>
    %swap3A_797 = vector.shape_cast %broadcast_in_dim3A_793 : vector<16xf32> to vector<16xf32>
    tpu.vector_store %arg9[%swap3A_794], %swap3A_797 {strides = array<i32>} : memref<2208xf32, #tpu.memory_space<vmem>>, vector<16xf32>,
    %broadcast_in_dim3A_798 = arith.constant 0.000000e+00 : f32
    %broadcast_in_dim3A_799 = vector.broadcast %broadcast_in_dim3A_798 : f32 to vector<16xf32>
    %swap3A_800 = arith.constant 2096 : index
    %swap3A_801 = tpu.vector_load %arg9[%swap3A_800] {strides = array<i32>} : memref<2208xf32, #tpu.memory_space<vmem>>, vector<16xf32>,
    %swap3A_802 = vector.shape_cast %swap3A_801 : vector<16xf32> to vector<16xf32>
    %swap3A_803 = vector.shape_cast %broadcast_in_dim3A_799 : vector<16xf32> to vector<16xf32>
    tpu.vector_store %arg9[%swap3A_800], %swap3A_803 {strides = array<i32>} : memref<2208xf32, #tpu.memory_space<vmem>>, vector<16xf32>,
    %broadcast_in_dim3A_804 = arith.constant 0.000000e+00 : f32
    %broadcast_in_dim3A_805 = vector.broadcast %broadcast_in_dim3A_804 : f32 to vector<16xf32>
    %swap3A_806 = arith.constant 2112 : index
    %swap3A_807 = tpu.vector_load %arg9[%swap3A_806] {strides = array<i32>} : memref<2208xf32, #tpu.memory_space<vmem>>, vector<16xf32>,
    %swap3A_808 = vector.shape_cast %swap3A_807 : vector<16xf32> to vector<16xf32>
    %swap3A_809 = vector.shape_cast %broadcast_in_dim3A_805 : vector<16xf32> to vector<16xf32>
    tpu.vector_store %arg9[%swap3A_806], %swap3A_809 {strides = array<i32>} : memref<2208xf32, #tpu.memory_space<vmem>>, vector<16xf32>,
    %broadcast_in_dim3A_810 = arith.constant 0.000000e+00 : f32
    %broadcast_in_dim3A_811 = vector.broadcast %broadcast_in_dim3A_810 : f32 to vector<16xf32>
    %swap3A_812 = arith.constant 2128 : index
    %swap3A_813 = tpu.vector_load %arg9[%swap3A_812] {strides = array<i32>} : memref<2208xf32, #tpu.memory_space<vmem>>, vector<16xf32>,
    %swap3A_814 = vector.shape_cast %swap3A_813 : vector<16xf32> to vector<16xf32>
    %swap3A_815 = vector.shape_cast %broadcast_in_dim3A_811 : vector<16xf32> to vector<16xf32>
    tpu.vector_store %arg9[%swap3A_812], %swap3A_815 {strides = array<i32>} : memref<2208xf32, #tpu.memory_space<vmem>>, vector<16xf32>,
    %broadcast_in_dim3A_816 = arith.constant 0.000000e+00 : f32
    %broadcast_in_dim3A_817 = vector.broadcast %broadcast_in_dim3A_816 : f32 to vector<16xf32>
    %swap3A_818 = arith.constant 2144 : index
    %swap3A_819 = tpu.vector_load %arg9[%swap3A_818] {strides = array<i32>} : memref<2208xf32, #tpu.memory_space<vmem>>, vector<16xf32>,
    %swap3A_820 = vector.shape_cast %swap3A_819 : vector<16xf32> to vector<16xf32>
    %swap3A_821 = vector.shape_cast %broadcast_in_dim3A_817 : vector<16xf32> to vector<16xf32>
    tpu.vector_store %arg9[%swap3A_818], %swap3A_821 {strides = array<i32>} : memref<2208xf32, #tpu.memory_space<vmem>>, vector<16xf32>,
    %broadcast_in_dim3A_822 = arith.constant 0.000000e+00 : f32
    %broadcast_in_dim3A_823 = vector.broadcast %broadcast_in_dim3A_822 : f32 to vector<16xf32>
    %swap3A_824 = arith.constant 2160 : index
    %swap3A_825 = tpu.vector_load %arg9[%swap3A_824] {strides = array<i32>} : memref<2208xf32, #tpu.memory_space<vmem>>, vector<16xf32>,
    %swap3A_826 = vector.shape_cast %swap3A_825 : vector<16xf32> to vector<16xf32>
    %swap3A_827 = vector.shape_cast %broadcast_in_dim3A_823 : vector<16xf32> to vector<16xf32>
    tpu.vector_store %arg9[%swap3A_824], %swap3A_827 {strides = array<i32>} : memref<2208xf32, #tpu.memory_space<vmem>>, vector<16xf32>,
    %broadcast_in_dim3A_828 = arith.constant 0.000000e+00 : f32
    %broadcast_in_dim3A_829 = vector.broadcast %broadcast_in_dim3A_828 : f32 to vector<16xf32>
    %swap3A_830 = arith.constant 2176 : index
    %swap3A_831 = tpu.vector_load %arg9[%swap3A_830] {strides = array<i32>} : memref<2208xf32, #tpu.memory_space<vmem>>, vector<16xf32>,
    %swap3A_832 = vector.shape_cast %swap3A_831 : vector<16xf32> to vector<16xf32>
    %swap3A_833 = vector.shape_cast %broadcast_in_dim3A_829 : vector<16xf32> to vector<16xf32>
    tpu.vector_store %arg9[%swap3A_830], %swap3A_833 {strides = array<i32>} : memref<2208xf32, #tpu.memory_space<vmem>>, vector<16xf32>,
    %broadcast_in_dim3A_834 = arith.constant 0.000000e+00 : f32
    %broadcast_in_dim3A_835 = vector.broadcast %broadcast_in_dim3A_834 : f32 to vector<16xf32>
    %swap3A_836 = arith.constant 2192 : index
    %swap3A_837 = tpu.vector_load %arg9[%swap3A_836] {strides = array<i32>} : memref<2208xf32, #tpu.memory_space<vmem>>, vector<16xf32>,
    %swap3A_838 = vector.shape_cast %swap3A_837 : vector<16xf32> to vector<16xf32>
    %swap3A_839 = vector.shape_cast %broadcast_in_dim3A_835 : vector<16xf32> to vector<16xf32>
    tpu.vector_store %arg9[%swap3A_836], %swap3A_839 {strides = array<i32>} : memref<2208xf32, #tpu.memory_space<vmem>>, vector<16xf32>,
    %mul3A_840 = arith.constant 128 : i32
    %mul3A_841 = arith.muli %arg1, %mul3A_840 : i32
    %add3A_842 = arith.constant 0 : i32
    %add3A_843 = arith.addi %mul3A_841, %add3A_842 : i32
    %add3A_844 = arith.constant 1 : i32
    %add3A_845 = arith.addi %add3A_843, %add3A_844 : i32
    %iota3A = tpu.iota {dimensions = array<i32: 0>} : vector<16xi32>
    %add3A_846 = vector.broadcast %add3A_845 : i32 to vector<16xi32>
    %add3A_847 = arith.addi %iota3A, %add3A_846 : vector<16xi32>
    %convert_element_type3A = arith.sitofp %add3A_847 : vector<16xi32> to vector<16xf32>
    %swap3A_848 = arith.constant 0 : index
    %swap3A_849 = tpu.vector_load %arg12[%swap3A_848] {strides = array<i32>} : memref<128xf32, #tpu.memory_space<vmem>>, vector<16xf32>,
    %swap3A_850 = vector.shape_cast %swap3A_849 : vector<16xf32> to vector<16xf32>
    %swap3A_851 = vector.shape_cast %convert_element_type3A : vector<16xf32> to vector<16xf32>
    tpu.vector_store %arg12[%swap3A_848], %swap3A_851 {strides = array<i32>} : memref<128xf32, #tpu.memory_space<vmem>>, vector<16xf32>,
    %mul3A_852 = arith.constant 128 : i32
    %mul3A_853 = arith.muli %arg1, %mul3A_852 : i32
    %add3A_854 = arith.constant 16 : i32
    %add3A_855 = arith.addi %mul3A_853, %add3A_854 : i32
    %add3A_856 = arith.constant 1 : i32
    %add3A_857 = arith.addi %add3A_855, %add3A_856 : i32
    %iota3A_858 = tpu.iota {dimensions = array<i32: 0>} : vector<16xi32>
    %add3A_859 = vector.broadcast %add3A_857 : i32 to vector<16xi32>
    %add3A_860 = arith.addi %iota3A_858, %add3A_859 : vector<16xi32>
    %convert_element_type3A_861 = arith.sitofp %add3A_860 : vector<16xi32> to vector<16xf32>
    %swap3A_862 = arith.constant 16 : index
    %swap3A_863 = tpu.vector_load %arg12[%swap3A_862] {strides = array<i32>} : memref<128xf32, #tpu.memory_space<vmem>>, vector<16xf32>,
    %swap3A_864 = vector.shape_cast %swap3A_863 : vector<16xf32> to vector<16xf32>
    %swap3A_865 = vector.shape_cast %convert_element_type3A_861 : vector<16xf32> to vector<16xf32>
    tpu.vector_store %arg12[%swap3A_862], %swap3A_865 {strides = array<i32>} : memref<128xf32, #tpu.memory_space<vmem>>, vector<16xf32>,
    %mul3A_866 = arith.constant 128 : i32
    %mul3A_867 = arith.muli %arg1, %mul3A_866 : i32
    %add3A_868 = arith.constant 32 : i32
    %add3A_869 = arith.addi %mul3A_867, %add3A_868 : i32
    %add3A_870 = arith.constant 1 : i32
    %add3A_871 = arith.addi %add3A_869, %add3A_870 : i32
    %iota3A_872 = tpu.iota {dimensions = array<i32: 0>} : vector<16xi32>
    %add3A_873 = vector.broadcast %add3A_871 : i32 to vector<16xi32>
    %add3A_874 = arith.addi %iota3A_872, %add3A_873 : vector<16xi32>
    %convert_element_type3A_875 = arith.sitofp %add3A_874 : vector<16xi32> to vector<16xf32>
    %swap3A_876 = arith.constant 32 : index
    %swap3A_877 = tpu.vector_load %arg12[%swap3A_876] {strides = array<i32>} : memref<128xf32, #tpu.memory_space<vmem>>, vector<16xf32>,
    %swap3A_878 = vector.shape_cast %swap3A_877 : vector<16xf32> to vector<16xf32>
    %swap3A_879 = vector.shape_cast %convert_element_type3A_875 : vector<16xf32> to vector<16xf32>
    tpu.vector_store %arg12[%swap3A_876], %swap3A_879 {strides = array<i32>} : memref<128xf32, #tpu.memory_space<vmem>>, vector<16xf32>,
    %mul3A_880 = arith.constant 128 : i32
    %mul3A_881 = arith.muli %arg1, %mul3A_880 : i32
    %add3A_882 = arith.constant 48 : i32
    %add3A_883 = arith.addi %mul3A_881, %add3A_882 : i32
    %add3A_884 = arith.constant 1 : i32
    %add3A_885 = arith.addi %add3A_883, %add3A_884 : i32
    %iota3A_886 = tpu.iota {dimensions = array<i32: 0>} : vector<16xi32>
    %add3A_887 = vector.broadcast %add3A_885 : i32 to vector<16xi32>
    %add3A_888 = arith.addi %iota3A_886, %add3A_887 : vector<16xi32>
    %convert_element_type3A_889 = arith.sitofp %add3A_888 : vector<16xi32> to vector<16xf32>
    %swap3A_890 = arith.constant 48 : index
    %swap3A_891 = tpu.vector_load %arg12[%swap3A_890] {strides = array<i32>} : memref<128xf32, #tpu.memory_space<vmem>>, vector<16xf32>,
    %swap3A_892 = vector.shape_cast %swap3A_891 : vector<16xf32> to vector<16xf32>
    %swap3A_893 = vector.shape_cast %convert_element_type3A_889 : vector<16xf32> to vector<16xf32>
    tpu.vector_store %arg12[%swap3A_890], %swap3A_893 {strides = array<i32>} : memref<128xf32, #tpu.memory_space<vmem>>, vector<16xf32>,
    %mul3A_894 = arith.constant 128 : i32
    %mul3A_895 = arith.muli %arg1, %mul3A_894 : i32
    %add3A_896 = arith.constant 64 : i32
    %add3A_897 = arith.addi %mul3A_895, %add3A_896 : i32
    %add3A_898 = arith.constant 1 : i32
    %add3A_899 = arith.addi %add3A_897, %add3A_898 : i32
    %iota3A_900 = tpu.iota {dimensions = array<i32: 0>} : vector<16xi32>
    %add3A_901 = vector.broadcast %add3A_899 : i32 to vector<16xi32>
    %add3A_902 = arith.addi %iota3A_900, %add3A_901 : vector<16xi32>
    %convert_element_type3A_903 = arith.sitofp %add3A_902 : vector<16xi32> to vector<16xf32>
    %swap3A_904 = arith.constant 64 : index
    %swap3A_905 = tpu.vector_load %arg12[%swap3A_904] {strides = array<i32>} : memref<128xf32, #tpu.memory_space<vmem>>, vector<16xf32>,
    %swap3A_906 = vector.shape_cast %swap3A_905 : vector<16xf32> to vector<16xf32>
    %swap3A_907 = vector.shape_cast %convert_element_type3A_903 : vector<16xf32> to vector<16xf32>
    tpu.vector_store %arg12[%swap3A_904], %swap3A_907 {strides = array<i32>} : memref<128xf32, #tpu.memory_space<vmem>>, vector<16xf32>,
    %mul3A_908 = arith.constant 128 : i32
    %mul3A_909 = arith.muli %arg1, %mul3A_908 : i32
    %add3A_910 = arith.constant 80 : i32
    %add3A_911 = arith.addi %mul3A_909, %add3A_910 : i32
    %add3A_912 = arith.constant 1 : i32
    %add3A_913 = arith.addi %add3A_911, %add3A_912 : i32
    %iota3A_914 = tpu.iota {dimensions = array<i32: 0>} : vector<16xi32>
    %add3A_915 = vector.broadcast %add3A_913 : i32 to vector<16xi32>
    %add3A_916 = arith.addi %iota3A_914, %add3A_915 : vector<16xi32>
    %convert_element_type3A_917 = arith.sitofp %add3A_916 : vector<16xi32> to vector<16xf32>
    %swap3A_918 = arith.constant 80 : index
    %swap3A_919 = tpu.vector_load %arg12[%swap3A_918] {strides = array<i32>} : memref<128xf32, #tpu.memory_space<vmem>>, vector<16xf32>,
    %swap3A_920 = vector.shape_cast %swap3A_919 : vector<16xf32> to vector<16xf32>
    %swap3A_921 = vector.shape_cast %convert_element_type3A_917 : vector<16xf32> to vector<16xf32>
    tpu.vector_store %arg12[%swap3A_918], %swap3A_921 {strides = array<i32>} : memref<128xf32, #tpu.memory_space<vmem>>, vector<16xf32>,
    %mul3A_922 = arith.constant 128 : i32
    %mul3A_923 = arith.muli %arg1, %mul3A_922 : i32
    %add3A_924 = arith.constant 96 : i32
    %add3A_925 = arith.addi %mul3A_923, %add3A_924 : i32
    %add3A_926 = arith.constant 1 : i32
    %add3A_927 = arith.addi %add3A_925, %add3A_926 : i32
    %iota3A_928 = tpu.iota {dimensions = array<i32: 0>} : vector<16xi32>
    %add3A_929 = vector.broadcast %add3A_927 : i32 to vector<16xi32>
    %add3A_930 = arith.addi %iota3A_928, %add3A_929 : vector<16xi32>
    %convert_element_type3A_931 = arith.sitofp %add3A_930 : vector<16xi32> to vector<16xf32>
    %swap3A_932 = arith.constant 96 : index
    %swap3A_933 = tpu.vector_load %arg12[%swap3A_932] {strides = array<i32>} : memref<128xf32, #tpu.memory_space<vmem>>, vector<16xf32>,
    %swap3A_934 = vector.shape_cast %swap3A_933 : vector<16xf32> to vector<16xf32>
    %swap3A_935 = vector.shape_cast %convert_element_type3A_931 : vector<16xf32> to vector<16xf32>
    tpu.vector_store %arg12[%swap3A_932], %swap3A_935 {strides = array<i32>} : memref<128xf32, #tpu.memory_space<vmem>>, vector<16xf32>,
    %mul3A_936 = arith.constant 128 : i32
    %mul3A_937 = arith.muli %arg1, %mul3A_936 : i32
    %add3A_938 = arith.constant 112 : i32
    %add3A_939 = arith.addi %mul3A_937, %add3A_938 : i32
    %add3A_940 = arith.constant 1 : i32
    %add3A_941 = arith.addi %add3A_939, %add3A_940 : i32
    %iota3A_942 = tpu.iota {dimensions = array<i32: 0>} : vector<16xi32>
    %add3A_943 = vector.broadcast %add3A_941 : i32 to vector<16xi32>
    %add3A_944 = arith.addi %iota3A_942, %add3A_943 : vector<16xi32>
    %convert_element_type3A_945 = arith.sitofp %add3A_944 : vector<16xi32> to vector<16xf32>
    %swap3A_946 = arith.constant 112 : index
    %swap3A_947 = tpu.vector_load %arg12[%swap3A_946] {strides = array<i32>} : memref<128xf32, #tpu.memory_space<vmem>>, vector<16xf32>,
    %swap3A_948 = vector.shape_cast %swap3A_947 : vector<16xf32> to vector<16xf32>
    %swap3A_949 = vector.shape_cast %convert_element_type3A_945 : vector<16xf32> to vector<16xf32>
    tpu.vector_store %arg12[%swap3A_946], %swap3A_949 {strides = array<i32>} : memref<128xf32, #tpu.memory_space<vmem>>, vector<16xf32>,
    %mul3A_950 = arith.constant 2208 : i32
    %mul3A_951 = arith.muli %arg1, %mul3A_950 : i32
    "tpu.region"() ({
      %run_scoped3A = tpu.sem_alloc : memref<!tpu.dma_semaphore, #tpu.memory_space<semaphore_mem>>
      %dma_start3A_1103 = tpu.memref_slice %arg21[%mul3A_951] : memref<35328xf32, #tpu.memory_space<vmem_shared>> -> memref<2208xf32, #tpu.memory_space<vmem_shared>>
      %dma_start3A_1104 = tpu.memref_slice %arg21[%mul3A_951] : memref<35328xf32, #tpu.memory_space<vmem_shared>> -> memref<2208xf32, #tpu.memory_space<vmem_shared>>
      tpu.enqueue_dma source(%arg9 : memref<2208xf32, #tpu.memory_space<vmem>>) target(%dma_start3A_1104 : memref<2208xf32, #tpu.memory_space<vmem_shared>>) target_semaphore(%run_scoped3A : memref<!tpu.dma_semaphore, #tpu.memory_space<semaphore_mem>>)
      %dma_wait3A_1105 = tpu.memref_slice %arg21[%mul3A_951] : memref<35328xf32, #tpu.memory_space<vmem_shared>> -> memref<2208xf32, #tpu.memory_space<vmem_shared>>
      %dma_wait3A_1106 = tpu.memref_slice %arg21[%mul3A_951] : memref<35328xf32, #tpu.memory_space<vmem_shared>> -> memref<2208xf32, #tpu.memory_space<vmem_shared>>
      tpu.wait_dma2 semaphore(%run_scoped3A : memref<!tpu.dma_semaphore, #tpu.memory_space<semaphore_mem>>) src(%arg9 : memref<2208xf32, #tpu.memory_space<vmem>>) dst(%dma_wait3A_1106 : memref<2208xf32, #tpu.memory_space<vmem_shared>>)
      tpu.yield
    }) : () -> ()
    %barrier3A = arith.constant 0 : index
    tpu.barrier barrier_id(%barrier3A)
    %dma_wait3A = tpu.memref_slice %arg2[%mul3A_4] : memref<2048xi32, #tpu.memory_space<hbm>> -> memref<128xi32, #tpu.memory_space<hbm>>
    %dma_wait3A_952 = tpu.memref_slice %arg2[%mul3A_4] : memref<2048xi32, #tpu.memory_space<hbm>> -> memref<128xi32, #tpu.memory_space<hbm>>
    tpu.wait_dma2 semaphore(%arg22 : memref<!tpu.dma_semaphore, #tpu.memory_space<semaphore_mem>>) src(%dma_wait3A_952 : memref<128xi32, #tpu.memory_space<hbm>>) dst(%arg10 : memref<128xi32, #tpu.memory_space<vmem>>)
    "tpu.region"() ({
      %run_scoped3A = tpu.sem_alloc : memref<!tpu.dma_semaphore, #tpu.memory_space<semaphore_mem>>
      %dma_start3A_1103 = arith.constant 0 : i32
      %dma_start3A_1104 = tpu.memref_slice %arg21[%dma_start3A_1103] : memref<35328xf32, #tpu.memory_space<vmem_shared>> -> memref<35328xf32, #tpu.memory_space<vmem_shared>>
      tpu.enqueue_indirect_dma source(%arg12 : memref<128xf32, #tpu.memory_space<vmem>>) target(%dma_start3A_1104 : memref<35328xf32, #tpu.memory_space<vmem_shared>>) offsets(%arg10 : memref<128xi32, #tpu.memory_space<vmem>>) semaphore(%run_scoped3A : memref<!tpu.dma_semaphore, #tpu.memory_space<semaphore_mem>>) {add = true}
      %dma_wait3A_1105 = arith.constant 0 : i32
      %dma_wait3A_1106 = tpu.memref_slice %arg21[%dma_wait3A_1105] : memref<35328xf32, #tpu.memory_space<vmem_shared>> -> memref<35328xf32, #tpu.memory_space<vmem_shared>>
      tpu.wait_indirect_dma semaphore(%run_scoped3A : memref<!tpu.dma_semaphore, #tpu.memory_space<semaphore_mem>>) src(%arg12 : memref<128xf32, #tpu.memory_space<vmem>>) dst(%dma_wait3A_1106 : memref<35328xf32, #tpu.memory_space<vmem_shared>>)
      tpu.yield
    }) : () -> ()
    %dma_wait3A_953 = tpu.memref_slice %arg3[%mul3A_7] : memref<2048xi32, #tpu.memory_space<hbm>> -> memref<128xi32, #tpu.memory_space<hbm>>
    %dma_wait3A_954 = tpu.memref_slice %arg3[%mul3A_7] : memref<2048xi32, #tpu.memory_space<hbm>> -> memref<128xi32, #tpu.memory_space<hbm>>
    tpu.wait_dma2 semaphore(%arg23 : memref<!tpu.dma_semaphore, #tpu.memory_space<semaphore_mem>>) src(%dma_wait3A_954 : memref<128xi32, #tpu.memory_space<hbm>>) dst(%arg11 : memref<128xi32, #tpu.memory_space<vmem>>)
    "tpu.region"() ({
      %run_scoped3A = tpu.sem_alloc : memref<!tpu.dma_semaphore, #tpu.memory_space<semaphore_mem>>
      %dma_start3A_1103 = arith.constant 0 : i32
      %dma_start3A_1104 = tpu.memref_slice %arg21[%dma_start3A_1103] : memref<35328xf32, #tpu.memory_space<vmem_shared>> -> memref<35328xf32, #tpu.memory_space<vmem_shared>>
      tpu.enqueue_indirect_dma source(%arg12 : memref<128xf32, #tpu.memory_space<vmem>>) target(%dma_start3A_1104 : memref<35328xf32, #tpu.memory_space<vmem_shared>>) offsets(%arg11 : memref<128xi32, #tpu.memory_space<vmem>>) semaphore(%run_scoped3A : memref<!tpu.dma_semaphore, #tpu.memory_space<semaphore_mem>>) {add = true}
      %dma_wait3A_1105 = arith.constant 0 : i32
      %dma_wait3A_1106 = tpu.memref_slice %arg21[%dma_wait3A_1105] : memref<35328xf32, #tpu.memory_space<vmem_shared>> -> memref<35328xf32, #tpu.memory_space<vmem_shared>>
      tpu.wait_indirect_dma semaphore(%run_scoped3A : memref<!tpu.dma_semaphore, #tpu.memory_space<semaphore_mem>>) src(%arg12 : memref<128xf32, #tpu.memory_space<vmem>>) dst(%dma_wait3A_1106 : memref<35328xf32, #tpu.memory_space<vmem_shared>>)
      tpu.yield
    }) : () -> ()
    %barrier3A_955 = arith.constant 0 : index
    tpu.barrier barrier_id(%barrier3A_955)
    %dma_wait3A_956 = tpu.memref_slice %arg4[%mul3A_2] : memref<2048xi32, #tpu.memory_space<hbm>> -> memref<64xi32, #tpu.memory_space<hbm>>
    %dma_wait3A_957 = tpu.memref_slice %arg4[%mul3A_2] : memref<2048xi32, #tpu.memory_space<hbm>> -> memref<64xi32, #tpu.memory_space<hbm>>
    tpu.wait_dma2 semaphore(%arg24 : memref<!tpu.dma_semaphore, #tpu.memory_space<semaphore_mem>>) src(%dma_wait3A_957 : memref<64xi32, #tpu.memory_space<hbm>>) dst(%arg13 : memref<64xi32, #tpu.memory_space<vmem>>)
    %dma_wait3A_958 = tpu.memref_slice %arg5[%mul3A_2] : memref<2048xi32, #tpu.memory_space<hbm>> -> memref<64xi32, #tpu.memory_space<hbm>>
    %dma_wait3A_959 = tpu.memref_slice %arg5[%mul3A_2] : memref<2048xi32, #tpu.memory_space<hbm>> -> memref<64xi32, #tpu.memory_space<hbm>>
    tpu.wait_dma2 semaphore(%arg25 : memref<!tpu.dma_semaphore, #tpu.memory_space<semaphore_mem>>) src(%dma_wait3A_959 : memref<64xi32, #tpu.memory_space<hbm>>) dst(%arg14 : memref<64xi32, #tpu.memory_space<vmem>>)
    "tpu.region"() ({
      %run_scoped3A = tpu.sem_alloc : memref<!tpu.dma_semaphore, #tpu.memory_space<semaphore_mem>>
      %dma_start3A_1103 = arith.constant 0 : i32
      %dma_start3A_1104 = tpu.memref_slice %arg21[%dma_start3A_1103] : memref<35328xf32, #tpu.memory_space<vmem_shared>> -> memref<35328xf32, #tpu.memory_space<vmem_shared>>
      tpu.enqueue_indirect_dma source(%dma_start3A_1104 : memref<35328xf32, #tpu.memory_space<vmem_shared>>) target(%arg15 : memref<64xf32, #tpu.memory_space<vmem>>) offsets(%arg13 : memref<64xi32, #tpu.memory_space<vmem>>) semaphore(%run_scoped3A : memref<!tpu.dma_semaphore, #tpu.memory_space<semaphore_mem>>)
      %dma_wait3A_1105 = arith.constant 0 : i32
      %dma_wait3A_1106 = tpu.memref_slice %arg21[%dma_wait3A_1105] : memref<35328xf32, #tpu.memory_space<vmem_shared>> -> memref<35328xf32, #tpu.memory_space<vmem_shared>>
      tpu.wait_indirect_dma semaphore(%run_scoped3A : memref<!tpu.dma_semaphore, #tpu.memory_space<semaphore_mem>>) src(%dma_wait3A_1106 : memref<35328xf32, #tpu.memory_space<vmem_shared>>) dst(%arg15 : memref<64xf32, #tpu.memory_space<vmem>>)
      tpu.yield
    }) : () -> ()
    "tpu.region"() ({
      %run_scoped3A = tpu.sem_alloc : memref<!tpu.dma_semaphore, #tpu.memory_space<semaphore_mem>>
      %dma_start3A_1103 = arith.constant 0 : i32
      %dma_start3A_1104 = tpu.memref_slice %arg21[%dma_start3A_1103] : memref<35328xf32, #tpu.memory_space<vmem_shared>> -> memref<35328xf32, #tpu.memory_space<vmem_shared>>
      tpu.enqueue_indirect_dma source(%dma_start3A_1104 : memref<35328xf32, #tpu.memory_space<vmem_shared>>) target(%arg16 : memref<64xf32, #tpu.memory_space<vmem>>) offsets(%arg14 : memref<64xi32, #tpu.memory_space<vmem>>) semaphore(%run_scoped3A : memref<!tpu.dma_semaphore, #tpu.memory_space<semaphore_mem>>)
      %dma_wait3A_1105 = arith.constant 0 : i32
      %dma_wait3A_1106 = tpu.memref_slice %arg21[%dma_wait3A_1105] : memref<35328xf32, #tpu.memory_space<vmem_shared>> -> memref<35328xf32, #tpu.memory_space<vmem_shared>>
      tpu.wait_indirect_dma semaphore(%run_scoped3A : memref<!tpu.dma_semaphore, #tpu.memory_space<semaphore_mem>>) src(%dma_wait3A_1106 : memref<35328xf32, #tpu.memory_space<vmem_shared>>) dst(%arg16 : memref<64xf32, #tpu.memory_space<vmem>>)
      tpu.yield
    }) : () -> ()
    %get3A = arith.constant 0 : index
    %get3A_960 = tpu.vector_load %arg15[%get3A] {strides = array<i32>} : memref<64xf32, #tpu.memory_space<vmem>>, vector<16xf32>,
    %get3A_961 = vector.shape_cast %get3A_960 : vector<16xf32> to vector<16xf32>
    %eq3A = arith.constant 0.000000e+00 : f32
    %eq3A_962 = vector.broadcast %eq3A : f32 to vector<16xf32>
    %eq3A_963 = arith.cmpf oeq, %get3A_961, %eq3A_962 : vector<16xf32>
    %sub3A = arith.constant 1.000000e+00 : f32
    %sub3A_964 = vector.broadcast %sub3A : f32 to vector<16xf32>
    %sub3A_965 = arith.subf %get3A_961, %sub3A_964 : vector<16xf32>
    %jit3A = arith.constant 2.048000e+03 : f32
    %broadcast_in_dim3A_966 = vector.broadcast %jit3A : f32 to vector<16xf32>
    %select_n3A = arith.select %eq3A_963, %broadcast_in_dim3A_966, %sub3A_965 : vector<16xi1>, vector<16xf32>
    %convert_element_type3A_967 = arith.fptosi %select_n3A : vector<16xf32> to vector<16xi32>
    %swap3A_968 = arith.constant 0 : index
    %swap3A_969 = tpu.vector_load %arg17[%swap3A_968] {strides = array<i32>} : memref<64xi32, #tpu.memory_space<vmem>>, vector<16xi32>,
    %swap3A_970 = vector.shape_cast %swap3A_969 : vector<16xi32> to vector<16xi32>
    %swap3A_971 = vector.shape_cast %convert_element_type3A_967 : vector<16xi32> to vector<16xi32>
    tpu.vector_store %arg17[%swap3A_968], %swap3A_971 {strides = array<i32>} : memref<64xi32, #tpu.memory_space<vmem>>, vector<16xi32>,
    %get3A_972 = arith.constant 16 : index
    %get3A_973 = tpu.vector_load %arg15[%get3A_972] {strides = array<i32>} : memref<64xf32, #tpu.memory_space<vmem>>, vector<16xf32>,
    %get3A_974 = vector.shape_cast %get3A_973 : vector<16xf32> to vector<16xf32>
    %eq3A_975 = arith.constant 0.000000e+00 : f32
    %eq3A_976 = vector.broadcast %eq3A_975 : f32 to vector<16xf32>
    %eq3A_977 = arith.cmpf oeq, %get3A_974, %eq3A_976 : vector<16xf32>
    %sub3A_978 = arith.constant 1.000000e+00 : f32
    %sub3A_979 = vector.broadcast %sub3A_978 : f32 to vector<16xf32>
    %sub3A_980 = arith.subf %get3A_974, %sub3A_979 : vector<16xf32>
    %jit3A_981 = arith.constant 2.048000e+03 : f32
    %broadcast_in_dim3A_982 = vector.broadcast %jit3A_981 : f32 to vector<16xf32>
    %select_n3A_983 = arith.select %eq3A_977, %broadcast_in_dim3A_982, %sub3A_980 : vector<16xi1>, vector<16xf32>
    %convert_element_type3A_984 = arith.fptosi %select_n3A_983 : vector<16xf32> to vector<16xi32>
    %swap3A_985 = arith.constant 16 : index
    %swap3A_986 = tpu.vector_load %arg17[%swap3A_985] {strides = array<i32>} : memref<64xi32, #tpu.memory_space<vmem>>, vector<16xi32>,
    %swap3A_987 = vector.shape_cast %swap3A_986 : vector<16xi32> to vector<16xi32>
    %swap3A_988 = vector.shape_cast %convert_element_type3A_984 : vector<16xi32> to vector<16xi32>
    tpu.vector_store %arg17[%swap3A_985], %swap3A_988 {strides = array<i32>} : memref<64xi32, #tpu.memory_space<vmem>>, vector<16xi32>,
    %get3A_989 = arith.constant 32 : index
    %get3A_990 = tpu.vector_load %arg15[%get3A_989] {strides = array<i32>} : memref<64xf32, #tpu.memory_space<vmem>>, vector<16xf32>,
    %get3A_991 = vector.shape_cast %get3A_990 : vector<16xf32> to vector<16xf32>
    %eq3A_992 = arith.constant 0.000000e+00 : f32
    %eq3A_993 = vector.broadcast %eq3A_992 : f32 to vector<16xf32>
    %eq3A_994 = arith.cmpf oeq, %get3A_991, %eq3A_993 : vector<16xf32>
    %sub3A_995 = arith.constant 1.000000e+00 : f32
    %sub3A_996 = vector.broadcast %sub3A_995 : f32 to vector<16xf32>
    %sub3A_997 = arith.subf %get3A_991, %sub3A_996 : vector<16xf32>
    %jit3A_998 = arith.constant 2.048000e+03 : f32
    %broadcast_in_dim3A_999 = vector.broadcast %jit3A_998 : f32 to vector<16xf32>
    %select_n3A_1000 = arith.select %eq3A_994, %broadcast_in_dim3A_999, %sub3A_997 : vector<16xi1>, vector<16xf32>
    %convert_element_type3A_1001 = arith.fptosi %select_n3A_1000 : vector<16xf32> to vector<16xi32>
    %swap3A_1002 = arith.constant 32 : index
    %swap3A_1003 = tpu.vector_load %arg17[%swap3A_1002] {strides = array<i32>} : memref<64xi32, #tpu.memory_space<vmem>>, vector<16xi32>,
    %swap3A_1004 = vector.shape_cast %swap3A_1003 : vector<16xi32> to vector<16xi32>
    %swap3A_1005 = vector.shape_cast %convert_element_type3A_1001 : vector<16xi32> to vector<16xi32>
    tpu.vector_store %arg17[%swap3A_1002], %swap3A_1005 {strides = array<i32>} : memref<64xi32, #tpu.memory_space<vmem>>, vector<16xi32>,
    %get3A_1006 = arith.constant 48 : index
    %get3A_1007 = tpu.vector_load %arg15[%get3A_1006] {strides = array<i32>} : memref<64xf32, #tpu.memory_space<vmem>>, vector<16xf32>,
    %get3A_1008 = vector.shape_cast %get3A_1007 : vector<16xf32> to vector<16xf32>
    %eq3A_1009 = arith.constant 0.000000e+00 : f32
    %eq3A_1010 = vector.broadcast %eq3A_1009 : f32 to vector<16xf32>
    %eq3A_1011 = arith.cmpf oeq, %get3A_1008, %eq3A_1010 : vector<16xf32>
    %sub3A_1012 = arith.constant 1.000000e+00 : f32
    %sub3A_1013 = vector.broadcast %sub3A_1012 : f32 to vector<16xf32>
    %sub3A_1014 = arith.subf %get3A_1008, %sub3A_1013 : vector<16xf32>
    %jit3A_1015 = arith.constant 2.048000e+03 : f32
    %broadcast_in_dim3A_1016 = vector.broadcast %jit3A_1015 : f32 to vector<16xf32>
    %select_n3A_1017 = arith.select %eq3A_1011, %broadcast_in_dim3A_1016, %sub3A_1014 : vector<16xi1>, vector<16xf32>
    %convert_element_type3A_1018 = arith.fptosi %select_n3A_1017 : vector<16xf32> to vector<16xi32>
    %swap3A_1019 = arith.constant 48 : index
    %swap3A_1020 = tpu.vector_load %arg17[%swap3A_1019] {strides = array<i32>} : memref<64xi32, #tpu.memory_space<vmem>>, vector<16xi32>,
    %swap3A_1021 = vector.shape_cast %swap3A_1020 : vector<16xi32> to vector<16xi32>
    %swap3A_1022 = vector.shape_cast %convert_element_type3A_1018 : vector<16xi32> to vector<16xi32>
    tpu.vector_store %arg17[%swap3A_1019], %swap3A_1022 {strides = array<i32>} : memref<64xi32, #tpu.memory_space<vmem>>, vector<16xi32>,
    %get3A_1023 = arith.constant 0 : index
    %get3A_1024 = tpu.vector_load %arg16[%get3A_1023] {strides = array<i32>} : memref<64xf32, #tpu.memory_space<vmem>>, vector<16xf32>,
    %get3A_1025 = vector.shape_cast %get3A_1024 : vector<16xf32> to vector<16xf32>
    %eq3A_1026 = arith.constant 0.000000e+00 : f32
    %eq3A_1027 = vector.broadcast %eq3A_1026 : f32 to vector<16xf32>
    %eq3A_1028 = arith.cmpf oeq, %get3A_1025, %eq3A_1027 : vector<16xf32>
    %sub3A_1029 = arith.constant 1.000000e+00 : f32
    %sub3A_1030 = vector.broadcast %sub3A_1029 : f32 to vector<16xf32>
    %sub3A_1031 = arith.subf %get3A_1025, %sub3A_1030 : vector<16xf32>
    %jit3A_1032 = arith.constant 2.048000e+03 : f32
    %broadcast_in_dim3A_1033 = vector.broadcast %jit3A_1032 : f32 to vector<16xf32>
    %select_n3A_1034 = arith.select %eq3A_1028, %broadcast_in_dim3A_1033, %sub3A_1031 : vector<16xi1>, vector<16xf32>
    %convert_element_type3A_1035 = arith.fptosi %select_n3A_1034 : vector<16xf32> to vector<16xi32>
    %swap3A_1036 = arith.constant 0 : index
    %swap3A_1037 = tpu.vector_load %arg18[%swap3A_1036] {strides = array<i32>} : memref<64xi32, #tpu.memory_space<vmem>>, vector<16xi32>,
    %swap3A_1038 = vector.shape_cast %swap3A_1037 : vector<16xi32> to vector<16xi32>
    %swap3A_1039 = vector.shape_cast %convert_element_type3A_1035 : vector<16xi32> to vector<16xi32>
    tpu.vector_store %arg18[%swap3A_1036], %swap3A_1039 {strides = array<i32>} : memref<64xi32, #tpu.memory_space<vmem>>, vector<16xi32>,
    %get3A_1040 = arith.constant 16 : index
    %get3A_1041 = tpu.vector_load %arg16[%get3A_1040] {strides = array<i32>} : memref<64xf32, #tpu.memory_space<vmem>>, vector<16xf32>,
    %get3A_1042 = vector.shape_cast %get3A_1041 : vector<16xf32> to vector<16xf32>
    %eq3A_1043 = arith.constant 0.000000e+00 : f32
    %eq3A_1044 = vector.broadcast %eq3A_1043 : f32 to vector<16xf32>
    %eq3A_1045 = arith.cmpf oeq, %get3A_1042, %eq3A_1044 : vector<16xf32>
    %sub3A_1046 = arith.constant 1.000000e+00 : f32
    %sub3A_1047 = vector.broadcast %sub3A_1046 : f32 to vector<16xf32>
    %sub3A_1048 = arith.subf %get3A_1042, %sub3A_1047 : vector<16xf32>
    %jit3A_1049 = arith.constant 2.048000e+03 : f32
    %broadcast_in_dim3A_1050 = vector.broadcast %jit3A_1049 : f32 to vector<16xf32>
    %select_n3A_1051 = arith.select %eq3A_1045, %broadcast_in_dim3A_1050, %sub3A_1048 : vector<16xi1>, vector<16xf32>
    %convert_element_type3A_1052 = arith.fptosi %select_n3A_1051 : vector<16xf32> to vector<16xi32>
    %swap3A_1053 = arith.constant 16 : index
    %swap3A_1054 = tpu.vector_load %arg18[%swap3A_1053] {strides = array<i32>} : memref<64xi32, #tpu.memory_space<vmem>>, vector<16xi32>,
    %swap3A_1055 = vector.shape_cast %swap3A_1054 : vector<16xi32> to vector<16xi32>
    %swap3A_1056 = vector.shape_cast %convert_element_type3A_1052 : vector<16xi32> to vector<16xi32>
    tpu.vector_store %arg18[%swap3A_1053], %swap3A_1056 {strides = array<i32>} : memref<64xi32, #tpu.memory_space<vmem>>, vector<16xi32>,
    %get3A_1057 = arith.constant 32 : index
    %get3A_1058 = tpu.vector_load %arg16[%get3A_1057] {strides = array<i32>} : memref<64xf32, #tpu.memory_space<vmem>>, vector<16xf32>,
    %get3A_1059 = vector.shape_cast %get3A_1058 : vector<16xf32> to vector<16xf32>
    %eq3A_1060 = arith.constant 0.000000e+00 : f32
    %eq3A_1061 = vector.broadcast %eq3A_1060 : f32 to vector<16xf32>
    %eq3A_1062 = arith.cmpf oeq, %get3A_1059, %eq3A_1061 : vector<16xf32>
    %sub3A_1063 = arith.constant 1.000000e+00 : f32
    %sub3A_1064 = vector.broadcast %sub3A_1063 : f32 to vector<16xf32>
    %sub3A_1065 = arith.subf %get3A_1059, %sub3A_1064 : vector<16xf32>
    %jit3A_1066 = arith.constant 2.048000e+03 : f32
    %broadcast_in_dim3A_1067 = vector.broadcast %jit3A_1066 : f32 to vector<16xf32>
    %select_n3A_1068 = arith.select %eq3A_1062, %broadcast_in_dim3A_1067, %sub3A_1065 : vector<16xi1>, vector<16xf32>
    %convert_element_type3A_1069 = arith.fptosi %select_n3A_1068 : vector<16xf32> to vector<16xi32>
    %swap3A_1070 = arith.constant 32 : index
    %swap3A_1071 = tpu.vector_load %arg18[%swap3A_1070] {strides = array<i32>} : memref<64xi32, #tpu.memory_space<vmem>>, vector<16xi32>,
    %swap3A_1072 = vector.shape_cast %swap3A_1071 : vector<16xi32> to vector<16xi32>
    %swap3A_1073 = vector.shape_cast %convert_element_type3A_1069 : vector<16xi32> to vector<16xi32>
    tpu.vector_store %arg18[%swap3A_1070], %swap3A_1073 {strides = array<i32>} : memref<64xi32, #tpu.memory_space<vmem>>, vector<16xi32>,
    %get3A_1074 = arith.constant 48 : index
    %get3A_1075 = tpu.vector_load %arg16[%get3A_1074] {strides = array<i32>} : memref<64xf32, #tpu.memory_space<vmem>>, vector<16xf32>,
    %get3A_1076 = vector.shape_cast %get3A_1075 : vector<16xf32> to vector<16xf32>
    %eq3A_1077 = arith.constant 0.000000e+00 : f32
    %eq3A_1078 = vector.broadcast %eq3A_1077 : f32 to vector<16xf32>
    %eq3A_1079 = arith.cmpf oeq, %get3A_1076, %eq3A_1078 : vector<16xf32>
    %sub3A_1080 = arith.constant 1.000000e+00 : f32
    %sub3A_1081 = vector.broadcast %sub3A_1080 : f32 to vector<16xf32>
    %sub3A_1082 = arith.subf %get3A_1076, %sub3A_1081 : vector<16xf32>
    %jit3A_1083 = arith.constant 2.048000e+03 : f32
    %broadcast_in_dim3A_1084 = vector.broadcast %jit3A_1083 : f32 to vector<16xf32>
    %select_n3A_1085 = arith.select %eq3A_1079, %broadcast_in_dim3A_1084, %sub3A_1082 : vector<16xi1>, vector<16xf32>
    %convert_element_type3A_1086 = arith.fptosi %select_n3A_1085 : vector<16xf32> to vector<16xi32>
    %swap3A_1087 = arith.constant 48 : index
    %swap3A_1088 = tpu.vector_load %arg18[%swap3A_1087] {strides = array<i32>} : memref<64xi32, #tpu.memory_space<vmem>>, vector<16xi32>,
    %swap3A_1089 = vector.shape_cast %swap3A_1088 : vector<16xi32> to vector<16xi32>
    %swap3A_1090 = vector.shape_cast %convert_element_type3A_1086 : vector<16xi32> to vector<16xi32>
    tpu.vector_store %arg18[%swap3A_1087], %swap3A_1090 {strides = array<i32>} : memref<64xi32, #tpu.memory_space<vmem>>, vector<16xi32>,
    %dma_start3A_1091 = arith.constant 0 : i32
    %dma_start3A_1092 = arith.constant 0 : i32
    %dma_start3A_1093 = tpu.memref_slice %arg6[%dma_start3A_1091, %dma_start3A_1092] : memref<2056x768xf32, #tpu.memory_space<hbm>> -> memref<2056x768xf32, #tpu.memory_space<hbm>>
    tpu.enqueue_indirect_dma source(%dma_start3A_1093 : memref<2056x768xf32, #tpu.memory_space<hbm>>) target(%arg19 : memref<64x768xf32, #tpu.memory_space<vmem>>) offsets(%arg17 : memref<64xi32, #tpu.memory_space<vmem>>) semaphore(%arg22 : memref<!tpu.dma_semaphore, #tpu.memory_space<semaphore_mem>>)
    %dma_start3A_1094 = arith.constant 0 : i32
    %dma_start3A_1095 = arith.constant 0 : i32
    %dma_start3A_1096 = tpu.memref_slice %arg6[%dma_start3A_1094, %dma_start3A_1095] : memref<2056x768xf32, #tpu.memory_space<hbm>> -> memref<2056x768xf32, #tpu.memory_space<hbm>>
    tpu.enqueue_indirect_dma source(%dma_start3A_1096 : memref<2056x768xf32, #tpu.memory_space<hbm>>) target(%arg20 : memref<64x768xf32, #tpu.memory_space<vmem>>) offsets(%arg18 : memref<64xi32, #tpu.memory_space<vmem>>) semaphore(%arg23 : memref<!tpu.dma_semaphore, #tpu.memory_space<semaphore_mem>>)
    %dma_wait3A_1097 = arith.constant 0 : i32
    %dma_wait3A_1098 = arith.constant 0 : i32
    %dma_wait3A_1099 = tpu.memref_slice %arg6[%dma_wait3A_1097, %dma_wait3A_1098] : memref<2056x768xf32, #tpu.memory_space<hbm>> -> memref<2056x768xf32, #tpu.memory_space<hbm>>
    tpu.wait_indirect_dma semaphore(%arg22 : memref<!tpu.dma_semaphore, #tpu.memory_space<semaphore_mem>>) src(%dma_wait3A_1099 : memref<2056x768xf32, #tpu.memory_space<hbm>>) dst(%arg19 : memref<64x768xf32, #tpu.memory_space<vmem>>)
    "tpu.region"() ({
      %run_scoped3A = tpu.sem_alloc : memref<!tpu.dma_semaphore, #tpu.memory_space<semaphore_mem>>
      %dma_start3A_1103 = arith.constant 0 : i32
      %dma_start3A_1104 = tpu.memref_slice %arg7[%mul3A_2, %dma_start3A_1103] : memref<2048x768xf32, #tpu.memory_space<hbm>> -> memref<64x768xf32, #tpu.memory_space<hbm>>
      %dma_start3A_1105 = arith.constant 0 : i32
      %dma_start3A_1106 = tpu.memref_slice %arg7[%mul3A_2, %dma_start3A_1105] : memref<2048x768xf32, #tpu.memory_space<hbm>> -> memref<64x768xf32, #tpu.memory_space<hbm>>
      tpu.enqueue_dma source(%arg19 : memref<64x768xf32, #tpu.memory_space<vmem>>) target(%dma_start3A_1106 : memref<64x768xf32, #tpu.memory_space<hbm>>) target_semaphore(%run_scoped3A : memref<!tpu.dma_semaphore, #tpu.memory_space<semaphore_mem>>)
      %dma_wait3A_1107 = arith.constant 0 : i32
      %dma_wait3A_1108 = tpu.memref_slice %arg7[%mul3A_2, %dma_wait3A_1107] : memref<2048x768xf32, #tpu.memory_space<hbm>> -> memref<64x768xf32, #tpu.memory_space<hbm>>
      %dma_wait3A_1109 = arith.constant 0 : i32
      %dma_wait3A_1110 = tpu.memref_slice %arg7[%mul3A_2, %dma_wait3A_1109] : memref<2048x768xf32, #tpu.memory_space<hbm>> -> memref<64x768xf32, #tpu.memory_space<hbm>>
      tpu.wait_dma2 semaphore(%run_scoped3A : memref<!tpu.dma_semaphore, #tpu.memory_space<semaphore_mem>>) src(%arg19 : memref<64x768xf32, #tpu.memory_space<vmem>>) dst(%dma_wait3A_1110 : memref<64x768xf32, #tpu.memory_space<hbm>>)
      tpu.yield
    }) : () -> ()
    %dma_wait3A_1100 = arith.constant 0 : i32
    %dma_wait3A_1101 = arith.constant 0 : i32
    %dma_wait3A_1102 = tpu.memref_slice %arg6[%dma_wait3A_1100, %dma_wait3A_1101] : memref<2056x768xf32, #tpu.memory_space<hbm>> -> memref<2056x768xf32, #tpu.memory_space<hbm>>
    tpu.wait_indirect_dma semaphore(%arg23 : memref<!tpu.dma_semaphore, #tpu.memory_space<semaphore_mem>>) src(%dma_wait3A_1102 : memref<2056x768xf32, #tpu.memory_space<hbm>>) dst(%arg20 : memref<64x768xf32, #tpu.memory_space<vmem>>)
    "tpu.region"() ({
      %run_scoped3A = tpu.sem_alloc : memref<!tpu.dma_semaphore, #tpu.memory_space<semaphore_mem>>
      %dma_start3A_1103 = arith.constant 0 : i32
      %dma_start3A_1104 = tpu.memref_slice %arg8[%mul3A_2, %dma_start3A_1103] : memref<2048x768xf32, #tpu.memory_space<hbm>> -> memref<64x768xf32, #tpu.memory_space<hbm>>
      %dma_start3A_1105 = arith.constant 0 : i32
      %dma_start3A_1106 = tpu.memref_slice %arg8[%mul3A_2, %dma_start3A_1105] : memref<2048x768xf32, #tpu.memory_space<hbm>> -> memref<64x768xf32, #tpu.memory_space<hbm>>
      tpu.enqueue_dma source(%arg20 : memref<64x768xf32, #tpu.memory_space<vmem>>) target(%dma_start3A_1106 : memref<64x768xf32, #tpu.memory_space<hbm>>) target_semaphore(%run_scoped3A : memref<!tpu.dma_semaphore, #tpu.memory_space<semaphore_mem>>)
      %dma_wait3A_1107 = arith.constant 0 : i32
      %dma_wait3A_1108 = tpu.memref_slice %arg8[%mul3A_2, %dma_wait3A_1107] : memref<2048x768xf32, #tpu.memory_space<hbm>> -> memref<64x768xf32, #tpu.memory_space<hbm>>
      %dma_wait3A_1109 = arith.constant 0 : i32
      %dma_wait3A_1110 = tpu.memref_slice %arg8[%mul3A_2, %dma_wait3A_1109] : memref<2048x768xf32, #tpu.memory_space<hbm>> -> memref<64x768xf32, #tpu.memory_space<hbm>>
      tpu.wait_dma2 semaphore(%run_scoped3A : memref<!tpu.dma_semaphore, #tpu.memory_space<semaphore_mem>>) src(%arg20 : memref<64x768xf32, #tpu.memory_space<vmem>>) dst(%dma_wait3A_1110 : memref<64x768xf32, #tpu.memory_space<hbm>>)
      tpu.yield
    }) : () -> ()
    return
  }
}

module attributes {stable_mosaic.version = 14 : i64} {
  func.func @_router_body(%arg0: memref<2048x768xf32, #tpu.memory_space<vmem>>, %arg1: memref<768x8xf32, #tpu.memory_space<vmem>>, %arg2: memref<8xf32, #tpu.memory_space<vmem>>, %arg3: memref<2048x8xi32, #tpu.memory_space<vmem>>, %arg4: memref<2048x8xf32, #tpu.memory_space<vmem>>, %arg5: memref<2056x768xbf16, #tpu.memory_space<vmem>>) attributes {dimension_semantics = [], scalar_prefetch = 0 : i64, scratch_operands = 0 : i64, tpu.core_type = #tpu.core_type<tc>} {
    %get3A = arith.constant 0 : index
    %get3A_0 = arith.constant 0 : index
    %get3A_1 = vector.load %arg0[%get3A, %get3A_0] : memref<2048x768xf32, #tpu.memory_space<vmem>>, vector<2048x768xf32>
    %get3A_2 = arith.constant 0 : index
    %get3A_3 = arith.constant 0 : index
    %get3A_4 = vector.load %arg1[%get3A_2, %get3A_3] : memref<768x8xf32, #tpu.memory_space<vmem>>, vector<768x8xf32>
    %dot_general3A = arith.constant dense<0.000000e+00> : vector<2048x8xf32>
    %dot_general3A_5 = tpu.matmul %get3A_1, %get3A_4, %dot_general3A {dimension_numbers = #tpu.dot_dimension_numbers<[1], [0], [0], [1], [0, 0, 1, 1], [], []>, transpose_lhs_hint = false} : vector<2048x768xf32>, vector<768x8xf32>, vector<2048x8xf32> -> vector<2048x8xf32>
    %get3A_6 = arith.constant 0 : index
    %get3A_7 = vector.load %arg2[%get3A_6] : memref<8xf32, #tpu.memory_space<vmem>>, vector<8xf32>
    %broadcast_in_dim3A = vector.shape_cast %get3A_7 : vector<8xf32> to vector<1x8xf32>
    %add3A = vector.broadcast %broadcast_in_dim3A : vector<1x8xf32> to vector<2048x8xf32>
    %add3A_8 = arith.addf %dot_general3A_5, %add3A : vector<2048x8xf32>
    %reduce_max3A = arith.constant dense<0xFF800000> : vector<2048xf32>
    %reduce_max3A_9 = vector.multi_reduction <maximumf>, %add3A_8, %reduce_max3A [1] : vector<2048x8xf32> to vector<2048xf32>
    %broadcast_in_dim3A_10 = vector.shape_cast %reduce_max3A_9 : vector<2048xf32> to vector<2048x1xf32>
    %sub3A = vector.broadcast %broadcast_in_dim3A_10 : vector<2048x1xf32> to vector<2048x8xf32>
    %sub3A_11 = arith.subf %add3A_8, %sub3A : vector<2048x8xf32>
    %exp3A = math.exp %sub3A_11 : vector<2048x8xf32>
    %reduce_sum3A = arith.constant dense<0.000000e+00> : vector<2048xf32>
    %reduce_sum3A_12 = vector.multi_reduction <add>, %exp3A, %reduce_sum3A [1] : vector<2048x8xf32> to vector<2048xf32>
    %broadcast_in_dim3A_13 = vector.shape_cast %reduce_sum3A_12 : vector<2048xf32> to vector<2048x1xf32>
    %div3A = vector.broadcast %broadcast_in_dim3A_13 : vector<2048x1xf32> to vector<2048x8xf32>
    %div3A_14 = arith.divf %exp3A, %div3A : vector<2048x8xf32>
    %iota3A = tpu.iota {dimensions = array<i32: 1>} : vector<2048x8xi32>
    %reduce_max3A_15 = arith.constant dense<0xFF800000> : vector<2048xf32>
    %reduce_max3A_16 = vector.multi_reduction <maximumf>, %div3A_14, %reduce_max3A_15 [1] : vector<2048x8xf32> to vector<2048xf32>
    %broadcast_in_dim3A_17 = vector.shape_cast %reduce_max3A_16 : vector<2048xf32> to vector<2048x1xf32>
    %eq3A = vector.broadcast %broadcast_in_dim3A_17 : vector<2048x1xf32> to vector<2048x8xf32>
    %eq3A_18 = arith.cmpf oeq, %div3A_14, %eq3A : vector<2048x8xf32>
    %jit3A = arith.constant 8 : i32
    %broadcast_in_dim3A_19 = vector.broadcast %jit3A : i32 to vector<2048x8xi32>
    %select_n3A = arith.select %eq3A_18, %iota3A, %broadcast_in_dim3A_19 : vector<2048x8xi1>, vector<2048x8xi32>
    %reduce_min3A = arith.constant dense<2147483647> : vector<2048xi32>
    %reduce_min3A_20 = vector.multi_reduction <minsi>, %select_n3A, %reduce_min3A [1] : vector<2048x8xi32> to vector<2048xi32>
    %broadcast_in_dim3A_21 = vector.shape_cast %reduce_min3A_20 : vector<2048xi32> to vector<2048x1xi32>
    %eq3A_22 = vector.broadcast %broadcast_in_dim3A_21 : vector<2048x1xi32> to vector<2048x8xi32>
    %eq3A_23 = arith.cmpi eq, %iota3A, %eq3A_22 : vector<2048x8xi32>
    %jit3A_24 = arith.constant -1.000000e+00 : f32
    %broadcast_in_dim3A_25 = vector.broadcast %jit3A_24 : f32 to vector<2048x8xf32>
    %select_n3A_26 = arith.select %eq3A_23, %broadcast_in_dim3A_25, %div3A_14 : vector<2048x8xi1>, vector<2048x8xf32>
    %reduce_max3A_27 = arith.constant dense<0xFF800000> : vector<2048xf32>
    %reduce_max3A_28 = vector.multi_reduction <maximumf>, %select_n3A_26, %reduce_max3A_27 [1] : vector<2048x8xf32> to vector<2048xf32>
    %broadcast_in_dim3A_29 = vector.shape_cast %reduce_max3A_28 : vector<2048xf32> to vector<2048x1xf32>
    %eq3A_30 = vector.broadcast %broadcast_in_dim3A_29 : vector<2048x1xf32> to vector<2048x8xf32>
    %eq3A_31 = arith.cmpf oeq, %select_n3A_26, %eq3A_30 : vector<2048x8xf32>
    %jit3A_32 = arith.constant 8 : i32
    %broadcast_in_dim3A_33 = vector.broadcast %jit3A_32 : i32 to vector<2048x8xi32>
    %select_n3A_34 = arith.select %eq3A_31, %iota3A, %broadcast_in_dim3A_33 : vector<2048x8xi1>, vector<2048x8xi32>
    %reduce_min3A_35 = arith.constant dense<2147483647> : vector<2048xi32>
    %reduce_min3A_36 = vector.multi_reduction <minsi>, %select_n3A_34, %reduce_min3A_35 [1] : vector<2048x8xi32> to vector<2048xi32>
    %broadcast_in_dim3A_37 = vector.shape_cast %reduce_min3A_36 : vector<2048xi32> to vector<2048x1xi32>
    %iota3A_38 = tpu.iota {dimensions = array<i32: 1>} : vector<2048x16xi32>
    %eq3A_39 = vector.broadcast %broadcast_in_dim3A_21 : vector<2048x1xi32> to vector<2048x16xi32>
    %eq3A_40 = arith.cmpi eq, %iota3A_38, %eq3A_39 : vector<2048x16xi32>
    %add3A_41 = arith.constant 8 : i32
    %add3A_42 = vector.broadcast %add3A_41 : i32 to vector<2048x1xi32>
    %add3A_43 = arith.addi %broadcast_in_dim3A_37, %add3A_42 : vector<2048x1xi32>
    %eq3A_44 = vector.broadcast %add3A_43 : vector<2048x1xi32> to vector<2048x16xi32>
    %eq3A_45 = arith.cmpi eq, %iota3A_38, %eq3A_44 : vector<2048x16xi32>
    %or3A = arith.ori %eq3A_40, %eq3A_45 : vector<2048x16xi1>
    %convert_element_type3A = arith.extui %or3A : vector<2048x16xi1> to vector<2048x16xi32>
    %convert_element_type3A_46 = arith.sitofp %convert_element_type3A : vector<2048x16xi32> to vector<2048x16xf32>
    %iota3A_47 = tpu.iota {dimensions = array<i32: 0>} : vector<2048x48xi32>
    %iota3A_48 = tpu.iota {dimensions = array<i32: 1>} : vector<2048x48xi32>
    %mul3A = arith.constant 45 : i32
    %mul3A_49 = vector.broadcast %mul3A : i32 to vector<2048x48xi32>
    %mul3A_50 = arith.muli %mul3A_49, %iota3A_48 : vector<2048x48xi32>
    %ge3A = arith.cmpi sge, %iota3A_47, %mul3A_50 : vector<2048x48xi32>
    %mul3A_51 = arith.constant 45 : i32
    %mul3A_52 = vector.broadcast %mul3A_51 : i32 to vector<2048x48xi32>
    %mul3A_53 = arith.muli %mul3A_52, %iota3A_48 : vector<2048x48xi32>
    %add3A_54 = arith.constant 45 : i32
    %add3A_55 = vector.broadcast %add3A_54 : i32 to vector<2048x48xi32>
    %add3A_56 = arith.addi %mul3A_53, %add3A_55 : vector<2048x48xi32>
    %lt3A = arith.cmpi slt, %iota3A_47, %add3A_56 : vector<2048x48xi32>
    %and3A = arith.andi %ge3A, %lt3A : vector<2048x48xi1>
    %convert_element_type3A_57 = arith.extui %and3A : vector<2048x48xi1> to vector<2048x48xi32>
    %convert_element_type3A_58 = arith.sitofp %convert_element_type3A_57 : vector<2048x48xi32> to vector<2048x48xf32>
    %iota3A_59 = tpu.iota {dimensions = array<i32: 1>} : vector<2048x48xi32>
    %convert_element_type3A_60 = arith.sitofp %iota3A_59 : vector<2048x48xi32> to vector<2048x48xf32>
    %mul3A_61 = arith.mulf %convert_element_type3A_58, %convert_element_type3A_60 : vector<2048x48xf32>
    %reduce_sum3A_62 = arith.constant dense<0.000000e+00> : vector<2048xf32>
    %reduce_sum3A_63 = vector.multi_reduction <add>, %mul3A_61, %reduce_sum3A_62 [1] : vector<2048x48xf32> to vector<2048xf32>
    %broadcast_in_dim3A_64 = vector.shape_cast %reduce_sum3A_63 : vector<2048xf32> to vector<2048x1xf32>
    %mul3A_65 = arith.constant 4.500000e+01 : f32
    %mul3A_66 = vector.broadcast %mul3A_65 : f32 to vector<2048x1xf32>
    %mul3A_67 = arith.mulf %broadcast_in_dim3A_64, %mul3A_66 : vector<2048x1xf32>
    %iota3A_68 = tpu.iota {dimensions = array<i32: 0>} : vector<256x256xi32>
    %iota3A_69 = tpu.iota {dimensions = array<i32: 1>} : vector<256x256xi32>
    %slice3A = vector.extract_strided_slice %mul3A_67 {offsets = [0, 0], sizes = [256, 1], strides = [1, 1]} : vector<2048x1xf32> to vector<256x1xf32>
    %broadcast_in_dim3A_70 = arith.constant 0.000000e+00 : f32
    %broadcast_in_dim3A_71 = vector.broadcast %broadcast_in_dim3A_70 : f32 to vector<256x16xf32>
    %add3A_72 = arith.constant 0 : i32
    %add3A_73 = vector.broadcast %add3A_72 : i32 to vector<256x256xi32>
    %add3A_74 = arith.addi %iota3A_69, %add3A_73 : vector<256x256xi32>
    %convert_element_type3A_75 = arith.sitofp %add3A_74 : vector<256x256xi32> to vector<256x256xf32>
    %add3A_76 = arith.constant 0 : i32
    %add3A_77 = vector.broadcast %add3A_76 : i32 to vector<256x256xi32>
    %add3A_78 = arith.addi %iota3A_68, %add3A_77 : vector<256x256xi32>
    %add3A_79 = arith.constant 0 : i32
    %add3A_80 = vector.broadcast %add3A_79 : i32 to vector<256x256xi32>
    %add3A_81 = arith.addi %iota3A_69, %add3A_80 : vector<256x256xi32>
    %le3A = arith.cmpi sle, %add3A_81, %add3A_78 : vector<256x256xi32>
    %ge3A_82 = vector.broadcast %slice3A : vector<256x1xf32> to vector<256x256xf32>
    %ge3A_83 = arith.cmpf oge, %convert_element_type3A_75, %ge3A_82 : vector<256x256xf32>
    %and3A_84 = arith.andi %le3A, %ge3A_83 : vector<256x256xi1>
    %convert_element_type3A_85 = arith.extui %and3A_84 : vector<256x256xi1> to vector<256x256xi32>
    %convert_element_type3A_86 = arith.sitofp %convert_element_type3A_85 : vector<256x256xi32> to vector<256x256xf32>
    %slice3A_87 = vector.extract_strided_slice %convert_element_type3A_46 {offsets = [0, 0], sizes = [256, 16], strides = [1, 1]} : vector<2048x16xf32> to vector<256x16xf32>
    %dot_general3A_88 = arith.constant dense<0.000000e+00> : vector<256x16xf32>
    %dot_general3A_89 = tpu.matmul %convert_element_type3A_86, %slice3A_87, %dot_general3A_88 {dimension_numbers = #tpu.dot_dimension_numbers<[1], [0], [0], [1], [0, 0, 1, 1], [], []>, transpose_lhs_hint = false} : vector<256x256xf32>, vector<256x16xf32>, vector<256x16xf32> -> vector<256x16xf32>
    %add3A_90 = arith.addf %broadcast_in_dim3A_71, %dot_general3A_89 : vector<256x16xf32>
    %slice3A_91 = vector.extract_strided_slice %mul3A_67 {offsets = [256, 0], sizes = [256, 1], strides = [1, 1]} : vector<2048x1xf32> to vector<256x1xf32>
    %broadcast_in_dim3A_92 = arith.constant 0.000000e+00 : f32
    %broadcast_in_dim3A_93 = vector.broadcast %broadcast_in_dim3A_92 : f32 to vector<256x16xf32>
    %add3A_94 = arith.constant 0 : i32
    %add3A_95 = vector.broadcast %add3A_94 : i32 to vector<256x256xi32>
    %add3A_96 = arith.addi %iota3A_69, %add3A_95 : vector<256x256xi32>
    %convert_element_type3A_97 = arith.sitofp %add3A_96 : vector<256x256xi32> to vector<256x256xf32>
    %add3A_98 = arith.constant 256 : i32
    %add3A_99 = vector.broadcast %add3A_98 : i32 to vector<256x256xi32>
    %add3A_100 = arith.addi %iota3A_68, %add3A_99 : vector<256x256xi32>
    %add3A_101 = arith.constant 0 : i32
    %add3A_102 = vector.broadcast %add3A_101 : i32 to vector<256x256xi32>
    %add3A_103 = arith.addi %iota3A_69, %add3A_102 : vector<256x256xi32>
    %le3A_104 = arith.cmpi sle, %add3A_103, %add3A_100 : vector<256x256xi32>
    %ge3A_105 = vector.broadcast %slice3A_91 : vector<256x1xf32> to vector<256x256xf32>
    %ge3A_106 = arith.cmpf oge, %convert_element_type3A_97, %ge3A_105 : vector<256x256xf32>
    %and3A_107 = arith.andi %le3A_104, %ge3A_106 : vector<256x256xi1>
    %convert_element_type3A_108 = arith.extui %and3A_107 : vector<256x256xi1> to vector<256x256xi32>
    %convert_element_type3A_109 = arith.sitofp %convert_element_type3A_108 : vector<256x256xi32> to vector<256x256xf32>
    %slice3A_110 = vector.extract_strided_slice %convert_element_type3A_46 {offsets = [0, 0], sizes = [256, 16], strides = [1, 1]} : vector<2048x16xf32> to vector<256x16xf32>
    %dot_general3A_111 = arith.constant dense<0.000000e+00> : vector<256x16xf32>
    %dot_general3A_112 = tpu.matmul %convert_element_type3A_109, %slice3A_110, %dot_general3A_111 {dimension_numbers = #tpu.dot_dimension_numbers<[1], [0], [0], [1], [0, 0, 1, 1], [], []>, transpose_lhs_hint = false} : vector<256x256xf32>, vector<256x16xf32>, vector<256x16xf32> -> vector<256x16xf32>
    %add3A_113 = arith.addf %broadcast_in_dim3A_93, %dot_general3A_112 : vector<256x16xf32>
    %add3A_114 = arith.constant 256 : i32
    %add3A_115 = vector.broadcast %add3A_114 : i32 to vector<256x256xi32>
    %add3A_116 = arith.addi %iota3A_69, %add3A_115 : vector<256x256xi32>
    %convert_element_type3A_117 = arith.sitofp %add3A_116 : vector<256x256xi32> to vector<256x256xf32>
    %add3A_118 = arith.constant 256 : i32
    %add3A_119 = vector.broadcast %add3A_118 : i32 to vector<256x256xi32>
    %add3A_120 = arith.addi %iota3A_68, %add3A_119 : vector<256x256xi32>
    %add3A_121 = arith.constant 256 : i32
    %add3A_122 = vector.broadcast %add3A_121 : i32 to vector<256x256xi32>
    %add3A_123 = arith.addi %iota3A_69, %add3A_122 : vector<256x256xi32>
    %le3A_124 = arith.cmpi sle, %add3A_123, %add3A_120 : vector<256x256xi32>
    %ge3A_125 = vector.broadcast %slice3A_91 : vector<256x1xf32> to vector<256x256xf32>
    %ge3A_126 = arith.cmpf oge, %convert_element_type3A_117, %ge3A_125 : vector<256x256xf32>
    %and3A_127 = arith.andi %le3A_124, %ge3A_126 : vector<256x256xi1>
    %convert_element_type3A_128 = arith.extui %and3A_127 : vector<256x256xi1> to vector<256x256xi32>
    %convert_element_type3A_129 = arith.sitofp %convert_element_type3A_128 : vector<256x256xi32> to vector<256x256xf32>
    %slice3A_130 = vector.extract_strided_slice %convert_element_type3A_46 {offsets = [256, 0], sizes = [256, 16], strides = [1, 1]} : vector<2048x16xf32> to vector<256x16xf32>
    %dot_general3A_131 = arith.constant dense<0.000000e+00> : vector<256x16xf32>
    %dot_general3A_132 = tpu.matmul %convert_element_type3A_129, %slice3A_130, %dot_general3A_131 {dimension_numbers = #tpu.dot_dimension_numbers<[1], [0], [0], [1], [0, 0, 1, 1], [], []>, transpose_lhs_hint = false} : vector<256x256xf32>, vector<256x16xf32>, vector<256x16xf32> -> vector<256x16xf32>
    %add3A_133 = arith.addf %add3A_113, %dot_general3A_132 : vector<256x16xf32>
    %slice3A_134 = vector.extract_strided_slice %mul3A_67 {offsets = [512, 0], sizes = [256, 1], strides = [1, 1]} : vector<2048x1xf32> to vector<256x1xf32>
    %broadcast_in_dim3A_135 = arith.constant 0.000000e+00 : f32
    %broadcast_in_dim3A_136 = vector.broadcast %broadcast_in_dim3A_135 : f32 to vector<256x16xf32>
    %add3A_137 = arith.constant 256 : i32
    %add3A_138 = vector.broadcast %add3A_137 : i32 to vector<256x256xi32>
    %add3A_139 = arith.addi %iota3A_69, %add3A_138 : vector<256x256xi32>
    %convert_element_type3A_140 = arith.sitofp %add3A_139 : vector<256x256xi32> to vector<256x256xf32>
    %add3A_141 = arith.constant 512 : i32
    %add3A_142 = vector.broadcast %add3A_141 : i32 to vector<256x256xi32>
    %add3A_143 = arith.addi %iota3A_68, %add3A_142 : vector<256x256xi32>
    %add3A_144 = arith.constant 256 : i32
    %add3A_145 = vector.broadcast %add3A_144 : i32 to vector<256x256xi32>
    %add3A_146 = arith.addi %iota3A_69, %add3A_145 : vector<256x256xi32>
    %le3A_147 = arith.cmpi sle, %add3A_146, %add3A_143 : vector<256x256xi32>
    %ge3A_148 = vector.broadcast %slice3A_134 : vector<256x1xf32> to vector<256x256xf32>
    %ge3A_149 = arith.cmpf oge, %convert_element_type3A_140, %ge3A_148 : vector<256x256xf32>
    %and3A_150 = arith.andi %le3A_147, %ge3A_149 : vector<256x256xi1>
    %convert_element_type3A_151 = arith.extui %and3A_150 : vector<256x256xi1> to vector<256x256xi32>
    %convert_element_type3A_152 = arith.sitofp %convert_element_type3A_151 : vector<256x256xi32> to vector<256x256xf32>
    %slice3A_153 = vector.extract_strided_slice %convert_element_type3A_46 {offsets = [256, 0], sizes = [256, 16], strides = [1, 1]} : vector<2048x16xf32> to vector<256x16xf32>
    %dot_general3A_154 = arith.constant dense<0.000000e+00> : vector<256x16xf32>
    %dot_general3A_155 = tpu.matmul %convert_element_type3A_152, %slice3A_153, %dot_general3A_154 {dimension_numbers = #tpu.dot_dimension_numbers<[1], [0], [0], [1], [0, 0, 1, 1], [], []>, transpose_lhs_hint = false} : vector<256x256xf32>, vector<256x16xf32>, vector<256x16xf32> -> vector<256x16xf32>
    %add3A_156 = arith.addf %broadcast_in_dim3A_136, %dot_general3A_155 : vector<256x16xf32>
    %add3A_157 = arith.constant 512 : i32
    %add3A_158 = vector.broadcast %add3A_157 : i32 to vector<256x256xi32>
    %add3A_159 = arith.addi %iota3A_69, %add3A_158 : vector<256x256xi32>
    %convert_element_type3A_160 = arith.sitofp %add3A_159 : vector<256x256xi32> to vector<256x256xf32>
    %add3A_161 = arith.constant 512 : i32
    %add3A_162 = vector.broadcast %add3A_161 : i32 to vector<256x256xi32>
    %add3A_163 = arith.addi %iota3A_68, %add3A_162 : vector<256x256xi32>
    %add3A_164 = arith.constant 512 : i32
    %add3A_165 = vector.broadcast %add3A_164 : i32 to vector<256x256xi32>
    %add3A_166 = arith.addi %iota3A_69, %add3A_165 : vector<256x256xi32>
    %le3A_167 = arith.cmpi sle, %add3A_166, %add3A_163 : vector<256x256xi32>
    %ge3A_168 = vector.broadcast %slice3A_134 : vector<256x1xf32> to vector<256x256xf32>
    %ge3A_169 = arith.cmpf oge, %convert_element_type3A_160, %ge3A_168 : vector<256x256xf32>
    %and3A_170 = arith.andi %le3A_167, %ge3A_169 : vector<256x256xi1>
    %convert_element_type3A_171 = arith.extui %and3A_170 : vector<256x256xi1> to vector<256x256xi32>
    %convert_element_type3A_172 = arith.sitofp %convert_element_type3A_171 : vector<256x256xi32> to vector<256x256xf32>
    %slice3A_173 = vector.extract_strided_slice %convert_element_type3A_46 {offsets = [512, 0], sizes = [256, 16], strides = [1, 1]} : vector<2048x16xf32> to vector<256x16xf32>
    %dot_general3A_174 = arith.constant dense<0.000000e+00> : vector<256x16xf32>
    %dot_general3A_175 = tpu.matmul %convert_element_type3A_172, %slice3A_173, %dot_general3A_174 {dimension_numbers = #tpu.dot_dimension_numbers<[1], [0], [0], [1], [0, 0, 1, 1], [], []>, transpose_lhs_hint = false} : vector<256x256xf32>, vector<256x16xf32>, vector<256x16xf32> -> vector<256x16xf32>
    %add3A_176 = arith.addf %add3A_156, %dot_general3A_175 : vector<256x16xf32>
    %slice3A_177 = vector.extract_strided_slice %mul3A_67 {offsets = [768, 0], sizes = [256, 1], strides = [1, 1]} : vector<2048x1xf32> to vector<256x1xf32>
    %broadcast_in_dim3A_178 = arith.constant 0.000000e+00 : f32
    %broadcast_in_dim3A_179 = vector.broadcast %broadcast_in_dim3A_178 : f32 to vector<256x16xf32>
    %add3A_180 = arith.constant 512 : i32
    %add3A_181 = vector.broadcast %add3A_180 : i32 to vector<256x256xi32>
    %add3A_182 = arith.addi %iota3A_69, %add3A_181 : vector<256x256xi32>
    %convert_element_type3A_183 = arith.sitofp %add3A_182 : vector<256x256xi32> to vector<256x256xf32>
    %add3A_184 = arith.constant 768 : i32
    %add3A_185 = vector.broadcast %add3A_184 : i32 to vector<256x256xi32>
    %add3A_186 = arith.addi %iota3A_68, %add3A_185 : vector<256x256xi32>
    %add3A_187 = arith.constant 512 : i32
    %add3A_188 = vector.broadcast %add3A_187 : i32 to vector<256x256xi32>
    %add3A_189 = arith.addi %iota3A_69, %add3A_188 : vector<256x256xi32>
    %le3A_190 = arith.cmpi sle, %add3A_189, %add3A_186 : vector<256x256xi32>
    %ge3A_191 = vector.broadcast %slice3A_177 : vector<256x1xf32> to vector<256x256xf32>
    %ge3A_192 = arith.cmpf oge, %convert_element_type3A_183, %ge3A_191 : vector<256x256xf32>
    %and3A_193 = arith.andi %le3A_190, %ge3A_192 : vector<256x256xi1>
    %convert_element_type3A_194 = arith.extui %and3A_193 : vector<256x256xi1> to vector<256x256xi32>
    %convert_element_type3A_195 = arith.sitofp %convert_element_type3A_194 : vector<256x256xi32> to vector<256x256xf32>
    %slice3A_196 = vector.extract_strided_slice %convert_element_type3A_46 {offsets = [512, 0], sizes = [256, 16], strides = [1, 1]} : vector<2048x16xf32> to vector<256x16xf32>
    %dot_general3A_197 = arith.constant dense<0.000000e+00> : vector<256x16xf32>
    %dot_general3A_198 = tpu.matmul %convert_element_type3A_195, %slice3A_196, %dot_general3A_197 {dimension_numbers = #tpu.dot_dimension_numbers<[1], [0], [0], [1], [0, 0, 1, 1], [], []>, transpose_lhs_hint = false} : vector<256x256xf32>, vector<256x16xf32>, vector<256x16xf32> -> vector<256x16xf32>
    %add3A_199 = arith.addf %broadcast_in_dim3A_179, %dot_general3A_198 : vector<256x16xf32>
    %add3A_200 = arith.constant 768 : i32
    %add3A_201 = vector.broadcast %add3A_200 : i32 to vector<256x256xi32>
    %add3A_202 = arith.addi %iota3A_69, %add3A_201 : vector<256x256xi32>
    %convert_element_type3A_203 = arith.sitofp %add3A_202 : vector<256x256xi32> to vector<256x256xf32>
    %add3A_204 = arith.constant 768 : i32
    %add3A_205 = vector.broadcast %add3A_204 : i32 to vector<256x256xi32>
    %add3A_206 = arith.addi %iota3A_68, %add3A_205 : vector<256x256xi32>
    %add3A_207 = arith.constant 768 : i32
    %add3A_208 = vector.broadcast %add3A_207 : i32 to vector<256x256xi32>
    %add3A_209 = arith.addi %iota3A_69, %add3A_208 : vector<256x256xi32>
    %le3A_210 = arith.cmpi sle, %add3A_209, %add3A_206 : vector<256x256xi32>
    %ge3A_211 = vector.broadcast %slice3A_177 : vector<256x1xf32> to vector<256x256xf32>
    %ge3A_212 = arith.cmpf oge, %convert_element_type3A_203, %ge3A_211 : vector<256x256xf32>
    %and3A_213 = arith.andi %le3A_210, %ge3A_212 : vector<256x256xi1>
    %convert_element_type3A_214 = arith.extui %and3A_213 : vector<256x256xi1> to vector<256x256xi32>
    %convert_element_type3A_215 = arith.sitofp %convert_element_type3A_214 : vector<256x256xi32> to vector<256x256xf32>
    %slice3A_216 = vector.extract_strided_slice %convert_element_type3A_46 {offsets = [768, 0], sizes = [256, 16], strides = [1, 1]} : vector<2048x16xf32> to vector<256x16xf32>
    %dot_general3A_217 = arith.constant dense<0.000000e+00> : vector<256x16xf32>
    %dot_general3A_218 = tpu.matmul %convert_element_type3A_215, %slice3A_216, %dot_general3A_217 {dimension_numbers = #tpu.dot_dimension_numbers<[1], [0], [0], [1], [0, 0, 1, 1], [], []>, transpose_lhs_hint = false} : vector<256x256xf32>, vector<256x16xf32>, vector<256x16xf32> -> vector<256x16xf32>
    %add3A_219 = arith.addf %add3A_199, %dot_general3A_218 : vector<256x16xf32>
    %slice3A_220 = vector.extract_strided_slice %mul3A_67 {offsets = [1024, 0], sizes = [256, 1], strides = [1, 1]} : vector<2048x1xf32> to vector<256x1xf32>
    %broadcast_in_dim3A_221 = arith.constant 0.000000e+00 : f32
    %broadcast_in_dim3A_222 = vector.broadcast %broadcast_in_dim3A_221 : f32 to vector<256x16xf32>
    %add3A_223 = arith.constant 768 : i32
    %add3A_224 = vector.broadcast %add3A_223 : i32 to vector<256x256xi32>
    %add3A_225 = arith.addi %iota3A_69, %add3A_224 : vector<256x256xi32>
    %convert_element_type3A_226 = arith.sitofp %add3A_225 : vector<256x256xi32> to vector<256x256xf32>
    %add3A_227 = arith.constant 1024 : i32
    %add3A_228 = vector.broadcast %add3A_227 : i32 to vector<256x256xi32>
    %add3A_229 = arith.addi %iota3A_68, %add3A_228 : vector<256x256xi32>
    %add3A_230 = arith.constant 768 : i32
    %add3A_231 = vector.broadcast %add3A_230 : i32 to vector<256x256xi32>
    %add3A_232 = arith.addi %iota3A_69, %add3A_231 : vector<256x256xi32>
    %le3A_233 = arith.cmpi sle, %add3A_232, %add3A_229 : vector<256x256xi32>
    %ge3A_234 = vector.broadcast %slice3A_220 : vector<256x1xf32> to vector<256x256xf32>
    %ge3A_235 = arith.cmpf oge, %convert_element_type3A_226, %ge3A_234 : vector<256x256xf32>
    %and3A_236 = arith.andi %le3A_233, %ge3A_235 : vector<256x256xi1>
    %convert_element_type3A_237 = arith.extui %and3A_236 : vector<256x256xi1> to vector<256x256xi32>
    %convert_element_type3A_238 = arith.sitofp %convert_element_type3A_237 : vector<256x256xi32> to vector<256x256xf32>
    %slice3A_239 = vector.extract_strided_slice %convert_element_type3A_46 {offsets = [768, 0], sizes = [256, 16], strides = [1, 1]} : vector<2048x16xf32> to vector<256x16xf32>
    %dot_general3A_240 = arith.constant dense<0.000000e+00> : vector<256x16xf32>
    %dot_general3A_241 = tpu.matmul %convert_element_type3A_238, %slice3A_239, %dot_general3A_240 {dimension_numbers = #tpu.dot_dimension_numbers<[1], [0], [0], [1], [0, 0, 1, 1], [], []>, transpose_lhs_hint = false} : vector<256x256xf32>, vector<256x16xf32>, vector<256x16xf32> -> vector<256x16xf32>
    %add3A_242 = arith.addf %broadcast_in_dim3A_222, %dot_general3A_241 : vector<256x16xf32>
    %add3A_243 = arith.constant 1024 : i32
    %add3A_244 = vector.broadcast %add3A_243 : i32 to vector<256x256xi32>
    %add3A_245 = arith.addi %iota3A_69, %add3A_244 : vector<256x256xi32>
    %convert_element_type3A_246 = arith.sitofp %add3A_245 : vector<256x256xi32> to vector<256x256xf32>
    %add3A_247 = arith.constant 1024 : i32
    %add3A_248 = vector.broadcast %add3A_247 : i32 to vector<256x256xi32>
    %add3A_249 = arith.addi %iota3A_68, %add3A_248 : vector<256x256xi32>
    %add3A_250 = arith.constant 1024 : i32
    %add3A_251 = vector.broadcast %add3A_250 : i32 to vector<256x256xi32>
    %add3A_252 = arith.addi %iota3A_69, %add3A_251 : vector<256x256xi32>
    %le3A_253 = arith.cmpi sle, %add3A_252, %add3A_249 : vector<256x256xi32>
    %ge3A_254 = vector.broadcast %slice3A_220 : vector<256x1xf32> to vector<256x256xf32>
    %ge3A_255 = arith.cmpf oge, %convert_element_type3A_246, %ge3A_254 : vector<256x256xf32>
    %and3A_256 = arith.andi %le3A_253, %ge3A_255 : vector<256x256xi1>
    %convert_element_type3A_257 = arith.extui %and3A_256 : vector<256x256xi1> to vector<256x256xi32>
    %convert_element_type3A_258 = arith.sitofp %convert_element_type3A_257 : vector<256x256xi32> to vector<256x256xf32>
    %slice3A_259 = vector.extract_strided_slice %convert_element_type3A_46 {offsets = [1024, 0], sizes = [256, 16], strides = [1, 1]} : vector<2048x16xf32> to vector<256x16xf32>
    %dot_general3A_260 = arith.constant dense<0.000000e+00> : vector<256x16xf32>
    %dot_general3A_261 = tpu.matmul %convert_element_type3A_258, %slice3A_259, %dot_general3A_260 {dimension_numbers = #tpu.dot_dimension_numbers<[1], [0], [0], [1], [0, 0, 1, 1], [], []>, transpose_lhs_hint = false} : vector<256x256xf32>, vector<256x16xf32>, vector<256x16xf32> -> vector<256x16xf32>
    %add3A_262 = arith.addf %add3A_242, %dot_general3A_261 : vector<256x16xf32>
    %slice3A_263 = vector.extract_strided_slice %mul3A_67 {offsets = [1280, 0], sizes = [256, 1], strides = [1, 1]} : vector<2048x1xf32> to vector<256x1xf32>
    %broadcast_in_dim3A_264 = arith.constant 0.000000e+00 : f32
    %broadcast_in_dim3A_265 = vector.broadcast %broadcast_in_dim3A_264 : f32 to vector<256x16xf32>
    %add3A_266 = arith.constant 1024 : i32
    %add3A_267 = vector.broadcast %add3A_266 : i32 to vector<256x256xi32>
    %add3A_268 = arith.addi %iota3A_69, %add3A_267 : vector<256x256xi32>
    %convert_element_type3A_269 = arith.sitofp %add3A_268 : vector<256x256xi32> to vector<256x256xf32>
    %add3A_270 = arith.constant 1280 : i32
    %add3A_271 = vector.broadcast %add3A_270 : i32 to vector<256x256xi32>
    %add3A_272 = arith.addi %iota3A_68, %add3A_271 : vector<256x256xi32>
    %add3A_273 = arith.constant 1024 : i32
    %add3A_274 = vector.broadcast %add3A_273 : i32 to vector<256x256xi32>
    %add3A_275 = arith.addi %iota3A_69, %add3A_274 : vector<256x256xi32>
    %le3A_276 = arith.cmpi sle, %add3A_275, %add3A_272 : vector<256x256xi32>
    %ge3A_277 = vector.broadcast %slice3A_263 : vector<256x1xf32> to vector<256x256xf32>
    %ge3A_278 = arith.cmpf oge, %convert_element_type3A_269, %ge3A_277 : vector<256x256xf32>
    %and3A_279 = arith.andi %le3A_276, %ge3A_278 : vector<256x256xi1>
    %convert_element_type3A_280 = arith.extui %and3A_279 : vector<256x256xi1> to vector<256x256xi32>
    %convert_element_type3A_281 = arith.sitofp %convert_element_type3A_280 : vector<256x256xi32> to vector<256x256xf32>
    %slice3A_282 = vector.extract_strided_slice %convert_element_type3A_46 {offsets = [1024, 0], sizes = [256, 16], strides = [1, 1]} : vector<2048x16xf32> to vector<256x16xf32>
    %dot_general3A_283 = arith.constant dense<0.000000e+00> : vector<256x16xf32>
    %dot_general3A_284 = tpu.matmul %convert_element_type3A_281, %slice3A_282, %dot_general3A_283 {dimension_numbers = #tpu.dot_dimension_numbers<[1], [0], [0], [1], [0, 0, 1, 1], [], []>, transpose_lhs_hint = false} : vector<256x256xf32>, vector<256x16xf32>, vector<256x16xf32> -> vector<256x16xf32>
    %add3A_285 = arith.addf %broadcast_in_dim3A_265, %dot_general3A_284 : vector<256x16xf32>
    %add3A_286 = arith.constant 1280 : i32
    %add3A_287 = vector.broadcast %add3A_286 : i32 to vector<256x256xi32>
    %add3A_288 = arith.addi %iota3A_69, %add3A_287 : vector<256x256xi32>
    %convert_element_type3A_289 = arith.sitofp %add3A_288 : vector<256x256xi32> to vector<256x256xf32>
    %add3A_290 = arith.constant 1280 : i32
    %add3A_291 = vector.broadcast %add3A_290 : i32 to vector<256x256xi32>
    %add3A_292 = arith.addi %iota3A_68, %add3A_291 : vector<256x256xi32>
    %add3A_293 = arith.constant 1280 : i32
    %add3A_294 = vector.broadcast %add3A_293 : i32 to vector<256x256xi32>
    %add3A_295 = arith.addi %iota3A_69, %add3A_294 : vector<256x256xi32>
    %le3A_296 = arith.cmpi sle, %add3A_295, %add3A_292 : vector<256x256xi32>
    %ge3A_297 = vector.broadcast %slice3A_263 : vector<256x1xf32> to vector<256x256xf32>
    %ge3A_298 = arith.cmpf oge, %convert_element_type3A_289, %ge3A_297 : vector<256x256xf32>
    %and3A_299 = arith.andi %le3A_296, %ge3A_298 : vector<256x256xi1>
    %convert_element_type3A_300 = arith.extui %and3A_299 : vector<256x256xi1> to vector<256x256xi32>
    %convert_element_type3A_301 = arith.sitofp %convert_element_type3A_300 : vector<256x256xi32> to vector<256x256xf32>
    %slice3A_302 = vector.extract_strided_slice %convert_element_type3A_46 {offsets = [1280, 0], sizes = [256, 16], strides = [1, 1]} : vector<2048x16xf32> to vector<256x16xf32>
    %dot_general3A_303 = arith.constant dense<0.000000e+00> : vector<256x16xf32>
    %dot_general3A_304 = tpu.matmul %convert_element_type3A_301, %slice3A_302, %dot_general3A_303 {dimension_numbers = #tpu.dot_dimension_numbers<[1], [0], [0], [1], [0, 0, 1, 1], [], []>, transpose_lhs_hint = false} : vector<256x256xf32>, vector<256x16xf32>, vector<256x16xf32> -> vector<256x16xf32>
    %add3A_305 = arith.addf %add3A_285, %dot_general3A_304 : vector<256x16xf32>
    %slice3A_306 = vector.extract_strided_slice %mul3A_67 {offsets = [1536, 0], sizes = [256, 1], strides = [1, 1]} : vector<2048x1xf32> to vector<256x1xf32>
    %broadcast_in_dim3A_307 = arith.constant 0.000000e+00 : f32
    %broadcast_in_dim3A_308 = vector.broadcast %broadcast_in_dim3A_307 : f32 to vector<256x16xf32>
    %add3A_309 = arith.constant 1280 : i32
    %add3A_310 = vector.broadcast %add3A_309 : i32 to vector<256x256xi32>
    %add3A_311 = arith.addi %iota3A_69, %add3A_310 : vector<256x256xi32>
    %convert_element_type3A_312 = arith.sitofp %add3A_311 : vector<256x256xi32> to vector<256x256xf32>
    %add3A_313 = arith.constant 1536 : i32
    %add3A_314 = vector.broadcast %add3A_313 : i32 to vector<256x256xi32>
    %add3A_315 = arith.addi %iota3A_68, %add3A_314 : vector<256x256xi32>
    %add3A_316 = arith.constant 1280 : i32
    %add3A_317 = vector.broadcast %add3A_316 : i32 to vector<256x256xi32>
    %add3A_318 = arith.addi %iota3A_69, %add3A_317 : vector<256x256xi32>
    %le3A_319 = arith.cmpi sle, %add3A_318, %add3A_315 : vector<256x256xi32>
    %ge3A_320 = vector.broadcast %slice3A_306 : vector<256x1xf32> to vector<256x256xf32>
    %ge3A_321 = arith.cmpf oge, %convert_element_type3A_312, %ge3A_320 : vector<256x256xf32>
    %and3A_322 = arith.andi %le3A_319, %ge3A_321 : vector<256x256xi1>
    %convert_element_type3A_323 = arith.extui %and3A_322 : vector<256x256xi1> to vector<256x256xi32>
    %convert_element_type3A_324 = arith.sitofp %convert_element_type3A_323 : vector<256x256xi32> to vector<256x256xf32>
    %slice3A_325 = vector.extract_strided_slice %convert_element_type3A_46 {offsets = [1280, 0], sizes = [256, 16], strides = [1, 1]} : vector<2048x16xf32> to vector<256x16xf32>
    %dot_general3A_326 = arith.constant dense<0.000000e+00> : vector<256x16xf32>
    %dot_general3A_327 = tpu.matmul %convert_element_type3A_324, %slice3A_325, %dot_general3A_326 {dimension_numbers = #tpu.dot_dimension_numbers<[1], [0], [0], [1], [0, 0, 1, 1], [], []>, transpose_lhs_hint = false} : vector<256x256xf32>, vector<256x16xf32>, vector<256x16xf32> -> vector<256x16xf32>
    %add3A_328 = arith.addf %broadcast_in_dim3A_308, %dot_general3A_327 : vector<256x16xf32>
    %add3A_329 = arith.constant 1536 : i32
    %add3A_330 = vector.broadcast %add3A_329 : i32 to vector<256x256xi32>
    %add3A_331 = arith.addi %iota3A_69, %add3A_330 : vector<256x256xi32>
    %convert_element_type3A_332 = arith.sitofp %add3A_331 : vector<256x256xi32> to vector<256x256xf32>
    %add3A_333 = arith.constant 1536 : i32
    %add3A_334 = vector.broadcast %add3A_333 : i32 to vector<256x256xi32>
    %add3A_335 = arith.addi %iota3A_68, %add3A_334 : vector<256x256xi32>
    %add3A_336 = arith.constant 1536 : i32
    %add3A_337 = vector.broadcast %add3A_336 : i32 to vector<256x256xi32>
    %add3A_338 = arith.addi %iota3A_69, %add3A_337 : vector<256x256xi32>
    %le3A_339 = arith.cmpi sle, %add3A_338, %add3A_335 : vector<256x256xi32>
    %ge3A_340 = vector.broadcast %slice3A_306 : vector<256x1xf32> to vector<256x256xf32>
    %ge3A_341 = arith.cmpf oge, %convert_element_type3A_332, %ge3A_340 : vector<256x256xf32>
    %and3A_342 = arith.andi %le3A_339, %ge3A_341 : vector<256x256xi1>
    %convert_element_type3A_343 = arith.extui %and3A_342 : vector<256x256xi1> to vector<256x256xi32>
    %convert_element_type3A_344 = arith.sitofp %convert_element_type3A_343 : vector<256x256xi32> to vector<256x256xf32>
    %slice3A_345 = vector.extract_strided_slice %convert_element_type3A_46 {offsets = [1536, 0], sizes = [256, 16], strides = [1, 1]} : vector<2048x16xf32> to vector<256x16xf32>
    %dot_general3A_346 = arith.constant dense<0.000000e+00> : vector<256x16xf32>
    %dot_general3A_347 = tpu.matmul %convert_element_type3A_344, %slice3A_345, %dot_general3A_346 {dimension_numbers = #tpu.dot_dimension_numbers<[1], [0], [0], [1], [0, 0, 1, 1], [], []>, transpose_lhs_hint = false} : vector<256x256xf32>, vector<256x16xf32>, vector<256x16xf32> -> vector<256x16xf32>
    %add3A_348 = arith.addf %add3A_328, %dot_general3A_347 : vector<256x16xf32>
    %slice3A_349 = vector.extract_strided_slice %mul3A_67 {offsets = [1792, 0], sizes = [256, 1], strides = [1, 1]} : vector<2048x1xf32> to vector<256x1xf32>
    %broadcast_in_dim3A_350 = arith.constant 0.000000e+00 : f32
    %broadcast_in_dim3A_351 = vector.broadcast %broadcast_in_dim3A_350 : f32 to vector<256x16xf32>
    %add3A_352 = arith.constant 1536 : i32
    %add3A_353 = vector.broadcast %add3A_352 : i32 to vector<256x256xi32>
    %add3A_354 = arith.addi %iota3A_69, %add3A_353 : vector<256x256xi32>
    %convert_element_type3A_355 = arith.sitofp %add3A_354 : vector<256x256xi32> to vector<256x256xf32>
    %add3A_356 = arith.constant 1792 : i32
    %add3A_357 = vector.broadcast %add3A_356 : i32 to vector<256x256xi32>
    %add3A_358 = arith.addi %iota3A_68, %add3A_357 : vector<256x256xi32>
    %add3A_359 = arith.constant 1536 : i32
    %add3A_360 = vector.broadcast %add3A_359 : i32 to vector<256x256xi32>
    %add3A_361 = arith.addi %iota3A_69, %add3A_360 : vector<256x256xi32>
    %le3A_362 = arith.cmpi sle, %add3A_361, %add3A_358 : vector<256x256xi32>
    %ge3A_363 = vector.broadcast %slice3A_349 : vector<256x1xf32> to vector<256x256xf32>
    %ge3A_364 = arith.cmpf oge, %convert_element_type3A_355, %ge3A_363 : vector<256x256xf32>
    %and3A_365 = arith.andi %le3A_362, %ge3A_364 : vector<256x256xi1>
    %convert_element_type3A_366 = arith.extui %and3A_365 : vector<256x256xi1> to vector<256x256xi32>
    %convert_element_type3A_367 = arith.sitofp %convert_element_type3A_366 : vector<256x256xi32> to vector<256x256xf32>
    %slice3A_368 = vector.extract_strided_slice %convert_element_type3A_46 {offsets = [1536, 0], sizes = [256, 16], strides = [1, 1]} : vector<2048x16xf32> to vector<256x16xf32>
    %dot_general3A_369 = arith.constant dense<0.000000e+00> : vector<256x16xf32>
    %dot_general3A_370 = tpu.matmul %convert_element_type3A_367, %slice3A_368, %dot_general3A_369 {dimension_numbers = #tpu.dot_dimension_numbers<[1], [0], [0], [1], [0, 0, 1, 1], [], []>, transpose_lhs_hint = false} : vector<256x256xf32>, vector<256x16xf32>, vector<256x16xf32> -> vector<256x16xf32>
    %add3A_371 = arith.addf %broadcast_in_dim3A_351, %dot_general3A_370 : vector<256x16xf32>
    %add3A_372 = arith.constant 1792 : i32
    %add3A_373 = vector.broadcast %add3A_372 : i32 to vector<256x256xi32>
    %add3A_374 = arith.addi %iota3A_69, %add3A_373 : vector<256x256xi32>
    %convert_element_type3A_375 = arith.sitofp %add3A_374 : vector<256x256xi32> to vector<256x256xf32>
    %add3A_376 = arith.constant 1792 : i32
    %add3A_377 = vector.broadcast %add3A_376 : i32 to vector<256x256xi32>
    %add3A_378 = arith.addi %iota3A_68, %add3A_377 : vector<256x256xi32>
    %add3A_379 = arith.constant 1792 : i32
    %add3A_380 = vector.broadcast %add3A_379 : i32 to vector<256x256xi32>
    %add3A_381 = arith.addi %iota3A_69, %add3A_380 : vector<256x256xi32>
    %le3A_382 = arith.cmpi sle, %add3A_381, %add3A_378 : vector<256x256xi32>
    %ge3A_383 = vector.broadcast %slice3A_349 : vector<256x1xf32> to vector<256x256xf32>
    %ge3A_384 = arith.cmpf oge, %convert_element_type3A_375, %ge3A_383 : vector<256x256xf32>
    %and3A_385 = arith.andi %le3A_382, %ge3A_384 : vector<256x256xi1>
    %convert_element_type3A_386 = arith.extui %and3A_385 : vector<256x256xi1> to vector<256x256xi32>
    %convert_element_type3A_387 = arith.sitofp %convert_element_type3A_386 : vector<256x256xi32> to vector<256x256xf32>
    %slice3A_388 = vector.extract_strided_slice %convert_element_type3A_46 {offsets = [1792, 0], sizes = [256, 16], strides = [1, 1]} : vector<2048x16xf32> to vector<256x16xf32>
    %dot_general3A_389 = arith.constant dense<0.000000e+00> : vector<256x16xf32>
    %dot_general3A_390 = tpu.matmul %convert_element_type3A_387, %slice3A_388, %dot_general3A_389 {dimension_numbers = #tpu.dot_dimension_numbers<[1], [0], [0], [1], [0, 0, 1, 1], [], []>, transpose_lhs_hint = false} : vector<256x256xf32>, vector<256x16xf32>, vector<256x16xf32> -> vector<256x16xf32>
    %add3A_391 = arith.addf %add3A_371, %dot_general3A_390 : vector<256x16xf32>
    %concatenate3A = tpu.concatenate %add3A_90, %add3A_133, %add3A_176, %add3A_219, %add3A_262, %add3A_305, %add3A_348, %add3A_391 in 0 : vector<256x16xf32>, vector<256x16xf32>, vector<256x16xf32>, vector<256x16xf32>, vector<256x16xf32>, vector<256x16xf32>, vector<256x16xf32>, vector<256x16xf32> -> vector<2048x16xf32>
    %slice3A_392 = vector.extract_strided_slice %convert_element_type3A_46 {offsets = [0, 0], sizes = [2048, 8], strides = [1, 1]} : vector<2048x16xf32> to vector<2048x8xf32>
    %slice3A_393 = vector.extract_strided_slice %concatenate3A {offsets = [0, 0], sizes = [2048, 8], strides = [1, 1]} : vector<2048x16xf32> to vector<2048x8xf32>
    %mul3A_394 = arith.mulf %slice3A_392, %slice3A_393 : vector<2048x8xf32>
    %reduce_sum3A_395 = arith.constant dense<0.000000e+00> : vector<2048xf32>
    %reduce_sum3A_396 = vector.multi_reduction <add>, %mul3A_394, %reduce_sum3A_395 [1] : vector<2048x8xf32> to vector<2048xf32>
    %broadcast_in_dim3A_397 = vector.shape_cast %reduce_sum3A_396 : vector<2048xf32> to vector<2048x1xf32>
    %slice3A_398 = vector.extract_strided_slice %convert_element_type3A_46 {offsets = [0, 8], sizes = [2048, 8], strides = [1, 1]} : vector<2048x16xf32> to vector<2048x8xf32>
    %slice3A_399 = vector.extract_strided_slice %concatenate3A {offsets = [0, 8], sizes = [2048, 8], strides = [1, 1]} : vector<2048x16xf32> to vector<2048x8xf32>
    %mul3A_400 = arith.mulf %slice3A_398, %slice3A_399 : vector<2048x8xf32>
    %reduce_sum3A_401 = arith.constant dense<0.000000e+00> : vector<2048xf32>
    %reduce_sum3A_402 = vector.multi_reduction <add>, %mul3A_400, %reduce_sum3A_401 [1] : vector<2048x8xf32> to vector<2048xf32>
    %broadcast_in_dim3A_403 = vector.shape_cast %reduce_sum3A_402 : vector<2048xf32> to vector<2048x1xf32>
    %convert_element_type3A_404 = arith.sitofp %broadcast_in_dim3A_21 : vector<2048x1xi32> to vector<2048x1xf32>
    %convert_element_type3A_405 = arith.sitofp %broadcast_in_dim3A_37 : vector<2048x1xi32> to vector<2048x1xf32>
    %mul3A_406 = arith.constant 2.208000e+03 : f32
    %mul3A_407 = vector.broadcast %mul3A_406 : f32 to vector<2048x1xf32>
    %mul3A_408 = arith.mulf %convert_element_type3A_404, %mul3A_407 : vector<2048x1xf32>
    %mul3A_409 = arith.constant 4.800000e+01 : f32
    %mul3A_410 = vector.broadcast %mul3A_409 : f32 to vector<2048x1xf32>
    %mul3A_411 = arith.mulf %broadcast_in_dim3A_64, %mul3A_410 : vector<2048x1xf32>
    %add3A_412 = arith.addf %mul3A_408, %mul3A_411 : vector<2048x1xf32>
    %add3A_413 = arith.addf %add3A_412, %broadcast_in_dim3A_397 : vector<2048x1xf32>
    %mul3A_414 = arith.constant 2.208000e+03 : f32
    %mul3A_415 = vector.broadcast %mul3A_414 : f32 to vector<2048x1xf32>
    %mul3A_416 = arith.mulf %convert_element_type3A_405, %mul3A_415 : vector<2048x1xf32>
    %add3A_417 = arith.constant 1.766400e+04 : f32
    %add3A_418 = vector.broadcast %add3A_417 : f32 to vector<2048x1xf32>
    %add3A_419 = arith.addf %add3A_418, %mul3A_416 : vector<2048x1xf32>
    %mul3A_420 = arith.constant 4.800000e+01 : f32
    %mul3A_421 = vector.broadcast %mul3A_420 : f32 to vector<2048x1xf32>
    %mul3A_422 = arith.mulf %broadcast_in_dim3A_64, %mul3A_421 : vector<2048x1xf32>
    %add3A_423 = arith.addf %add3A_419, %mul3A_422 : vector<2048x1xf32>
    %add3A_424 = arith.addf %add3A_423, %broadcast_in_dim3A_403 : vector<2048x1xf32>
    %add3A_425 = arith.constant 1.766400e+04 : f32
    %add3A_426 = vector.broadcast %add3A_425 : f32 to vector<2048x1xf32>
    %add3A_427 = arith.addf %add3A_413, %add3A_426 : vector<2048x1xf32>
    %sub3A_428 = arith.constant 1.766400e+04 : f32
    %sub3A_429 = vector.broadcast %sub3A_428 : f32 to vector<2048x1xf32>
    %sub3A_430 = arith.subf %add3A_424, %sub3A_429 : vector<2048x1xf32>
    %iota3A_431 = tpu.iota {dimensions = array<i32: 1>} : vector<2048x8xi32>
    %eq3A_432 = arith.constant 0 : i32
    %eq3A_433 = vector.broadcast %eq3A_432 : i32 to vector<2048x8xi32>
    %eq3A_434 = arith.cmpi eq, %iota3A_431, %eq3A_433 : vector<2048x8xi32>
    %convert_element_type3A_435 = arith.extui %eq3A_434 : vector<2048x8xi1> to vector<2048x8xi32>
    %convert_element_type3A_436 = arith.sitofp %convert_element_type3A_435 : vector<2048x8xi32> to vector<2048x8xf32>
    %mul3A_437 = vector.broadcast %add3A_413 : vector<2048x1xf32> to vector<2048x8xf32>
    %mul3A_438 = arith.mulf %mul3A_437, %convert_element_type3A_436 : vector<2048x8xf32>
    %iota3A_439 = tpu.iota {dimensions = array<i32: 1>} : vector<2048x8xi32>
    %eq3A_440 = arith.constant 1 : i32
    %eq3A_441 = vector.broadcast %eq3A_440 : i32 to vector<2048x8xi32>
    %eq3A_442 = arith.cmpi eq, %iota3A_439, %eq3A_441 : vector<2048x8xi32>
    %convert_element_type3A_443 = arith.extui %eq3A_442 : vector<2048x8xi1> to vector<2048x8xi32>
    %convert_element_type3A_444 = arith.sitofp %convert_element_type3A_443 : vector<2048x8xi32> to vector<2048x8xf32>
    %mul3A_445 = vector.broadcast %add3A_424 : vector<2048x1xf32> to vector<2048x8xf32>
    %mul3A_446 = arith.mulf %mul3A_445, %convert_element_type3A_444 : vector<2048x8xf32>
    %add3A_447 = arith.addf %mul3A_438, %mul3A_446 : vector<2048x8xf32>
    %iota3A_448 = tpu.iota {dimensions = array<i32: 1>} : vector<2048x8xi32>
    %eq3A_449 = arith.constant 2 : i32
    %eq3A_450 = vector.broadcast %eq3A_449 : i32 to vector<2048x8xi32>
    %eq3A_451 = arith.cmpi eq, %iota3A_448, %eq3A_450 : vector<2048x8xi32>
    %convert_element_type3A_452 = arith.extui %eq3A_451 : vector<2048x8xi1> to vector<2048x8xi32>
    %convert_element_type3A_453 = arith.sitofp %convert_element_type3A_452 : vector<2048x8xi32> to vector<2048x8xf32>
    %mul3A_454 = vector.broadcast %add3A_427 : vector<2048x1xf32> to vector<2048x8xf32>
    %mul3A_455 = arith.mulf %mul3A_454, %convert_element_type3A_453 : vector<2048x8xf32>
    %add3A_456 = arith.addf %add3A_447, %mul3A_455 : vector<2048x8xf32>
    %iota3A_457 = tpu.iota {dimensions = array<i32: 1>} : vector<2048x8xi32>
    %eq3A_458 = arith.constant 3 : i32
    %eq3A_459 = vector.broadcast %eq3A_458 : i32 to vector<2048x8xi32>
    %eq3A_460 = arith.cmpi eq, %iota3A_457, %eq3A_459 : vector<2048x8xi32>
    %convert_element_type3A_461 = arith.extui %eq3A_460 : vector<2048x8xi1> to vector<2048x8xi32>
    %convert_element_type3A_462 = arith.sitofp %convert_element_type3A_461 : vector<2048x8xi32> to vector<2048x8xf32>
    %mul3A_463 = vector.broadcast %sub3A_430 : vector<2048x1xf32> to vector<2048x8xf32>
    %mul3A_464 = arith.mulf %mul3A_463, %convert_element_type3A_462 : vector<2048x8xf32>
    %add3A_465 = arith.addf %add3A_456, %mul3A_464 : vector<2048x8xf32>
    %convert_element_type3A_466 = arith.fptosi %add3A_465 : vector<2048x8xf32> to vector<2048x8xi32>
    %swap3A = arith.constant 0 : index
    %swap3A_467 = arith.constant 0 : index
    %swap3A_468 = vector.load %arg3[%swap3A, %swap3A_467] : memref<2048x8xi32, #tpu.memory_space<vmem>>, vector<2048x8xi32>
    tpu.vector_store %arg3[%swap3A, %swap3A_467], %convert_element_type3A_466 {strides = array<i32>} : memref<2048x8xi32, #tpu.memory_space<vmem>>, vector<2048x8xi32>,
    %iota3A_469 = tpu.iota {dimensions = array<i32: 1>} : vector<2048x8xi32>
    %eq3A_470 = arith.constant 0 : i32
    %eq3A_471 = vector.broadcast %eq3A_470 : i32 to vector<2048x8xi32>
    %eq3A_472 = arith.cmpi eq, %iota3A_469, %eq3A_471 : vector<2048x8xi32>
    %convert_element_type3A_473 = arith.extui %eq3A_472 : vector<2048x8xi1> to vector<2048x8xi32>
    %convert_element_type3A_474 = arith.sitofp %convert_element_type3A_473 : vector<2048x8xi32> to vector<2048x8xf32>
    %mul3A_475 = vector.broadcast %broadcast_in_dim3A_17 : vector<2048x1xf32> to vector<2048x8xf32>
    %mul3A_476 = arith.mulf %mul3A_475, %convert_element_type3A_474 : vector<2048x8xf32>
    %iota3A_477 = tpu.iota {dimensions = array<i32: 1>} : vector<2048x8xi32>
    %eq3A_478 = arith.constant 1 : i32
    %eq3A_479 = vector.broadcast %eq3A_478 : i32 to vector<2048x8xi32>
    %eq3A_480 = arith.cmpi eq, %iota3A_477, %eq3A_479 : vector<2048x8xi32>
    %convert_element_type3A_481 = arith.extui %eq3A_480 : vector<2048x8xi1> to vector<2048x8xi32>
    %convert_element_type3A_482 = arith.sitofp %convert_element_type3A_481 : vector<2048x8xi32> to vector<2048x8xf32>
    %mul3A_483 = vector.broadcast %broadcast_in_dim3A_29 : vector<2048x1xf32> to vector<2048x8xf32>
    %mul3A_484 = arith.mulf %mul3A_483, %convert_element_type3A_482 : vector<2048x8xf32>
    %add3A_485 = arith.addf %mul3A_476, %mul3A_484 : vector<2048x8xf32>
    %iota3A_486 = tpu.iota {dimensions = array<i32: 1>} : vector<2048x8xi32>
    %eq3A_487 = arith.constant 2 : i32
    %eq3A_488 = vector.broadcast %eq3A_487 : i32 to vector<2048x8xi32>
    %eq3A_489 = arith.cmpi eq, %iota3A_486, %eq3A_488 : vector<2048x8xi32>
    %convert_element_type3A_490 = arith.extui %eq3A_489 : vector<2048x8xi1> to vector<2048x8xi32>
    %convert_element_type3A_491 = arith.sitofp %convert_element_type3A_490 : vector<2048x8xi32> to vector<2048x8xf32>
    %mul3A_492 = vector.broadcast %convert_element_type3A_404 : vector<2048x1xf32> to vector<2048x8xf32>
    %mul3A_493 = arith.mulf %mul3A_492, %convert_element_type3A_491 : vector<2048x8xf32>
    %add3A_494 = arith.addf %add3A_485, %mul3A_493 : vector<2048x8xf32>
    %iota3A_495 = tpu.iota {dimensions = array<i32: 1>} : vector<2048x8xi32>
    %eq3A_496 = arith.constant 3 : i32
    %eq3A_497 = vector.broadcast %eq3A_496 : i32 to vector<2048x8xi32>
    %eq3A_498 = arith.cmpi eq, %iota3A_495, %eq3A_497 : vector<2048x8xi32>
    %convert_element_type3A_499 = arith.extui %eq3A_498 : vector<2048x8xi1> to vector<2048x8xi32>
    %convert_element_type3A_500 = arith.sitofp %convert_element_type3A_499 : vector<2048x8xi32> to vector<2048x8xf32>
    %mul3A_501 = vector.broadcast %convert_element_type3A_405 : vector<2048x1xf32> to vector<2048x8xf32>
    %mul3A_502 = arith.mulf %mul3A_501, %convert_element_type3A_500 : vector<2048x8xf32>
    %add3A_503 = arith.addf %add3A_494, %mul3A_502 : vector<2048x8xf32>
    %swap3A_504 = arith.constant 0 : index
    %swap3A_505 = arith.constant 0 : index
    %swap3A_506 = vector.load %arg4[%swap3A_504, %swap3A_505] : memref<2048x8xf32, #tpu.memory_space<vmem>>, vector<2048x8xf32>
    tpu.vector_store %arg4[%swap3A_504, %swap3A_505], %add3A_503 {strides = array<i32>} : memref<2048x8xf32, #tpu.memory_space<vmem>>, vector<2048x8xf32>,
    %convert_element_type3A_507 = arith.truncf %get3A_1 : vector<2048x768xf32> to vector<2048x768xbf16>
    %broadcast_in_dim3A_508 = arith.constant 0.000000e+00 : bf16
    %broadcast_in_dim3A_509 = vector.broadcast %broadcast_in_dim3A_508 : bf16 to vector<8x768xbf16>
    %concatenate3A_510 = tpu.concatenate %convert_element_type3A_507, %broadcast_in_dim3A_509 in 0 : vector<2048x768xbf16>, vector<8x768xbf16> -> vector<2056x768xbf16>
    %swap3A_511 = arith.constant 0 : index
    %swap3A_512 = arith.constant 0 : index
    %swap3A_513 = vector.load %arg5[%swap3A_511, %swap3A_512] : memref<2056x768xbf16, #tpu.memory_space<vmem>>, vector<2056x768xbf16>
    tpu.vector_store %arg5[%swap3A_511, %swap3A_512], %concatenate3A_510 {strides = array<i32>} : memref<2056x768xbf16, #tpu.memory_space<vmem>>, vector<2056x768xbf16>,
    return
  }
}

module attributes {stable_mosaic.version = 14 : i64} {
  func.func @_shared_body(%arg0: memref<2056x768xbf16, #tpu.memory_space<vmem>>, %arg1: memref<1x1024x768xf32, #tpu.memory_space<vmem>>, %arg2: memref<1x768x1024xf32, #tpu.memory_space<vmem>>, %arg3: memref<2048x768xbf16, #tpu.memory_space<vmem>>, %arg4: memref<1024x768xbf16, #tpu.memory_space<vmem>>, %arg5: memref<768x1024xbf16, #tpu.memory_space<vmem>>) attributes {dimension_semantics = [], scalar_prefetch = 0 : i64, scratch_operands = 2 : i64, tpu.core_type = #tpu.core_type<tc>} {
    %get3A = arith.constant 0 : index
    %get3A_0 = arith.constant 0 : index
    %get3A_1 = arith.constant 0 : index
    %get3A_2 = vector.load %arg1[%get3A, %get3A_0, %get3A_1] : memref<1x1024x768xf32, #tpu.memory_space<vmem>>, vector<1x1024x768xf32>
    %get3A_3 = vector.shape_cast %get3A_2 : vector<1x1024x768xf32> to vector<1024x768xf32>
    %convert_element_type3A = arith.truncf %get3A_3 : vector<1024x768xf32> to vector<1024x768xbf16>
    %swap3A = arith.constant 0 : index
    %swap3A_4 = arith.constant 0 : index
    %swap3A_5 = vector.load %arg4[%swap3A, %swap3A_4] : memref<1024x768xbf16, #tpu.memory_space<vmem>>, vector<1024x768xbf16>
    tpu.vector_store %arg4[%swap3A, %swap3A_4], %convert_element_type3A {strides = array<i32>} : memref<1024x768xbf16, #tpu.memory_space<vmem>>, vector<1024x768xbf16>,
    %get3A_6 = arith.constant 0 : index
    %get3A_7 = arith.constant 0 : index
    %get3A_8 = arith.constant 0 : index
    %get3A_9 = vector.load %arg2[%get3A_6, %get3A_7, %get3A_8] : memref<1x768x1024xf32, #tpu.memory_space<vmem>>, vector<1x768x1024xf32>
    %get3A_10 = vector.shape_cast %get3A_9 : vector<1x768x1024xf32> to vector<768x1024xf32>
    %convert_element_type3A_11 = arith.truncf %get3A_10 : vector<768x1024xf32> to vector<768x1024xbf16>
    %swap3A_12 = arith.constant 0 : index
    %swap3A_13 = arith.constant 0 : index
    %swap3A_14 = vector.load %arg5[%swap3A_12, %swap3A_13] : memref<768x1024xbf16, #tpu.memory_space<vmem>>, vector<768x1024xbf16>
    tpu.vector_store %arg5[%swap3A_12, %swap3A_13], %convert_element_type3A_11 {strides = array<i32>} : memref<768x1024xbf16, #tpu.memory_space<vmem>>, vector<768x1024xbf16>,
    %get3A_15 = arith.constant 0 : index
    %get3A_16 = arith.constant 0 : index
    %get3A_17 = vector.load %arg0[%get3A_15, %get3A_16] : memref<2056x768xbf16, #tpu.memory_space<vmem>>, vector<2048x768xbf16>
    %get3A_18 = arith.constant 0 : index
    %get3A_19 = arith.constant 0 : index
    %get3A_20 = vector.load %arg4[%get3A_18, %get3A_19] : memref<1024x768xbf16, #tpu.memory_space<vmem>>, vector<1024x768xbf16>
    %dot_general3A = arith.constant dense<0.000000e+00> : vector<2048x1024xf32>
    %dot_general3A_21 = tpu.matmul %get3A_17, %get3A_20, %dot_general3A {dimension_numbers = #tpu.dot_dimension_numbers<[1], [1], [0], [0], [0, 0, 1, 0], [], []>, transpose_lhs_hint = false} : vector<2048x768xbf16>, vector<1024x768xbf16>, vector<2048x1024xf32> -> vector<2048x1024xf32>
    %integer_pow3A = arith.mulf %dot_general3A_21, %dot_general3A_21 : vector<2048x1024xf32>
    %integer_pow3A_22 = arith.mulf %dot_general3A_21, %integer_pow3A : vector<2048x1024xf32>
    %mul3A = arith.constant 4.471500e-02 : f32
    %mul3A_23 = vector.broadcast %mul3A : f32 to vector<2048x1024xf32>
    %mul3A_24 = arith.mulf %mul3A_23, %integer_pow3A_22 : vector<2048x1024xf32>
    %add3A = arith.addf %dot_general3A_21, %mul3A_24 : vector<2048x1024xf32>
    %mul3A_25 = arith.constant 0.797884583 : f32
    %mul3A_26 = vector.broadcast %mul3A_25 : f32 to vector<2048x1024xf32>
    %mul3A_27 = arith.mulf %mul3A_26, %add3A : vector<2048x1024xf32>
    %tanh3A = math.tanh %mul3A_27 : vector<2048x1024xf32>
    %add3A_28 = arith.constant 1.000000e+00 : f32
    %add3A_29 = vector.broadcast %add3A_28 : f32 to vector<2048x1024xf32>
    %add3A_30 = arith.addf %add3A_29, %tanh3A : vector<2048x1024xf32>
    %mul3A_31 = arith.constant 5.000000e-01 : f32
    %mul3A_32 = vector.broadcast %mul3A_31 : f32 to vector<2048x1024xf32>
    %mul3A_33 = arith.mulf %mul3A_32, %add3A_30 : vector<2048x1024xf32>
    %mul3A_34 = arith.mulf %dot_general3A_21, %mul3A_33 : vector<2048x1024xf32>
    %convert_element_type3A_35 = arith.truncf %mul3A_34 : vector<2048x1024xf32> to vector<2048x1024xbf16>
    %get3A_36 = arith.constant 0 : index
    %get3A_37 = arith.constant 0 : index
    %get3A_38 = vector.load %arg5[%get3A_36, %get3A_37] : memref<768x1024xbf16, #tpu.memory_space<vmem>>, vector<768x1024xbf16>
    %dot_general3A_39 = arith.constant dense<0.000000e+00> : vector<2048x768xf32>
    %dot_general3A_40 = tpu.matmul %convert_element_type3A_35, %get3A_38, %dot_general3A_39 {dimension_numbers = #tpu.dot_dimension_numbers<[1], [1], [0], [0], [0, 0, 1, 0], [], []>, transpose_lhs_hint = false} : vector<2048x1024xbf16>, vector<768x1024xbf16>, vector<2048x768xf32> -> vector<2048x768xf32>
    %convert_element_type3A_41 = arith.truncf %dot_general3A_40 : vector<2048x768xf32> to vector<2048x768xbf16>
    %swap3A_42 = arith.constant 0 : index
    %swap3A_43 = arith.constant 0 : index
    %swap3A_44 = vector.load %arg3[%swap3A_42, %swap3A_43] : memref<2048x768xbf16, #tpu.memory_space<vmem>>, vector<2048x768xbf16>
    tpu.vector_store %arg3[%swap3A_42, %swap3A_43], %convert_element_type3A_41 {strides = array<i32>} : memref<2048x768xbf16, #tpu.memory_space<vmem>>, vector<2048x768xbf16>,
    return
  }
}

module attributes {stable_mosaic.version = 14 : i64} {
  func.func @moe_ffn(%arg0: i32, %arg1: memref<2056x768xbf16, #tpu.memory_space<vmem>>, %arg2: memref<2048x768xbf16, #tpu.memory_space<vmem>>, %arg3: memref<2048x768xbf16, #tpu.memory_space<vmem>>, %arg4: memref<2048x8xf32, #tpu.memory_space<vmem>>, %arg5: memref<2048x768xbf16, #tpu.memory_space<vmem>>, %arg6: memref<1x1024x768xf32, #tpu.memory_space<vmem>>, %arg7: memref<1x768x1024xf32, #tpu.memory_space<vmem>>, %arg8: memref<2048x768xf32, #tpu.memory_space<vmem>>, %arg9: memref<1024x768xbf16, #tpu.memory_space<vmem>>, %arg10: memref<768x1024xbf16, #tpu.memory_space<vmem>>) attributes {dimension_semantics = [#tpu.dimension_semantics<arbitrary>], iteration_bounds = array<i64: 8>, scalar_prefetch = 0 : i64, scratch_operands = 2 : i64, tpu.core_type = #tpu.core_type<tc>, window_params = [{pipeline_mode = #tpu.pipeline_mode<synchronous>, transform_indices = @transform_0, window_bounds = array<i64: 2056, 768>}, {pipeline_mode = #tpu.pipeline_mode<synchronous>, transform_indices = @transform_1, window_bounds = array<i64: 2048, 768>}, {pipeline_mode = #tpu.pipeline_mode<synchronous>, transform_indices = @transform_2, window_bounds = array<i64: 2048, 768>}, {pipeline_mode = #tpu.pipeline_mode<synchronous>, transform_indices = @transform_3, window_bounds = array<i64: 2048, 8>}, {pipeline_mode = #tpu.pipeline_mode<synchronous>, transform_indices = @transform_4, window_bounds = array<i64: 2048, 768>}, {transform_indices = @transform_5, window_bounds = array<i64: 1, 1024, 768>}, {transform_indices = @transform_6, window_bounds = array<i64: 1, 768, 1024>}, {pipeline_mode = #tpu.pipeline_mode<synchronous>, transform_indices = @transform_7, window_bounds = array<i64: 2048, 768>}]} {
    %get3A = arith.constant 0 : index
    %get3A_0 = arith.constant 0 : index
    %get3A_1 = vector.load %arg1[%get3A, %get3A_0] : memref<2056x768xbf16, #tpu.memory_space<vmem>>, vector<2048x768xbf16>
    %get3A_2 = arith.constant 0 : index
    %get3A_3 = arith.constant 0 : index
    %get3A_4 = arith.constant 0 : index
    %get3A_5 = vector.load %arg6[%get3A_2, %get3A_3, %get3A_4] : memref<1x1024x768xf32, #tpu.memory_space<vmem>>, vector<1x1024x768xf32>
    %get3A_6 = vector.shape_cast %get3A_5 : vector<1x1024x768xf32> to vector<1024x768xf32>
    %convert_element_type3A = arith.truncf %get3A_6 : vector<1024x768xf32> to vector<1024x768xbf16>
    %swap3A = arith.constant 0 : index
    %swap3A_7 = arith.constant 0 : index
    %swap3A_8 = vector.load %arg9[%swap3A, %swap3A_7] : memref<1024x768xbf16, #tpu.memory_space<vmem>>, vector<1024x768xbf16>
    tpu.vector_store %arg9[%swap3A, %swap3A_7], %convert_element_type3A {strides = array<i32>} : memref<1024x768xbf16, #tpu.memory_space<vmem>>, vector<1024x768xbf16>,
    %get3A_9 = arith.constant 0 : index
    %get3A_10 = arith.constant 0 : index
    %get3A_11 = arith.constant 0 : index
    %get3A_12 = vector.load %arg7[%get3A_9, %get3A_10, %get3A_11] : memref<1x768x1024xf32, #tpu.memory_space<vmem>>, vector<1x768x1024xf32>
    %get3A_13 = vector.shape_cast %get3A_12 : vector<1x768x1024xf32> to vector<768x1024xf32>
    %convert_element_type3A_14 = arith.truncf %get3A_13 : vector<768x1024xf32> to vector<768x1024xbf16>
    %swap3A_15 = arith.constant 0 : index
    %swap3A_16 = arith.constant 0 : index
    %swap3A_17 = vector.load %arg10[%swap3A_15, %swap3A_16] : memref<768x1024xbf16, #tpu.memory_space<vmem>>, vector<768x1024xbf16>
    tpu.vector_store %arg10[%swap3A_15, %swap3A_16], %convert_element_type3A_14 {strides = array<i32>} : memref<768x1024xbf16, #tpu.memory_space<vmem>>, vector<768x1024xbf16>,
    %convert_element_type3A_18 = arith.sitofp %arg0 : i32 to f32
    %get3A_19 = arith.constant 0 : index
    %get3A_20 = arith.constant 2 : index
    %get3A_21 = vector.load %arg4[%get3A_19, %get3A_20] : memref<2048x8xf32, #tpu.memory_space<vmem>>, vector<2048x1xf32>
    %eq3A = vector.broadcast %convert_element_type3A_18 : f32 to vector<2048x1xf32>
    %eq3A_22 = arith.cmpf oeq, %get3A_21, %eq3A : vector<2048x1xf32>
    %get3A_23 = arith.constant 0 : index
    %get3A_24 = arith.constant 3 : index
    %get3A_25 = vector.load %arg4[%get3A_23, %get3A_24] : memref<2048x8xf32, #tpu.memory_space<vmem>>, vector<2048x1xf32>
    %eq3A_26 = vector.broadcast %convert_element_type3A_18 : f32 to vector<2048x1xf32>
    %eq3A_27 = arith.cmpf oeq, %get3A_25, %eq3A_26 : vector<2048x1xf32>
    %get3A_28 = arith.constant 0 : index
    %get3A_29 = arith.constant 0 : index
    %get3A_30 = vector.load %arg2[%get3A_28, %get3A_29] : memref<2048x768xbf16, #tpu.memory_space<vmem>>, vector<2048x768xbf16>
    %jit3A = arith.constant 0.000000e+00 : bf16
    %broadcast_in_dim3A = vector.shape_cast %eq3A_22 : vector<2048x1xi1> to vector<2048x1xi1>
    %broadcast_in_dim3A_31 = vector.broadcast %broadcast_in_dim3A : vector<2048x1xi1> to vector<2048x768xi1>
    %broadcast_in_dim3A_32 = vector.broadcast %jit3A : bf16 to vector<2048x768xbf16>
    %select_n3A = arith.select %broadcast_in_dim3A_31, %get3A_30, %broadcast_in_dim3A_32 : vector<2048x768xi1>, vector<2048x768xbf16>
    %add3A = arith.addf %get3A_1, %select_n3A : vector<2048x768xbf16>
    %get3A_33 = arith.constant 0 : index
    %get3A_34 = arith.constant 0 : index
    %get3A_35 = vector.load %arg3[%get3A_33, %get3A_34] : memref<2048x768xbf16, #tpu.memory_space<vmem>>, vector<2048x768xbf16>
    %jit3A_36 = arith.constant 0.000000e+00 : bf16
    %broadcast_in_dim3A_37 = vector.shape_cast %eq3A_27 : vector<2048x1xi1> to vector<2048x1xi1>
    %broadcast_in_dim3A_38 = vector.broadcast %broadcast_in_dim3A_37 : vector<2048x1xi1> to vector<2048x768xi1>
    %broadcast_in_dim3A_39 = vector.broadcast %jit3A_36 : bf16 to vector<2048x768xbf16>
    %select_n3A_40 = arith.select %broadcast_in_dim3A_38, %get3A_35, %broadcast_in_dim3A_39 : vector<2048x768xi1>, vector<2048x768xbf16>
    %add3A_41 = arith.addf %add3A, %select_n3A_40 : vector<2048x768xbf16>
    %get3A_42 = arith.constant 0 : index
    %get3A_43 = arith.constant 0 : index
    %get3A_44 = vector.load %arg9[%get3A_42, %get3A_43] : memref<1024x768xbf16, #tpu.memory_space<vmem>>, vector<1024x768xbf16>
    %dot_general3A = arith.constant dense<0.000000e+00> : vector<2048x1024xf32>
    %dot_general3A_45 = tpu.matmul %add3A_41, %get3A_44, %dot_general3A {dimension_numbers = #tpu.dot_dimension_numbers<[1], [1], [0], [0], [0, 0, 1, 0], [], []>, transpose_lhs_hint = false} : vector<2048x768xbf16>, vector<1024x768xbf16>, vector<2048x1024xf32> -> vector<2048x1024xf32>
    %integer_pow3A = arith.mulf %dot_general3A_45, %dot_general3A_45 : vector<2048x1024xf32>
    %integer_pow3A_46 = arith.mulf %dot_general3A_45, %integer_pow3A : vector<2048x1024xf32>
    %mul3A = arith.constant 4.471500e-02 : f32
    %mul3A_47 = vector.broadcast %mul3A : f32 to vector<2048x1024xf32>
    %mul3A_48 = arith.mulf %mul3A_47, %integer_pow3A_46 : vector<2048x1024xf32>
    %add3A_49 = arith.addf %dot_general3A_45, %mul3A_48 : vector<2048x1024xf32>
    %mul3A_50 = arith.constant 0.797884583 : f32
    %mul3A_51 = vector.broadcast %mul3A_50 : f32 to vector<2048x1024xf32>
    %mul3A_52 = arith.mulf %mul3A_51, %add3A_49 : vector<2048x1024xf32>
    %tanh3A = math.tanh %mul3A_52 : vector<2048x1024xf32>
    %add3A_53 = arith.constant 1.000000e+00 : f32
    %add3A_54 = vector.broadcast %add3A_53 : f32 to vector<2048x1024xf32>
    %add3A_55 = arith.addf %add3A_54, %tanh3A : vector<2048x1024xf32>
    %mul3A_56 = arith.constant 5.000000e-01 : f32
    %mul3A_57 = vector.broadcast %mul3A_56 : f32 to vector<2048x1024xf32>
    %mul3A_58 = arith.mulf %mul3A_57, %add3A_55 : vector<2048x1024xf32>
    %mul3A_59 = arith.mulf %dot_general3A_45, %mul3A_58 : vector<2048x1024xf32>
    %convert_element_type3A_60 = arith.truncf %mul3A_59 : vector<2048x1024xf32> to vector<2048x1024xbf16>
    %get3A_61 = arith.constant 0 : index
    %get3A_62 = arith.constant 0 : index
    %get3A_63 = vector.load %arg10[%get3A_61, %get3A_62] : memref<768x1024xbf16, #tpu.memory_space<vmem>>, vector<768x1024xbf16>
    %dot_general3A_64 = arith.constant dense<0.000000e+00> : vector<2048x768xf32>
    %dot_general3A_65 = tpu.matmul %convert_element_type3A_60, %get3A_63, %dot_general3A_64 {dimension_numbers = #tpu.dot_dimension_numbers<[1], [1], [0], [0], [0, 0, 1, 0], [], []>, transpose_lhs_hint = false} : vector<2048x1024xbf16>, vector<768x1024xbf16>, vector<2048x768xf32> -> vector<2048x768xf32>
    %get3A_66 = arith.constant 0 : index
    %get3A_67 = arith.constant 0 : index
    %get3A_68 = vector.load %arg4[%get3A_66, %get3A_67] : memref<2048x8xf32, #tpu.memory_space<vmem>>, vector<2048x1xf32>
    %jit3A_69 = arith.constant 0.000000e+00 : f32
    %broadcast_in_dim3A_70 = vector.broadcast %jit3A_69 : f32 to vector<2048x1xf32>
    %select_n3A_71 = arith.select %eq3A_22, %get3A_68, %broadcast_in_dim3A_70 : vector<2048x1xi1>, vector<2048x1xf32>
    %get3A_72 = arith.constant 0 : index
    %get3A_73 = arith.constant 1 : index
    %get3A_74 = vector.load %arg4[%get3A_72, %get3A_73] : memref<2048x8xf32, #tpu.memory_space<vmem>>, vector<2048x1xf32>
    %jit3A_75 = arith.constant 0.000000e+00 : f32
    %broadcast_in_dim3A_76 = vector.broadcast %jit3A_75 : f32 to vector<2048x1xf32>
    %select_n3A_77 = arith.select %eq3A_27, %get3A_74, %broadcast_in_dim3A_76 : vector<2048x1xi1>, vector<2048x1xf32>
    %add3A_78 = arith.addf %select_n3A_71, %select_n3A_77 : vector<2048x1xf32>
    %eq3A_79 = arith.constant 0 : i32
    %eq3A_80 = arith.cmpi eq, %arg0, %eq3A_79 : i32
    %convert_element_type3A_81 = arith.extui %eq3A_80 : i1 to i32
    %cond3A = arith.constant 0 : i32
    %cond3A_82 = arith.cmpi ne, %convert_element_type3A_81, %cond3A : i32
    scf.if %cond3A_82 {
      %get3A_87 = arith.constant 0 : index
      %get3A_88 = arith.constant 0 : index
      %get3A_89 = vector.load %arg5[%get3A_87, %get3A_88] : memref<2048x768xbf16, #tpu.memory_space<vmem>>, vector<2048x768xbf16>
      %convert_element_type3A_90 = arith.extf %get3A_89 : vector<2048x768xbf16> to vector<2048x768xf32>
      %mul3A_91 = vector.broadcast %add3A_78 : vector<2048x1xf32> to vector<2048x768xf32>
      %mul3A_92 = arith.mulf %dot_general3A_65, %mul3A_91 : vector<2048x768xf32>
      %add3A_93 = arith.addf %convert_element_type3A_90, %mul3A_92 : vector<2048x768xf32>
      %swap3A_94 = arith.constant 0 : index
      %swap3A_95 = arith.constant 0 : index
      %swap3A_96 = vector.load %arg8[%swap3A_94, %swap3A_95] : memref<2048x768xf32, #tpu.memory_space<vmem>>, vector<2048x768xf32>
      tpu.vector_store %arg8[%swap3A_94, %swap3A_95], %add3A_93 {strides = array<i32>} : memref<2048x768xf32, #tpu.memory_space<vmem>>, vector<2048x768xf32>,
    } else {
    }
    %gt3A = arith.constant 0 : i32
    %gt3A_83 = arith.cmpi sgt, %arg0, %gt3A : i32
    %convert_element_type3A_84 = arith.extui %gt3A_83 : i1 to i32
    %cond3A_85 = arith.constant 0 : i32
    %cond3A_86 = arith.cmpi ne, %convert_element_type3A_84, %cond3A_85 : i32
    scf.if %cond3A_86 {
      %get3A_87 = arith.constant 0 : index
      %get3A_88 = arith.constant 0 : index
      %get3A_89 = vector.load %arg8[%get3A_87, %get3A_88] : memref<2048x768xf32, #tpu.memory_space<vmem>>, vector<2048x768xf32>
      %mul3A_90 = vector.broadcast %add3A_78 : vector<2048x1xf32> to vector<2048x768xf32>
      %mul3A_91 = arith.mulf %dot_general3A_65, %mul3A_90 : vector<2048x768xf32>
      %add3A_92 = arith.addf %get3A_89, %mul3A_91 : vector<2048x768xf32>
      %swap3A_93 = arith.constant 0 : index
      %swap3A_94 = arith.constant 0 : index
      %swap3A_95 = vector.load %arg8[%swap3A_93, %swap3A_94] : memref<2048x768xf32, #tpu.memory_space<vmem>>, vector<2048x768xf32>
      tpu.vector_store %arg8[%swap3A_93, %swap3A_94], %add3A_92 {strides = array<i32>} : memref<2048x768xf32, #tpu.memory_space<vmem>>, vector<2048x768xf32>,
    } else {
    }
    return
  }
  func.func @transform_0(%arg0: i32) -> (i32, i32) {
    %c0_i32 = arith.constant 0 : i32
    %c0_i32_0 = arith.constant 0 : i32
    %c0_i32_1 = arith.constant 0 : i32
    return %c0_i32, %c0_i32_0 : i32, i32
  }
  func.func @transform_1(%arg0: i32) -> (i32, i32) {
    %c0_i32 = arith.constant 0 : i32
    %c0_i32_0 = arith.constant 0 : i32
    %c0_i32_1 = arith.constant 0 : i32
    return %c0_i32, %c0_i32_0 : i32, i32
  }
  func.func @transform_2(%arg0: i32) -> (i32, i32) {
    %c0_i32 = arith.constant 0 : i32
    %c0_i32_0 = arith.constant 0 : i32
    %c0_i32_1 = arith.constant 0 : i32
    return %c0_i32, %c0_i32_0 : i32, i32
  }
  func.func @transform_3(%arg0: i32) -> (i32, i32) {
    %c0_i32 = arith.constant 0 : i32
    %c0_i32_0 = arith.constant 0 : i32
    %c0_i32_1 = arith.constant 0 : i32
    return %c0_i32, %c0_i32_0 : i32, i32
  }
  func.func @transform_4(%arg0: i32) -> (i32, i32) {
    %c0_i32 = arith.constant 0 : i32
    %c0_i32_0 = arith.constant 0 : i32
    %c0_i32_1 = arith.constant 0 : i32
    return %c0_i32, %c0_i32_0 : i32, i32
  }
  func.func @transform_5(%arg0: i32) -> (i32, i32, i32) {
    %c0_i32 = arith.constant 0 : i32
    %c0_i32_0 = arith.constant 0 : i32
    %c0_i32_1 = arith.constant 0 : i32
    return %arg0, %c0_i32, %c0_i32_0 : i32, i32, i32
  }
  func.func @transform_6(%arg0: i32) -> (i32, i32, i32) {
    %c0_i32 = arith.constant 0 : i32
    %c0_i32_0 = arith.constant 0 : i32
    %c0_i32_1 = arith.constant 0 : i32
    return %arg0, %c0_i32, %c0_i32_0 : i32, i32, i32
  }
  func.func @transform_7(%arg0: i32) -> (i32, i32) {
    %c0_i32 = arith.constant 0 : i32
    %c0_i32_0 = arith.constant 0 : i32
    %c0_i32_1 = arith.constant 0 : i32
    return %c0_i32, %c0_i32_0 : i32, i32
  }
}

</mosaic_0001>

<sc_bundles>
// kernel: kernel.5.cloned.1.call-start
scs
__scs_entry_jumppad:
0x0: {  	(pc) =	sbr.rel $0x88, $3  }
0x1: {  	(tag) =	ssettag $0x0;
	lr =	simm.s32 $0x1  }
0x2: {  	[smem:$0x3F9A] =	sst lr;
	_ =	strace $0xD0000000  }
0x3: {  	_ = 	snop  }
0x4: {  	_ = 	snop  }
0x5: {  	_ = 	snop  }
0x6: {  	_ = 	snop  }
0x7: {  	_ = 	snop  }
__scs_overlays_trampoline_lowered:
0x8: {  	[smem:$0x3FA9] =	sst s0  }
0x9: {  	[smem:$0x3FAA] =	sst s1  }
0xa: {  	[smem:$0x3FAB] =	sst s2  }
0xb: {  	[smem:$0x3FAC] =	sst s3  }
0xc: {  	[smem:$0x3FAD] =	sst s4  }
0xd: {  	[smem:$0x3FAE] =	sst s5  }
0xe: {  	[smem:$0x3FAF] =	sst s6  }
0xf: {  	[smem:$0x3FB0] =	sst s7  }
0x10: {  	[smem:$0x3FB1] =	sst s8  }
0x11: {  	[smem:$0x3FB2] =	sst s9;
	s0 =	simm.s32 @!p0 $0x0  }
0x12: {  	s1 =	sld [smem:$0x3F98];
	s0 =	simm.s32 @p0 $0x1  }
0x13: {  	[smem:$0x3FB3] =	sst s0;
	s0 =	simm.s32 @!p1 $0x0  }
0x14: {  	s2 =	sld [smem:$0x3F97];
	s0 =	simm.s32 @p1 $0x1  }
0x15: {  	[smem:$0x3FB4] =	sst s0;
	s0 =	simm.s32 @!p2 $0x0  }
0x16: {  	s3 =	sld [smem:$0x3FDB];
	s0 =	simm.s32 @p2 $0x1  }
0x17: {  	s4 =	simm.s32 $0x1BF5;
	[smem:$0x3FB6] =	sst s0  }
0x18: {  	s0 =	sld [smem:$0x3F99];
	_ =	swait.ge [sflag:s4], $0x0  }
0x19: {  	s7 =	sld [smem:$0x3F9A]  }
0x1a: {  	s8 =	sadd.s32 $0xFFFFE003, lr  }
0x1b: {  	s9 =	sadd.s32 $0xFFFFFEF7, lr;
	s5 =	simm.s32 $0xFFFFFFFF;
	p2 =	slt.u32 s8, $0xFFFFF086  }
0x1c: {  	p1 =	slt.u32 s9, $0xF7A;
	s5 =	simm.s32 @!p2 $0x0  }
0x1d: {  	s5 =	simm.s32 @p1 $0x1;
	p0 =	seq.s32 s7, s2  }
0x1e: {  	s7 =	smul.u32 @!p0 $0xF7A, s2;
	p2 =	seq.s32 @!p0 s5, $0x0  }
0x1f: {  	s9 =	smul.u32 $0xF7A, s1;
	s8 =	simm.s32 @!p0 $0x1BF5;
	p2 =	por !p2, p0  }
0x20: {  	[sflag:s8] =	ssyncset.s32 @!p0 $0xFFFFF086;
	s6 =	sadd.s32 @!p0 s3, s7;
	s7 =	simm.s32 @!p0 $0x108  }
0x21: {  	s3 =	sadd.s32 s3, s9;
	s6 =	sadd.s32 @!p0 $0x88, s6;
	s7 =	simm.s32 @p2 $0x1082  }
0x22: {  	[simem:s7], [sflag:s8] =	dma.local @!p0 [hbm:s6], $0xF7A  }
0x23: {  	s9 =	sor.u32 $0xD0000000, s2;
	s6 =	simm.s32 $0x108;
	_ =	swait.ge @!p0 [sflag:s8], $0x0  }
0x24: {  	s3 =	sadd.s32 $0x88, s3;
	s6 =	simm.s32 @!p1 $0x1082;
	[sflag:s4] =	ssyncset.s32 $0xFFFFF086  }
0x25: {  	[simem:s6], [sflag:s4] =	dma.local [hbm:s3], $0xF7A  }
0x26: {  	[smem:$0x3F9A] =	sst s1;
	(tag) =	ssettag s2;
	_ =	strace s9  }
0x27: {  	s1 =	sld [smem:$0x3FAA]  }
0x28: {  	s2 =	sld [smem:$0x3FAB]  }
0x29: {  	s4 =	sld [smem:$0x3FAD]  }
0x2a: {  	p0 =	seq.s32 s5, $0x0;
	s5 =	sld [smem:$0x3FAE]  }
0x2b: {  	s6 =	sld [smem:$0x3FAF]  }
0x2c: {  	s7 =	sld [smem:$0x3FB0]  }
0x2d: {  	s3 =	simm.s32 $0x108;
	s8 =	sld [smem:$0x3FB1]  }
0x2e: {  	s3 =	simm.s32 @!p0 $0x1082;
	s9 =	sld [smem:$0x3FB2]  }
0x2f: {  	lr =	sadd.s32 s0, s3;
	s0 =	sld [smem:$0x3FA9]  }
0x30: {  	s3 =	sld [smem:$0x3FAC]  }
0x31: {  	[smem:$0x3FB5] =	sst s10  }
0x32: {  	s10 =	sld [smem:$0x3FB3];
	_ =	sdelay $0x3  }
0x33: {  	p0 =	seq.s32 s10, $0x1;
	s10 =	sld [smem:$0x3FB5];
	_ =	sdelay $0x3  }
0x34: {  	[smem:$0x3FB5] =	sst s10  }
0x35: {  	s10 =	sld [smem:$0x3FB4];
	_ =	sdelay $0x3  }
0x36: {  	p1 =	seq.s32 s10, $0x1;
	s10 =	sld [smem:$0x3FB5];
	_ =	sdelay $0x3  }
0x37: {  	[smem:$0x3FB5] =	sst s10  }
0x38: {  	s10 =	sld [smem:$0x3FB6]  }
0x39: {  	_ = 	snop;
	(pc) =	sbr.ind lr, $3  }
0x3a: {  	_ = 	snop  }
0x3b: {  	_ = 	snop  }
0x3c: {  	p2 =	seq.s32 s10, $0x1;
	s10 =	sld [smem:$0x3FB5]  }
0x3d: {  	_ =	shalt  }
0x3e: {  	_ =	shalt  }
0x3f: {  	_ =	shalt  }
0x40: {  	_ =	shalt  }
0x41: {  	_ =	shalt  }
0x42: {  	_ =	shalt  }
0x43: {  	_ =	shalt  }
0x44: {  	_ =	shalt  }
0x45: {  	_ =	shalt  }
0x46: {  	_ =	shalt  }
0x47: {  	_ =	shalt  }
0x48: {  	_ =	shalt  }
0x49: {  	_ =	shalt  }
0x4a: {  	_ =	shalt  }
0x4b: {  	_ =	shalt  }
0x4c: {  	_ =	shalt  }
0x4d: {  	_ =	shalt  }
0x4e: {  	_ =	shalt  }
0x4f: {  	_ =	shalt  }
0x50: {  	_ =	shalt  }
0x51: {  	_ =	shalt  }
0x52: {  	_ =	shalt  }
0x53: {  	_ =	shalt  }
0x54: {  	_ =	shalt  }
0x55: {  	_ =	shalt  }
0x56: {  	_ =	shalt  }
0x57: {  	_ =	shalt  }
0x58: {  	_ =	shalt  }
0x59: {  	_ =	shalt  }
0x5a: {  	_ =	shalt  }
0x5b: {  	_ =	shalt  }
0x5c: {  	_ =	shalt  }
0x5d: {  	_ =	shalt  }
0x5e: {  	_ =	shalt  }
0x5f: {  	_ =	shalt  }
0x60: {  	_ =	shalt  }
0x61: {  	_ =	shalt  }
0x62: {  	_ =	shalt  }
0x63: {  	_ =	shalt  }
0x64: {  	_ =	shalt  }
0x65: {  	_ =	shalt  }
0x66: {  	_ =	shalt  }
0x67: {  	_ =	shalt  }
0x68: {  	_ =	shalt  }
0x69: {  	_ =	shalt  }
0x6a: {  	_ =	shalt  }
0x6b: {  	_ =	shalt  }
0x6c: {  	_ =	shalt  }
0x6d: {  	_ =	shalt  }
0x6e: {  	_ =	shalt  }
0x6f: {  	_ =	shalt  }
0x70: {  	_ =	shalt  }
0x71: {  	_ =	shalt  }
0x72: {  	_ =	shalt  }
0x73: {  	_ =	shalt  }
0x74: {  	_ =	shalt  }
0x75: {  	_ =	shalt  }
0x76: {  	_ =	shalt  }
0x77: {  	_ =	shalt  }
0x78: {  	_ =	shalt  }
0x79: {  	_ =	shalt  }
0x7a: {  	_ =	shalt  }
0x7b: {  	_ =	shalt  }
0x7c: {  	_ =	shalt  }
0x7d: {  	_ =	shalt  }
0x7e: {  	_ =	shalt  }
0x7f: {  	_ =	shalt  }
0x80: {  	_ =	shalt  }
0x81: {  	_ =	shalt  }
0x82: {  	_ =	shalt  }
0x83: {  	_ =	shalt  }
0x84: {  	_ =	shalt  }
0x85: {  	_ =	shalt  }
0x86: {  	_ =	shalt  }
0x87: {  	_ =	shalt  }
.Lfunc_end0:
.L_simem_size_0:
called_computation_lowered:
.L_overlay_start_0:
0x88: {  	s2 =	sld [smem:$0x3FD9]  }
0x89: {  	s3 =	sld [smem:$0x3FFE];
	_ =	sdelay $0x1  }
0x8a: {  	s1 =	srdreg.scid  }
0x8b: {  	s0 =	sand.u32 $0x1, s1  }
0x8c: {  	s17 =	sshll.u32 s0, $0xA;
	s2 =	sadd.s32 s3, s2  }
0x8d: {  	s2 =	sadd.s32 s2, s17  }
0x8e: {  	[smem:$0x3FC1] =	sst s2  }
0x8f: {  	_ = 	snop  }
0x90: {  	s2 =	sld [smem:$0x3FD0];
	(tm) =	ssettm $0x1  }
0x91: {  	s18 =	sld [smem:$0x3FFB];
	_ =	sdelay $0x3  }
0x92: {  	_ =	strace s18  }
0x93: {  	s3 =	sld [smem:$0x3FFC];
	_ =	sdelay $0x3  }
0x94: {  	_ =	strace s3  }
0x95: {  	s3 =	sld [smem:$0x3FFD];
	_ =	sdelay $0x3  }
0x96: {  	_ =	strace s3  }
0x97: {  	_ =	strace $0x8FFFFFFF  }
0x98: {  	s19 =	sld [smem:$0x3FDB];
	_ =	sdelay $0x1  }
0x99: {  	s4 =	simm.s32 $_scs_section_size  }
0x9a: {  	s5 =	simm.s32 $_size__tile_overlayer_lowered;
	s6 =	simm.s32 $_tile_overlayer_lowered  }
0x9b: {  	s22 =	simm.s32 $0x1BFF;
	s21 =	sshll.u32 s6, $0x1;
	s3 =	sadd.s32 s4, s19  }
0x9c: {  	s7 =	simm.s32 $0x0;
	s20 =	sshll.u32 s5, $0x1;
	s5 =	sadd.s32 s21, s3  }
0x9d: {  	[timem:s7], [sflag:s22] =	dma.local [hbm:s5], s20  }
0x9e: {  	_ =	swait.ge [sflag:s22], s20  }
0x9f: {  	s4 =	ssub.s32 $0x0, s20;
	[sflag:s22] =	ssyncset.done $0x0  }
0xa0: {  	[sflag:s22] =	ssyncadd.s32 s4;
	_ =	sdelay $0x1  }
0xa1: {  	s23 =	simm.s32 $0x1B8B  }
0xa2: {  	_ =	swait.ge [sflag:s23], $0x1  }
0xa3: {  	[sflag:s23] =	ssyncset.done $0x0  }
0xa4: {  	s25 =	simm.s32 $0x1B8E;
	s24 =	sld [smem:$0x3FFE];
	[sflag:s23] =	ssyncadd.s32 $0xFFFFFFFF  }
0xa5: {  	s26 =	simm.s32 $execute0_lowered;
	[smem:$0x3FD2] =	sst s25  }
0xa6: {  	s5 =	sshll.u32 s26, $0x1;
	_ =	strace $0x80000046;
	[dreg:$0x1] =	wrdreg $0xFFFFFFFF  }
0xa7: {  	s28 =	simm.s32 $_size_execute0_lowered;
	s3 =	sadd.s32 s3, s5;
	[dreg:$0x0] =	wrdreg $0x0  }
0xa8: {  	s5 =	sshll.u32 s28, $0x1;
	[dreg:$0x2] =	wrdreg s3  }
0xa9: {  	[dreg:$0x3] =	wrdreg s5  }
0xaa: {  	[dreg:$0x4] =	wrdreg $0xC0  }
0xab: {  	_ =	task [dreg:s7], $0x5FFFF  }
0xac: {  	[dreg:$0x1] =	wrdreg $0xFFFFFFFF  }
0xad: {  	[dreg:$0x0] =	wrdreg $0x60  }
0xae: {  	[dreg:$0x2] =	wrdreg s24  }
0xaf: {  	[dreg:$0x3] =	wrdreg s2  }
0xb0: {  	[dreg:$0x4] =	wrdreg $0x18D800  }
0xb1: {  	[dreg:$0x5] =	wrdreg $0x9  }
0xb2: {  	_ =	task.clear_ibuf [dreg:s7], $0x6FFFF;
	_ =	strace $0x90000046  }
0xb3: {  	s29 =	simm.s32 $0x9;
	_ =	strace $0x80000048  }
0xb4: {  	_ =	swait.ge [sflag:s29], $0x1  }
0xb5: {  	[sflag:s29] =	ssyncadd.s32 $0xFFFFFFFF  }
0xb6: {  	_ =	strace $0x90000048  }
0xb7: {  	_ =	sfence  }
0xb8: {  	s30 =	sld [smem:$0x0];
	_ =	sdelay $0x2  }
0xb9: {  	s31 =	sshll.u32 s1, $0xD;
	s1 =	sshrl.u32 s1, $0x2  }
0xba: {  	s3 =	sand.u32 $0x4000, s31;
	s1 =	sadd.s32 s1, s30  }
0xbb: {  	s0 =	sor.u32 s3, s0;
	s1 =	sshll.u32 s1, $0x11  }
0xbc: {  	s0 =	sor.u32 s1, s0  }
0xbd: {  	s0 =	sadd.s32 $0x8F2B, s0  }
0xbe: {  	[sflag:s0] =	ssyncadd.remote.s32 $0x1  }
0xbf: {  	_ =	sfence.sel $0xFFFF  }
0xc0: {  	[dreg:$0x0] =	wrdreg $0xFFFFFFFF;
	(pc) =	sbr.abs _section_cstart, $3  }
0xc1: {  	[dreg:$0x1] =	wrdreg $0xFFFFFFFF  }
0xc2: {  	_ =	task.clear_ibuf [dreg:s7], $0x2FFFF;
	_ =	strace $0x9FFFFFFF  }
0xc3: {  	(tm) =	ssettm $0x7FFFFFFF  }
tec
execute0_lowered:
.L_overlay_start_1:
0x0: {  	(tag) =	ssettag $0x1  }
0x1: {  	s1 =	rddreg [dreg:$0x0];
	s2 =	srdreg.scid  }
0x2: {  	s5 =	rddreg [dreg:$0x1];
	s0 =	stileid.u32  }
0x3: {  	s7 =	sand.u32 $0x1, s2;
	s2 =	rddreg [dreg:$0x2];
	s6 =	sshll.u32 s0, $0x7  }
0x4: {  	s8 =	sshll.u32 s0, $0x4;
	s11 =	smul.u32 $0x2280, s0;
	s3 =	sshll.u32 s7, $0x6  }
0x5: {  	s8 =	sadd.s32 s8, s1;
	s4 =	sor.u32 s3, s6;
	s3 =	simm.s32 $0x0  }
0x6: {  	s10 =	sadd.s32 $0x600, s8;
	s8 =	sadd.s32 $0x400, s8;
	[smem:$0x7FF] =	sst s3  }
0x7: {  	s20 =	sshrl.u32 s11, $0x2;
	_ =	strace $0x80000047;
	[dreg:$0x4] =	wrdreg s10  }
0x8: {  	s21 =	sadd.s32 s20, s2;
	[dreg:$0x5] =	wrdreg s8  }
0x9: {  	s24 =	simm.s32 $0xB80;
	[dreg:$0x7] =	wrdreg s21  }
0xa: {  	s25 =	simm.s32 $0xC00;
	[dreg:$0xa] =	wrdreg s24  }
0xb: {  	s26 =	simm.s32 $0x1580;
	[dreg:$0xb] =	wrdreg s25  }
0xc: {  	s0 =	simm.s32 $0x1D80;
	[dreg:$0xc] =	wrdreg s26  }
0xd: {  	s11 =	simm.s32 $0x3D80;
	[dreg:$0xd] =	wrdreg s0  }
0xe: {  	s12 =	simm.s32 $0x4580;
	[dreg:$0x11] =	wrdreg s11  }
0xf: {  	s13 =	simm.s32 $0x4D80;
	[dreg:$0x12] =	wrdreg s12  }
0x10: {  	s14 =	simm.s32 $0x5580;
	[dreg:$0x13] =	wrdreg s13  }
0x11: {  	s15 =	simm.s32 $0x5D80;
	[dreg:$0x14] =	wrdreg s14  }
0x12: {  	s16 =	simm.s32 $0x6580;
	s17 =	simm.s32 $0x6D80;
	[dreg:$0x15] =	wrdreg s15  }
0x13: {  	s28 =	simm.s32 $0x16580;
	s29 =	simm.s32 $0x16D80;
	[dreg:$0x16] =	wrdreg s16  }
0x14: {  	s30 =	simm.s32 $0x17580;
	s20 =	simm.s32 $0x7D80;
	[dreg:$0x17] =	wrdreg s17  }
0x15: {  	s31 =	simm.s32 $0x17D80;
	s8 =	simm.s32 $0x2580;
	[dreg:$0x19] =	wrdreg s20  }
0x16: {  	s7 =	ssub.s32 $0x2, s7;
	s10 =	simm.s32 $0x3580;
	[dreg:$0xe] =	wrdreg s8  }
0x17: {  	s18 =	sshrl.u32 s7, $0x1;
	s21 =	simm.s32 $0x8580;
	[dreg:$0x10] =	wrdreg s10  }
0x18: {  	s4 =	sshrl.u32 s4, $0x3;
	s24 =	simm.s32 $0x9D80;
	[dreg:$0x1a] =	wrdreg s21  }
0x19: {  	s9 =	smul.u32 $0x300, s4;
	s25 =	simm.s32 $0xA580;
	[dreg:$0x1d] =	wrdreg s24  }
0x1a: {  	s4 =	sadd.s32 s1, s4;
	s26 =	simm.s32 $0xAD80;
	[dreg:$0x1e] =	wrdreg s25  }
0x1b: {  	s17 =	sor.u32 $0x1, s6;
	s0 =	simm.s32 $0xB580;
	[dreg:$0x1f] =	wrdreg s26  }
0x1c: {  	s20 =	sor.u32 $0x31, s6;
	s11 =	simm.s32 $0xD580;
	[smem:$0x7ED] =	sst s0  }
0x1d: {  	s12 =	simm.s32 $0xDD80;
	s13 =	simm.s32 $0xE580;
	[smem:$0x7F0] =	sst s11  }
0x1e: {  	s14 =	simm.s32 $0xED80;
	s15 =	simm.s32 $0xF580;
	[smem:$0x7F1] =	sst s12  }
0x1f: {  	s16 =	simm.s32 $0xFD80;
	s19 =	sadd.s32 $0x200, s4;
	[smem:$0x7F2] =	sst s13  }
0x20: {  	s21 =	sor.u32 $0x61, s6;
	s24 =	sor.u32 $0x71, s6;
	[smem:$0x7F3] =	sst s14  }
0x21: {  	s8 =	simm.s32 $0xBD80;
	s10 =	simm.s32 $0xC580;
	[smem:$0x7F4] =	sst s15  }
0x22: {  	s11 =	simm.s32 $0xA80;
	s12 =	simm.s32 $0xB00;
	[smem:$0x7F5] =	sst s16  }
0x23: {  	s13 =	simm.s32 $0x5;
	s25 =	simm.s32 $0x10580;
	[dreg:$0x6] =	wrdreg s19  }
0x24: {  	s14 =	simm.s32 $0x1;
	s26 =	simm.s32 $0x10D80;
	[smem:$0x7EE] =	sst s8  }
0x25: {  	v11 =	vlaneseq.u32;
	s15 =	simm.s32 $0x80;
	s0 =	simm.s32 $0x11580;
	[smem:$0x7EF] =	sst s10  }
0x26: {  	s16 =	simm.s32 $0xA00;
	v0 =	vadd.s32 s17, v11;
	s17 =	simm.s32 $0x2;
	[smem:$0x7F6] =	sst s25  }
0x27: {  	v3 =	vadd.s32 s20, v11;
	s20 =	simm.s32 $0x40;
	s22 =	sadd.s32 s9, s1;
	[smem:$0x7F7] =	sst s26  }
0x28: {  	s5 =	sadd.s32 s5, s9;
	s9 =	simm.s32 $0x2D80;
	[smem:$0x7F8] =	sst s0  }
0x29: {  	s19 =	simm.s32 $0x7580;
	s10 =	simm.s32 $0x980;
	[dreg:$0x8] =	wrdreg s5  }
0x2a: {  	s25 =	simm.s32 $0x11D80;
	s26 =	simm.s32 $0x12580;
	[dreg:$0xf] =	wrdreg s9  }
0x2b: {  	s0 =	simm.s32 $0x12D80;
	v6 =	vadd.s32 s21, v11;
	s21 =	simm.s32 $0xD80;
	[dreg:$0x18] =	wrdreg s19  }
0x2c: {  	v7 =	vadd.s32 s24, v11;
	s24 =	simm.s32 $0x14D80;
	s23 =	sadd.s32 $0x30C00, s22;
	[smem:$0x7F9] =	sst s25  }
0x2d: {  	s5 =	sadd.s32 $0x800, s1;
	s9 =	ssub.s32 s7, s18;
	[smem:$0x7FA] =	sst s26  }
0x2e: {  	s18 =	sor.u32 $0x11, s6;
	s22 =	simm.s32 $0x8D80;
	[smem:$0x7FB] =	sst s0  }
0x2f: {  	s19 =	sor.u32 $0x21, s6;
	s7 =	sadd.s32 $0xA00, s1;
	[dreg:$0x9] =	wrdreg s23  }
0x30: {  	v8 =	vimm.f32 $0.0e+00;
	vm0 =	vmmov $0xffff;
	v10 =	vshrl.u32 v11, $0x3;
	s25 =	simm.s32 $0x13580;
	s26 =	simm.s32 $0x13D80;
	[dreg:$0x1b] =	wrdreg s22  }
0x31: {  	v9 =	vand.u32 $0x7, v11;
	v10 =	vmul.u32 $0x8, v10;
	v0 =	vcvt.s32.f32 v0;
	s23 =	simm.s32 $0x9580;
	s22 =	sor.u32 $0x41, s6;
	s8 =	smax.u32 s9, $0x1  }
0x32: {  	v3 =	vcvt.s32.f32 v3;
	v6 =	vcvt.s32.f32 v6;
	s9 =	simm.s32 $0x900;
	v1 =	vadd.s32 s18, v11;
	s18 =	simm.s32 $0x3;
	[smem:$0x7FC] =	sst s25  }
0x33: {  	v7 =	vcvt.s32.f32 v7;
	v2 =	vadd.s32 s19, v11;
	s19 =	simm.s32 $0x4;
	[dreg:$0x1c] =	wrdreg s23;
	s23 =	sor.u32 $0x51, s6;
	v1 =	vcvt.s32.f32 v1  }
0x34: {  	[smem:$0x7FD] =	sst s26;
	s25 =	simm.s32 $0x15580;
	s26 =	simm.s32 $0x15D80;
	v2 =	vcvt.s32.f32 v2;
	v4 =	vadd.s32 s22, v11;
	v5 =	vadd.s32 s23, v11  }
0x35: {  	s6 =	sadd.s32 $0x900, s1;
	s22 =	simm.s32 $0xCD80;
	s1 =	simm.s32 $0x18580;
	v4 =	vcvt.s32.f32 v4;
	v11 =	vor.u32 $0x8, v11;
	v5 =	vcvt.s32.f32 v5  }
.LBB2_1:
0x36: {  	s0 =	rddreg [dreg:$0x4]  }
0x37: {  	[tilespmem:s9], [sflag:$0x1] =	stream.linear.gather [hbm4b:s0+s3], $0x80, $0x38;
	[tilespmem:$0x19620] =	vst v63  }
0x38: {  	s23 =	rddreg [dreg:$0x5]  }
0x39: {  	[tilespmem:s10], [sflag:$0x2] =	stream.linear.gather [hbm4b:s23+s3], $0x80, $0x38;
	[tilespmem:$0x19620] =	vst v63  }
0x3a: {  	s0 =	rddreg [dreg:$0x6]  }
0x3b: {  	[tilespmem:s11], [sflag:$0x3] =	stream.linear.gather [hbm4b:s0+s3], $0x40, $0x38;
	[tilespmem:$0x19620] =	vst v63  }
0x3c: {  	_ = 	snop  }
0x3d: {  	[tilespmem:s12], [sflag:$0x4] =	stream.linear.gather [hbm4b:s4+s3], $0x40, $0x38;
	[tilespmem:$0x19620] =	vst v63  }
0x3e: {  	[tilespmem:$0x0] =	vst v8  }
0x3f: {  	[tilespmem:$0x10] =	vst v8  }
0x40: {  	[tilespmem:$0x20] =	vst v8  }
0x41: {  	[tilespmem:$0x30] =	vst v8  }
0x42: {  	[tilespmem:$0x40] =	vst v8  }
0x43: {  	[tilespmem:$0x50] =	vst v8  }
0x44: {  	[tilespmem:$0x60] =	vst v8  }
0x45: {  	[tilespmem:$0x70] =	vst v8  }
0x46: {  	[tilespmem:$0x80] =	vst v8  }
0x47: {  	[tilespmem:$0x90] =	vst v8  }
0x48: {  	[tilespmem:$0xA0] =	vst v8  }
0x49: {  	[tilespmem:$0xB0] =	vst v8  }
0x4a: {  	[tilespmem:$0xC0] =	vst v8  }
0x4b: {  	[tilespmem:$0xD0] =	vst v8  }
0x4c: {  	[tilespmem:$0xE0] =	vst v8  }
0x4d: {  	[tilespmem:$0xF0] =	vst v8  }
0x4e: {  	[tilespmem:$0x100] =	vst v8  }
0x4f: {  	[tilespmem:$0x110] =	vst v8  }
0x50: {  	[tilespmem:$0x120] =	vst v8  }
0x51: {  	[tilespmem:$0x130] =	vst v8  }
0x52: {  	[tilespmem:$0x140] =	vst v8  }
0x53: {  	[tilespmem:$0x150] =	vst v8  }
0x54: {  	[tilespmem:$0x160] =	vst v8  }
0x55: {  	[tilespmem:$0x170] =	vst v8  }
0x56: {  	[tilespmem:$0x180] =	vst v8  }
0x57: {  	[tilespmem:$0x190] =	vst v8  }
0x58: {  	[tilespmem:$0x1A0] =	vst v8  }
0x59: {  	[tilespmem:$0x1B0] =	vst v8  }
0x5a: {  	[tilespmem:$0x1C0] =	vst v8  }
0x5b: {  	[tilespmem:$0x1D0] =	vst v8  }
0x5c: {  	[tilespmem:$0x1E0] =	vst v8  }
0x5d: {  	[tilespmem:$0x1F0] =	vst v8  }
0x5e: {  	[tilespmem:$0x200] =	vst v8  }
0x5f: {  	[tilespmem:$0x210] =	vst v8  }
0x60: {  	[tilespmem:$0x220] =	vst v8  }
0x61: {  	[tilespmem:$0x230] =	vst v8  }
0x62: {  	[tilespmem:$0x240] =	vst v8  }
0x63: {  	[tilespmem:$0x250] =	vst v8  }
0x64: {  	[tilespmem:$0x260] =	vst v8  }
0x65: {  	[tilespmem:$0x270] =	vst v8  }
0x66: {  	[tilespmem:$0x280] =	vst v8  }
0x67: {  	[tilespmem:$0x290] =	vst v8  }
0x68: {  	[tilespmem:$0x2A0] =	vst v8  }
0x69: {  	[tilespmem:$0x2B0] =	vst v8  }
0x6a: {  	[tilespmem:$0x2C0] =	vst v8  }
0x6b: {  	[tilespmem:$0x2D0] =	vst v8  }
0x6c: {  	[tilespmem:$0x2E0] =	vst v8  }
0x6d: {  	[tilespmem:$0x2F0] =	vst v8  }
0x6e: {  	[tilespmem:$0x300] =	vst v8  }
0x6f: {  	[tilespmem:$0x310] =	vst v8  }
0x70: {  	[tilespmem:$0x320] =	vst v8  }
0x71: {  	[tilespmem:$0x330] =	vst v8  }
0x72: {  	[tilespmem:$0x340] =	vst v8  }
0x73: {  	[tilespmem:$0x350] =	vst v8  }
0x74: {  	[tilespmem:$0x360] =	vst v8  }
0x75: {  	[tilespmem:$0x370] =	vst v8  }
0x76: {  	[tilespmem:$0x380] =	vst v8  }
0x77: {  	[tilespmem:$0x390] =	vst v8  }
0x78: {  	[tilespmem:$0x3A0] =	vst v8  }
0x79: {  	[tilespmem:$0x3B0] =	vst v8  }
0x7a: {  	[tilespmem:$0x3C0] =	vst v8  }
0x7b: {  	[tilespmem:$0x3D0] =	vst v8  }
0x7c: {  	[tilespmem:$0x3E0] =	vst v8  }
0x7d: {  	[tilespmem:$0x3F0] =	vst v8  }
0x7e: {  	[tilespmem:$0x400] =	vst v8  }
0x7f: {  	[tilespmem:$0x410] =	vst v8  }
0x80: {  	[tilespmem:$0x420] =	vst v8  }
0x81: {  	[tilespmem:$0x430] =	vst v8  }
0x82: {  	[tilespmem:$0x440] =	vst v8  }
0x83: {  	[tilespmem:$0x450] =	vst v8  }
0x84: {  	[tilespmem:$0x460] =	vst v8  }
0x85: {  	[tilespmem:$0x470] =	vst v8  }
0x86: {  	[tilespmem:$0x480] =	vst v8  }
0x87: {  	[tilespmem:$0x490] =	vst v8  }
0x88: {  	[tilespmem:$0x4A0] =	vst v8  }
0x89: {  	[tilespmem:$0x4B0] =	vst v8  }
0x8a: {  	[tilespmem:$0x4C0] =	vst v8  }
0x8b: {  	[tilespmem:$0x4D0] =	vst v8  }
0x8c: {  	[tilespmem:$0x4E0] =	vst v8  }
0x8d: {  	[tilespmem:$0x4F0] =	vst v8  }
0x8e: {  	[tilespmem:$0x500] =	vst v8  }
0x8f: {  	[tilespmem:$0x510] =	vst v8  }
0x90: {  	[tilespmem:$0x520] =	vst v8  }
0x91: {  	[tilespmem:$0x530] =	vst v8  }
0x92: {  	[tilespmem:$0x540] =	vst v8  }
0x93: {  	[tilespmem:$0x550] =	vst v8  }
0x94: {  	[tilespmem:$0x560] =	vst v8  }
0x95: {  	[tilespmem:$0x570] =	vst v8  }
0x96: {  	[tilespmem:$0x580] =	vst v8  }
0x97: {  	[tilespmem:$0x590] =	vst v8  }
0x98: {  	[tilespmem:$0x5A0] =	vst v8  }
0x99: {  	[tilespmem:$0x5B0] =	vst v8  }
0x9a: {  	[tilespmem:$0x5C0] =	vst v8  }
0x9b: {  	[tilespmem:$0x5D0] =	vst v8  }
0x9c: {  	[tilespmem:$0x5E0] =	vst v8  }
0x9d: {  	[tilespmem:$0x5F0] =	vst v8  }
0x9e: {  	[tilespmem:$0x600] =	vst v8  }
0x9f: {  	[tilespmem:$0x610] =	vst v8  }
0xa0: {  	[tilespmem:$0x620] =	vst v8  }
0xa1: {  	[tilespmem:$0x630] =	vst v8  }
0xa2: {  	[tilespmem:$0x640] =	vst v8  }
0xa3: {  	[tilespmem:$0x650] =	vst v8  }
0xa4: {  	[tilespmem:$0x660] =	vst v8  }
0xa5: {  	[tilespmem:$0x670] =	vst v8  }
0xa6: {  	[tilespmem:$0x680] =	vst v8  }
0xa7: {  	[tilespmem:$0x690] =	vst v8  }
0xa8: {  	[tilespmem:$0x6A0] =	vst v8  }
0xa9: {  	[tilespmem:$0x6B0] =	vst v8  }
0xaa: {  	[tilespmem:$0x6C0] =	vst v8  }
0xab: {  	[tilespmem:$0x6D0] =	vst v8  }
0xac: {  	[tilespmem:$0x6E0] =	vst v8  }
0xad: {  	[tilespmem:$0x6F0] =	vst v8  }
0xae: {  	[tilespmem:$0x700] =	vst v8  }
0xaf: {  	[tilespmem:$0x710] =	vst v8  }
0xb0: {  	[tilespmem:$0x720] =	vst v8  }
0xb1: {  	[tilespmem:$0x730] =	vst v8  }
0xb2: {  	[tilespmem:$0x740] =	vst v8  }
0xb3: {  	[tilespmem:$0x750] =	vst v8  }
0xb4: {  	[tilespmem:$0x760] =	vst v8  }
0xb5: {  	[tilespmem:$0x770] =	vst v8  }
0xb6: {  	[tilespmem:$0x780] =	vst v8  }
0xb7: {  	[tilespmem:$0x790] =	vst v8  }
0xb8: {  	[tilespmem:$0x7A0] =	vst v8  }
0xb9: {  	[tilespmem:$0x7B0] =	vst v8  }
0xba: {  	[tilespmem:$0x7C0] =	vst v8  }
0xbb: {  	[tilespmem:$0x7D0] =	vst v8  }
0xbc: {  	[tilespmem:$0x7E0] =	vst v8  }
0xbd: {  	[tilespmem:$0x7F0] =	vst v8  }
0xbe: {  	[tilespmem:$0x800] =	vst v8  }
0xbf: {  	[tilespmem:$0x810] =	vst v8  }
0xc0: {  	[tilespmem:$0x820] =	vst v8  }
0xc1: {  	[tilespmem:$0x830] =	vst v8  }
0xc2: {  	[tilespmem:$0x840] =	vst v8  }
0xc3: {  	[tilespmem:$0x850] =	vst v8  }
0xc4: {  	[tilespmem:$0x860] =	vst v8  }
0xc5: {  	[tilespmem:$0x870] =	vst v8  }
0xc6: {  	[tilespmem:$0x880] =	vst v8  }
0xc7: {  	[tilespmem:$0x890] =	vst v8  }
0xc8: {  	[tilespmem:$0xA00] =	vst v0  }
0xc9: {  	[tilespmem:$0xA10] =	vst v1  }
0xca: {  	[tilespmem:$0xA20] =	vst v2  }
0xcb: {  	[tilespmem:$0xA30] =	vst v3  }
0xcc: {  	[tilespmem:$0xA40] =	vst v4  }
0xcd: {  	[tilespmem:$0xA50] =	vst v5  }
0xce: {  	[tilespmem:$0xA60] =	vst v6  }
0xcf: {  	s23 =	rddreg [dreg:$0x7];
	[tilespmem:$0xA70] =	vst v7  }
0xd0: {  	[spmem:s23] =	stream.linear.scatter [tilespmem:s3], [sflag:$0x5], $0x8A0, $0x38;
	[tilespmem:$0x19620] =	vst v63  }
0xd1: {  	_ =	swait.ge [sflag:s13], $0x8A0  }
0xd2: {  	[sflag:s13] =	ssyncset.done $0x0  }
0xd3: {  	[sflag:s13] =	ssyncadd.s32 $0xFFFFF760  }
0xd4: {  	[bflag:$0x0] =	sbarrier.arrive $0xFFFF  }
0xd5: {  	_ =	swait.ge [sflag:s14], $0x80  }
0xd6: {  	[sflag:s14] =	ssyncset.done $0x0  }
0xd7: {  	[sflag:s14] =	ssyncadd.s32 $0xFFFFFF80  }
0xd8: {  	[spmem:s2] =	stream.indirect.scatter.add.f32 [tilespmem:s16], [sflag:$0x5], $0x1, s9, s15, $0xb8;
	[tilespmem:$0x19620] =	vst v63  }
0xd9: {  	_ =	swait.ge [sflag:s13], $0x80  }
0xda: {  	[sflag:s13] =	ssyncset.done $0x0  }
0xdb: {  	[sflag:s13] =	ssyncadd.s32 $0xFFFFFF80  }
0xdc: {  	_ =	swait.ge [sflag:s17], $0x80  }
0xdd: {  	[sflag:s17] =	ssyncset.done $0x0  }
0xde: {  	[sflag:s17] =	ssyncadd.s32 $0xFFFFFF80  }
0xdf: {  	[spmem:s2] =	stream.indirect.scatter.add.f32 [tilespmem:s16], [sflag:$0x5], $0x1, s10, s15, $0xb8;
	[tilespmem:$0x19620] =	vst v63  }
0xe0: {  	_ =	swait.ge [sflag:s13], $0x80  }
0xe1: {  	[sflag:s13] =	ssyncset.done $0x0  }
0xe2: {  	[sflag:s13] =	ssyncadd.s32 $0xFFFFFF80  }
0xe3: {  	[bflag:$0x0] =	sbarrier.arrive $0xFFFF  }
0xe4: {  	_ =	swait.ge [sflag:s18], $0x40  }
0xe5: {  	[sflag:s18] =	ssyncset.done $0x0  }
0xe6: {  	[sflag:s18] =	ssyncadd.s32 $0xFFFFFFC0  }
0xe7: {  	_ =	swait.ge [sflag:s19], $0x40  }
0xe8: {  	[sflag:s19] =	ssyncset.done $0x0  }
0xe9: {  	s23 =	rddreg [dreg:$0xa];
	[sflag:s19] =	ssyncadd.s32 $0xFFFFFFC0  }
0xea: {  	[tilespmem:s23], [sflag:$0x5] =	stream.indirect.gather [spmem:s2], $0x1, s11, s20, $0xb8;
	[tilespmem:$0x19620] =	vst v63  }
0xeb: {  	_ =	swait.ge [sflag:s13], $0x40  }
0xec: {  	[sflag:s13] =	ssyncset.done $0x0  }
0xed: {  	s23 =	rddreg [dreg:$0xb];
	[sflag:s13] =	ssyncadd.s32 $0xFFFFFFC0  }
0xee: {  	[tilespmem:s23], [sflag:$0x5] =	stream.indirect.gather [spmem:s2], $0x1, s12, s20, $0xb8;
	[tilespmem:$0x19620] =	vst v63  }
0xef: {  	_ =	swait.ge [sflag:s13], $0x40  }
0xf0: {  	[sflag:s13] =	ssyncset.done $0x0  }
0xf1: {  	[sflag:s13] =	ssyncadd.s32 $0xFFFFFFC0  }
0xf2: {  	v12 =	vld [tilespmem:$0xB80];
	_ =	sdelay $0x3  }
0xf3: {  	v14 =	vld [tilespmem:$0xB90]  }
0xf4: {  	v45 =	vld [tilespmem:$0xBA0];
	v13 =	vadd.f32 $-1.000000000e+00, v12  }
0xf5: {  	v15 =	vld [tilespmem:$0xBB0];
	vm1 =	veq.f32 v12, $0.0e+00  }
0xf6: {  	v17 =	vld [tilespmem:$0xC00];
	v13 =	vsel vm1, $0x45000000, v13  }
0xf7: {  	v47 =	vld [tilespmem:$0xC10];
	v13 =	vtrunc.f32 v13  }
0xf8: {  	v20 =	vld [tilespmem:$0xC30];
	v13 =	vcvt.f32.s32 v13  }
0xf9: {  	v49 =	vld [tilespmem:$0xC20];
	v16 =	vadd.f32 $-1.000000000e+00, v14  }
0xfa: {  	vm1 =	veq.f32 v14, $0.0e+00;
	[tilespmem:$0xC80] =	vst v13  }
0xfb: {  	v46 =	vadd.f32 $-1.000000000e+00, v45;
	v18 =	vadd.f32 $-1.000000000e+00, v15;
	v16 =	vsel vm1, $0x45000000, v16;
	v48 =	vld [tilespmem:$0xC80]  }
0xfc: {  	v19 =	vadd.f32 $-1.000000000e+00, v17;
	v50 =	vadd.f32 $-1.000000000e+00, v47;
	v16 =	vtrunc.f32 v16  }
0xfd: {  	v52 =	vadd.f32 $-1.000000000e+00, v20;
	vm1 =	veq.f32 v45, $0.0e+00;
	v16 =	vcvt.f32.s32 v16  }
0xfe: {  	v13 =	vsel vm1, $0x45000000, v46;
	vm1 =	veq.f32 v15, $0.0e+00;
	v15 =	vadd.f32 $-1.000000000e+00, v49  }
0xff: {  	v13 =	vtrunc.f32 v13;
	v18 =	vsel vm1, $0x45000000, v18;
	vm1 =	veq.f32 v17, $0.0e+00  }
0x100: {  	v13 =	vcvt.f32.s32 v13;
	v18 =	vtrunc.f32 v18;
	v51 =	vshrl.u32 v48, $0x3  }
0x101: {  	v19 =	vsel vm1, $0x45000000, v19;
	vm1 =	veq.f32 v47, $0.0e+00;
	v14 =	vmul.u32 $0x30, v51  }
0x102: {  	v18 =	vcvt.f32.s32 v18;
	v17 =	vsel vm1, $0x45000000, v50;
	v12 =	vand.u32 $0x7, v48  }
0x103: {  	vm1 =	veq.f32 v49, $0.0e+00;
	v19 =	vtrunc.f32 v19;
	v12 =	vor.u32 v12, v14  }
0x104: {  	[tilespmem:$0xC90] =	vst v16;
	v15 =	vsel vm1, $0x45000000, v15;
	vm1 =	veq.f32 v20, $0.0e+00;
	v53 =	vperm.xlane v12, v9  }
0x105: {  	[tilespmem:$0xCA0] =	vst v13;
	v55 =	vcvt.f32.s32 v19;
	v17 =	vtrunc.f32 v17;
	v54 =	vsel vm1, $0x45000000, v52  }
0x106: {  	[tilespmem:$0xCB0] =	vst v18;
	v17 =	vcvt.f32.s32 v17;
	v15 =	vtrunc.f32 v15;
	v16 =	vadd.s32 v10, v53  }
0x107: {  	[tilespmem:$0xD00] =	vst v55;
	v56 =	vcvt.f32.s32 v15;
	v13 =	vtrunc.f32 v54  }
0x108: {  	[tilespmem:$0xD10] =	vst v17;
	v13 =	vcvt.f32.s32 v13  }
0x109: {  	[tilespmem:$0xD20] =	vst v56  }
0x10a: {  	[tilespmem:$0xD30] =	vst v13;
	v12 =	vperm.xlane v12, v11  }
0x10b: {  	[tilespmem:s21], [sflag:$0x1] =	stream.indirect_vreg.gather [hbm4b:s5+s3], $0x80, v16, vm0, $0xb8;
	[tilespmem:$0x19620] =	vst v63  }
0x10c: {  	s0 =	rddreg [dreg:$0xc];
	v12 =	vadd.s32 v10, v12  }
0x10d: {  	[tilespmem:s0], [sflag:$0x1] =	stream.indirect_vreg.gather [hbm4b:s6+s3], $0x80, v16, vm0, $0xb8;
	[tilespmem:$0x19620] =	vst v63  }
0x10e: {  	s23 =	rddreg [dreg:$0xd]  }
0x10f: {  	[tilespmem:s23], [sflag:$0x1] =	stream.indirect_vreg.gather [hbm4b:s7+s3], $0x80, v16, vm0, $0xb8;
	[tilespmem:$0x19620] =	vst v63  }
0x110: {  	s0 =	rddreg [dreg:$0xe]  }
0x111: {  	[tilespmem:s0], [sflag:$0x1] =	stream.indirect_vreg.gather [hbm4b:s5+s3], $0x80, v12, vm0, $0xb8;
	[tilespmem:$0x19620] =	vst v63  }
0x112: {  	s23 =	rddreg [dreg:$0xf]  }
0x113: {  	[tilespmem:s23], [sflag:$0x1] =	stream.indirect_vreg.gather [hbm4b:s6+s3], $0x80, v12, vm0, $0xb8;
	[tilespmem:$0x19620] =	vst v63  }
0x114: {  	s0 =	rddreg [dreg:$0x10]  }
0x115: {  	[tilespmem:s0], [sflag:$0x1] =	stream.indirect_vreg.gather [hbm4b:s7+s3], $0x80, v12, vm0, $0xb8;
	[tilespmem:$0x19620] =	vst v63  }
0x116: {  	v12 =	vld [tilespmem:$0xC90];
	_ =	sdelay $0x4  }
0x117: {  	v57 =	vshrl.u32 v12, $0x3  }
0x118: {  	v13 =	vmul.u32 $0x30, v57  }
0x119: {  	v12 =	vand.u32 $0x7, v12  }
0x11a: {  	v12 =	vor.u32 v12, v13  }
0x11b: {  	v13 =	vperm.xlane v12, v9;
	_ =	sdelay $0x1  }
0x11c: {  	v13 =	vadd.s32 v10, v13;
	_ =	sdelay $0x3  }
0x11d: {  	s0 =	rddreg [dreg:$0x11];
	v12 =	vperm.xlane v12, v11  }
0x11e: {  	[tilespmem:s0], [sflag:$0x1] =	stream.indirect_vreg.gather [hbm4b:s5+s3], $0x80, v13, vm0, $0xb8;
	[tilespmem:$0x19620] =	vst v63  }
0x11f: {  	s23 =	rddreg [dreg:$0x12];
	v12 =	vadd.s32 v10, v12  }
0x120: {  	[tilespmem:s23], [sflag:$0x1] =	stream.indirect_vreg.gather [hbm4b:s6+s3], $0x80, v13, vm0, $0xb8;
	[tilespmem:$0x19620] =	vst v63  }
0x121: {  	s0 =	rddreg [dreg:$0x13]  }
0x122: {  	[tilespmem:s0], [sflag:$0x1] =	stream.indirect_vreg.gather [hbm4b:s7+s3], $0x80, v13, vm0, $0xb8;
	[tilespmem:$0x19620] =	vst v63  }
0x123: {  	s23 =	rddreg [dreg:$0x14]  }
0x124: {  	[tilespmem:s23], [sflag:$0x1] =	stream.indirect_vreg.gather [hbm4b:s5+s3], $0x80, v12, vm0, $0xb8;
	[tilespmem:$0x19620] =	vst v63  }
0x125: {  	s0 =	rddreg [dreg:$0x15]  }
0x126: {  	[tilespmem:s0], [sflag:$0x1] =	stream.indirect_vreg.gather [hbm4b:s6+s3], $0x80, v12, vm0, $0xb8;
	[tilespmem:$0x19620] =	vst v63  }
0x127: {  	s23 =	rddreg [dreg:$0x16]  }
0x128: {  	[tilespmem:s23], [sflag:$0x1] =	stream.indirect_vreg.gather [hbm4b:s7+s3], $0x80, v12, vm0, $0xb8;
	[tilespmem:$0x19620] =	vst v63  }
0x129: {  	v12 =	vld [tilespmem:$0xCA0];
	_ =	sdelay $0x4  }
0x12a: {  	v58 =	vshrl.u32 v12, $0x3  }
0x12b: {  	v13 =	vmul.u32 $0x30, v58  }
0x12c: {  	v12 =	vand.u32 $0x7, v12  }
0x12d: {  	v12 =	vor.u32 v12, v13  }
0x12e: {  	v13 =	vperm.xlane v12, v9;
	_ =	sdelay $0x1  }
0x12f: {  	v13 =	vadd.s32 v10, v13;
	_ =	sdelay $0x3  }
0x130: {  	s0 =	rddreg [dreg:$0x17];
	v12 =	vperm.xlane v12, v11  }
0x131: {  	[tilespmem:s0], [sflag:$0x1] =	stream.indirect_vreg.gather [hbm4b:s5+s3], $0x80, v13, vm0, $0xb8;
	[tilespmem:$0x19620] =	vst v63  }
0x132: {  	s23 =	rddreg [dreg:$0x18];
	v12 =	vadd.s32 v10, v12  }
0x133: {  	[tilespmem:s23], [sflag:$0x1] =	stream.indirect_vreg.gather [hbm4b:s6+s3], $0x80, v13, vm0, $0xb8;
	[tilespmem:$0x19620] =	vst v63  }
0x134: {  	s0 =	rddreg [dreg:$0x19]  }
0x135: {  	[tilespmem:s0], [sflag:$0x1] =	stream.indirect_vreg.gather [hbm4b:s7+s3], $0x80, v13, vm0, $0xb8;
	[tilespmem:$0x19620] =	vst v63  }
0x136: {  	s23 =	rddreg [dreg:$0x1a]  }
0x137: {  	[tilespmem:s23], [sflag:$0x1] =	stream.indirect_vreg.gather [hbm4b:s5+s3], $0x80, v12, vm0, $0xb8;
	[tilespmem:$0x19620] =	vst v63  }
0x138: {  	s0 =	rddreg [dreg:$0x1b]  }
0x139: {  	[tilespmem:s0], [sflag:$0x1] =	stream.indirect_vreg.gather [hbm4b:s6+s3], $0x80, v12, vm0, $0xb8;
	[tilespmem:$0x19620] =	vst v63  }
0x13a: {  	s23 =	rddreg [dreg:$0x1c]  }
0x13b: {  	[tilespmem:s23], [sflag:$0x1] =	stream.indirect_vreg.gather [hbm4b:s7+s3], $0x80, v12, vm0, $0xb8;
	[tilespmem:$0x19620] =	vst v63  }
0x13c: {  	v12 =	vld [tilespmem:$0xCB0];
	_ =	sdelay $0x4  }
0x13d: {  	v59 =	vshrl.u32 v12, $0x3  }
0x13e: {  	v13 =	vmul.u32 $0x30, v59  }
0x13f: {  	v12 =	vand.u32 $0x7, v12  }
0x140: {  	v12 =	vor.u32 v12, v13  }
0x141: {  	v13 =	vperm.xlane v12, v9;
	_ =	sdelay $0x1  }
0x142: {  	v13 =	vadd.s32 v10, v13;
	_ =	sdelay $0x2  }
0x143: {  	s0 =	rddreg [dreg:$0x1d]  }
0x144: {  	s23 =	rddreg [dreg:$0x1e];
	v12 =	vperm.xlane v12, v11  }
0x145: {  	[tilespmem:s0], [sflag:$0x1] =	stream.indirect_vreg.gather [hbm4b:s5+s3], $0x80, v13, vm0, $0xb8;
	[tilespmem:$0x19620] =	vst v63  }
0x146: {  	v12 =	vadd.s32 v10, v12;
	s0 =	rddreg [dreg:$0x1f]  }
0x147: {  	[tilespmem:s23], [sflag:$0x1] =	stream.indirect_vreg.gather [hbm4b:s6+s3], $0x80, v13, vm0, $0xb8;
	[tilespmem:$0x19620] =	vst v63  }
0x148: {  	s23 =	sld [smem:$0x7ED]  }
0x149: {  	[tilespmem:s0], [sflag:$0x1] =	stream.indirect_vreg.gather [hbm4b:s7+s3], $0x80, v13, vm0, $0xb8;
	[tilespmem:$0x19620] =	vst v63  }
0x14a: {  	s0 =	sld [smem:$0x7EE]  }
0x14b: {  	[tilespmem:s23], [sflag:$0x1] =	stream.indirect_vreg.gather [hbm4b:s5+s3], $0x80, v12, vm0, $0xb8;
	[tilespmem:$0x19620] =	vst v63  }
0x14c: {  	s23 =	sld [smem:$0x7EF]  }
0x14d: {  	[tilespmem:s0], [sflag:$0x1] =	stream.indirect_vreg.gather [hbm4b:s6+s3], $0x80, v12, vm0, $0xb8;
	[tilespmem:$0x19620] =	vst v63  }
0x14e: {  	_ = 	snop  }
0x14f: {  	[tilespmem:s23], [sflag:$0x1] =	stream.indirect_vreg.gather [hbm4b:s7+s3], $0x80, v12, vm0, $0xb8;
	[tilespmem:$0x19620] =	vst v63  }
0x150: {  	v12 =	vld [tilespmem:$0xD00];
	_ =	sdelay $0x4  }
0x151: {  	v60 =	vshrl.u32 v12, $0x3  }
0x152: {  	v13 =	vmul.u32 $0x30, v60  }
0x153: {  	v12 =	vand.u32 $0x7, v12  }
0x154: {  	v12 =	vor.u32 v12, v13  }
0x155: {  	v13 =	vperm.xlane v12, v9;
	_ =	sdelay $0x1  }
0x156: {  	v13 =	vadd.s32 v10, v13;
	_ =	sdelay $0x3  }
0x157: {  	s0 =	sld [smem:$0x7F0];
	v12 =	vperm.xlane v12, v11  }
0x158: {  	[tilespmem:s22], [sflag:$0x2] =	stream.indirect_vreg.gather [hbm4b:s5+s3], $0x80, v13, vm0, $0xb8;
	[tilespmem:$0x19620] =	vst v63  }
0x159: {  	s23 =	sld [smem:$0x7F1];
	v12 =	vadd.s32 v10, v12  }
0x15a: {  	[tilespmem:s0], [sflag:$0x2] =	stream.indirect_vreg.gather [hbm4b:s6+s3], $0x80, v13, vm0, $0xb8;
	[tilespmem:$0x19620] =	vst v63  }
0x15b: {  	s0 =	sld [smem:$0x7F2]  }
0x15c: {  	[tilespmem:s23], [sflag:$0x2] =	stream.indirect_vreg.gather [hbm4b:s7+s3], $0x80, v13, vm0, $0xb8;
	[tilespmem:$0x19620] =	vst v63  }
0x15d: {  	s23 =	sld [smem:$0x7F3]  }
0x15e: {  	[tilespmem:s0], [sflag:$0x2] =	stream.indirect_vreg.gather [hbm4b:s5+s3], $0x80, v12, vm0, $0xb8;
	[tilespmem:$0x19620] =	vst v63  }
0x15f: {  	s0 =	sld [smem:$0x7F4]  }
0x160: {  	[tilespmem:s23], [sflag:$0x2] =	stream.indirect_vreg.gather [hbm4b:s6+s3], $0x80, v12, vm0, $0xb8;
	[tilespmem:$0x19620] =	vst v63  }
0x161: {  	_ = 	snop  }
0x162: {  	[tilespmem:s0], [sflag:$0x2] =	stream.indirect_vreg.gather [hbm4b:s7+s3], $0x80, v12, vm0, $0xb8;
	[tilespmem:$0x19620] =	vst v63  }
0x163: {  	v12 =	vld [tilespmem:$0xD10];
	_ =	sdelay $0x4  }
0x164: {  	v61 =	vshrl.u32 v12, $0x3  }
0x165: {  	v13 =	vmul.u32 $0x30, v61  }
0x166: {  	v12 =	vand.u32 $0x7, v12  }
0x167: {  	v12 =	vor.u32 v12, v13  }
0x168: {  	v13 =	vperm.xlane v12, v9;
	_ =	sdelay $0x1  }
0x169: {  	v13 =	vadd.s32 v10, v13;
	_ =	sdelay $0x1  }
0x16a: {  	s0 =	sld [smem:$0x7F5];
	_ =	sdelay $0x1  }
0x16b: {  	s23 =	sld [smem:$0x7F6];
	v12 =	vperm.xlane v12, v11  }
0x16c: {  	[tilespmem:s0], [sflag:$0x2] =	stream.indirect_vreg.gather [hbm4b:s5+s3], $0x80, v13, vm0, $0xb8;
	[tilespmem:$0x19620] =	vst v63  }
0x16d: {  	v12 =	vadd.s32 v10, v12;
	s0 =	sld [smem:$0x7F7]  }
0x16e: {  	[tilespmem:s23], [sflag:$0x2] =	stream.indirect_vreg.gather [hbm4b:s6+s3], $0x80, v13, vm0, $0xb8;
	[tilespmem:$0x19620] =	vst v63  }
0x16f: {  	s23 =	sld [smem:$0x7F8]  }
0x170: {  	[tilespmem:s0], [sflag:$0x2] =	stream.indirect_vreg.gather [hbm4b:s7+s3], $0x80, v13, vm0, $0xb8;
	[tilespmem:$0x19620] =	vst v63  }
0x171: {  	s0 =	sld [smem:$0x7F9]  }
0x172: {  	[tilespmem:s23], [sflag:$0x2] =	stream.indirect_vreg.gather [hbm4b:s5+s3], $0x80, v12, vm0, $0xb8;
	[tilespmem:$0x19620] =	vst v63  }
0x173: {  	s23 =	sld [smem:$0x7FA]  }
0x174: {  	[tilespmem:s0], [sflag:$0x2] =	stream.indirect_vreg.gather [hbm4b:s6+s3], $0x80, v12, vm0, $0xb8;
	[tilespmem:$0x19620] =	vst v63  }
0x175: {  	_ = 	snop  }
0x176: {  	[tilespmem:s23], [sflag:$0x2] =	stream.indirect_vreg.gather [hbm4b:s7+s3], $0x80, v12, vm0, $0xb8;
	[tilespmem:$0x19620] =	vst v63  }
0x177: {  	v12 =	vld [tilespmem:$0xD20];
	_ =	sdelay $0x4  }
0x178: {  	v62 =	vshrl.u32 v12, $0x3  }
0x179: {  	v13 =	vmul.u32 $0x30, v62  }
0x17a: {  	v12 =	vand.u32 $0x7, v12  }
0x17b: {  	v12 =	vor.u32 v12, v13  }
0x17c: {  	v13 =	vperm.xlane v12, v9;
	_ =	sdelay $0x1  }
0x17d: {  	v13 =	vadd.s32 v10, v13;
	_ =	sdelay $0x1  }
0x17e: {  	s0 =	sld [smem:$0x7FB];
	_ =	sdelay $0x1  }
0x17f: {  	s23 =	sld [smem:$0x7FC];
	v12 =	vperm.xlane v12, v11  }
0x180: {  	[tilespmem:s0], [sflag:$0x2] =	stream.indirect_vreg.gather [hbm4b:s5+s3], $0x80, v13, vm0, $0xb8;
	[tilespmem:$0x19620] =	vst v63  }
0x181: {  	v12 =	vadd.s32 v10, v12;
	s0 =	sld [smem:$0x7FD]  }
0x182: {  	[tilespmem:s23], [sflag:$0x2] =	stream.indirect_vreg.gather [hbm4b:s6+s3], $0x80, v13, vm0, $0xb8;
	[tilespmem:$0x19620] =	vst v63  }
0x183: {  	_ = 	snop  }
0x184: {  	[tilespmem:s0], [sflag:$0x2] =	stream.indirect_vreg.gather [hbm4b:s7+s3], $0x80, v13, vm0, $0xb8;
	[tilespmem:$0x19620] =	vst v63  }
0x185: {  	s23 =	simm.s32 $0x14580  }
0x186: {  	[tilespmem:s23], [sflag:$0x2] =	stream.indirect_vreg.gather [hbm4b:s5+s3], $0x80, v12, vm0, $0xb8;
	[tilespmem:$0x19620] =	vst v63  }
0x187: {  	_ = 	snop  }
0x188: {  	[tilespmem:s24], [sflag:$0x2] =	stream.indirect_vreg.gather [hbm4b:s6+s3], $0x80, v12, vm0, $0xb8;
	[tilespmem:$0x19620] =	vst v63  }
0x189: {  	_ = 	snop  }
0x18a: {  	[tilespmem:s25], [sflag:$0x2] =	stream.indirect_vreg.gather [hbm4b:s7+s3], $0x80, v12, vm0, $0xb8;
	[tilespmem:$0x19620] =	vst v63  }
0x18b: {  	v12 =	vld [tilespmem:$0xD30];
	_ =	sdelay $0x4  }
0x18c: {  	v63 =	vshrl.u32 v12, $0x3  }
0x18d: {  	v13 =	vmul.u32 $0x30, v63  }
0x18e: {  	v12 =	vand.u32 $0x7, v12  }
0x18f: {  	v12 =	vor.u32 v12, v13  }
0x190: {  	v13 =	vperm.xlane v12, v9;
	_ =	sdelay $0x1  }
0x191: {  	v13 =	vadd.s32 v10, v13;
	_ =	sdelay $0x3  }
0x192: {  	v12 =	vperm.xlane v12, v11  }
0x193: {  	[tilespmem:s26], [sflag:$0x2] =	stream.indirect_vreg.gather [hbm4b:s5+s3], $0x80, v13, vm0, $0xb8;
	[tilespmem:$0x19620] =	vst v63  }
0x194: {  	v12 =	vadd.s32 v10, v12  }
0x195: {  	[tilespmem:s28], [sflag:$0x2] =	stream.indirect_vreg.gather [hbm4b:s6+s3], $0x80, v13, vm0, $0xb8;
	[tilespmem:$0x19620] =	vst v63  }
0x196: {  	_ = 	snop  }
0x197: {  	[tilespmem:s29], [sflag:$0x2] =	stream.indirect_vreg.gather [hbm4b:s7+s3], $0x80, v13, vm0, $0xb8;
	[tilespmem:$0x19620] =	vst v63  }
0x198: {  	_ = 	snop  }
0x199: {  	[tilespmem:s30], [sflag:$0x2] =	stream.indirect_vreg.gather [hbm4b:s5+s3], $0x80, v12, vm0, $0xb8;
	[tilespmem:$0x19620] =	vst v63  }
0x19a: {  	_ = 	snop  }
0x19b: {  	[tilespmem:s31], [sflag:$0x2] =	stream.indirect_vreg.gather [hbm4b:s6+s3], $0x80, v12, vm0, $0xb8;
	[tilespmem:$0x19620] =	vst v63  }
0x19c: {  	_ = 	snop  }
0x19d: {  	[tilespmem:s1], [sflag:$0x2] =	stream.indirect_vreg.gather [hbm4b:s7+s3], $0x80, v12, vm0, $0xb8;
	[tilespmem:$0x19620] =	vst v63  }
0x19e: {  	_ =	swait.ge [sflag:s14], $0xC000  }
0x19f: {  	[sflag:s14] =	ssyncset.done $0x0  }
0x1a0: {  	s23 =	rddreg [dreg:$0x8];
	[sflag:s14] =	ssyncadd.s32 $0xFFFF4000  }
0x1a1: {  	[hbm4b:s23+s3] =	stream.linear.scatter [tilespmem:s21], [sflag:$0x5], $0xC000, $0x38;
	[tilespmem:$0x19620] =	vst v63  }
0x1a2: {  	_ =	swait.ge [sflag:s13], $0xC000  }
0x1a3: {  	[sflag:s13] =	ssyncset.done $0x0  }
0x1a4: {  	[sflag:s13] =	ssyncadd.s32 $0xFFFF4000  }
0x1a5: {  	_ =	swait.ge [sflag:s17], $0xC000  }
0x1a6: {  	p0 =	sne.s32 s8, $0x1;
	[sflag:s17] =	ssyncset.done $0x0  }
.Ltmp0:
0x1a7: {  	s23 =	rddreg [dreg:$0x9];
	[sflag:s17] =	ssyncadd.s32 $0xFFFF4000;
	(pc) =	sbr.rel @p0 .LBB2_1-.Ltmp0, $4  }
0x1a8: {  	[hbm4b:s23+s3] =	stream.linear.scatter [tilespmem:s22], [sflag:$0x5], $0xC000, $0x38;
	[tilespmem:$0x19620] =	vst v63  }
0x1a9: {  	_ =	swait.ge [sflag:s13], $0xC000  }
0x1aa: {  	[sflag:s13] =	ssyncset.done $0x0  }
0x1ab: {  	s8 =	sadd.s32 $0xFFFFFFFF, s8;
	[sflag:s13] =	ssyncadd.s32 $0xFFFF4000  }
0x1ac: {  	_ =	sfence.sel $0x180000  }
0x1ad: {  	[bflag:$0x0] =	sbarrier.arrive $0xFFFF  }
0x1ae: {  	_ =	strace $0x90000047  }
0x1af: {  	s0 =	stileid.u32;
	[bflag:$0x2] =	sbarrier.arrive $0xFFFF  }
0x1b0: {  	p0 =	sne.s32 s0, $0x0;
	s0 =	rddreg [dreg:$0x3]  }
0x1b1: {  	s0 =	sadd.s32 @!p0 $0x100000, s0  }
0x1b2: {  	[sflag:s0] =	ssyncadd.tile.s32 @!p0 $0x1;
	_ =	shalt  }
.Lfunc_end2:
_tile_overlayer_lowered:
.L_overlay_start_2:
0x1b3: {  	(tag) =	ssettag $0x2  }
0x1b4: {  	s0 =	rddreg [dreg:$0x0];
	s2 =	stileid.u32  }
0x1b5: {  	s1 =	rddreg [dreg:$0x1];
	p0 =	sne.s32 s2, $0x0  }
0x1b6: {  	s3 =	rddreg [dreg:$0x2];
	[bflag:$0x3] =	sbarrier.arrive $0xFFFF;
	s2 =	simm.s32 @!p0 $0x1C05  }
0x1b7: {  	[timem:s3], [sflag:s2] =	dma.local @!p0 [hbm:s0], s1  }
0x1b8: {  	s0 =	simm.s32 @!p0 $0x5  }
0x1b9: {  	_ =	swait.ge @!p0 [sflag:s0], s1  }
0x1ba: {  	s1 =	ssub.s32 @!p0 $0x0, s1;
	[sflag:s0] =	ssyncset.done @!p0 $0x0  }
0x1bb: {  	[sflag:s0] =	ssyncadd.s32 @!p0 s1  }
0x1bc: {  	[bflag:$0x3] =	sbarrier.arrive $0xFFFF  }
0x1bd: {  	_ =	shalt  }

</sc_bundles>
